<compile_context>
chip_gen: v7x
topology: tpu7x:2x2x1
jax: 0.10.2.dev20260603
libtpu: 0.0.44.dev20260713+nightly
codegen_flags: <defaults>
</compile_context>

<pallas_src>
import jax
import jax.numpy as jnp
from jax import lax
from jax.experimental import pallas as pl
from jax.experimental.pallas import tpu as pltpu
from jax.experimental.pallas import tpu_sc as plsc

N = 10000
E = 160000
DIN = 256
DH = 512
DOUT = 128
DE = 50
DT = 50

NCORE = 2
NSUB = 16
K = 128
CHUNKS = 40
E_PAD = NCORE * NSUB * CHUNKS * K
N_PAD = 10240
ROWS_PER_SUB = N_PAD // NSUB
EB = 1024
RB = 1000
GRID_E = E_PAD // EB
GRID_N = N // RB



K2 = 64
CHUNKS2 = CHUNKS * K // K2
NBUF = 3


def _gather_pipeline(mk, scatter_idx, acc, bufs, sems):
    for b in range(NBUF):
        mk(b, bufs[b], sems[b]).start()

    def step(j, carry):
        b = lax.rem(j, NBUF)
        for bi in range(NBUF):
            @pl.when(b == bi)
            def _():
                mk(0, bufs[bi], sems[bi]).wait()
                pltpu.sync_copy(bufs[bi], acc.at[scatter_idx(j)], add=True)
                mk(j + NBUF, bufs[bi], sems[bi]).start()
        return carry

    lax.fori_loop(0, CHUNKS2 - NBUF, step, 0)
    for k in range(NBUF):
        j = CHUNKS2 - NBUF + k
        bi = j % NBUF
        mk(0, bufs[bi], sems[bi]).wait()
        pltpu.sync_copy(bufs[bi], acc.at[scatter_idx(jnp.int32(j))], add=True)


def _scx_body(x2, se4, so4, dst4, zblk,
              pX0, pX1,
              acc, idx_all, dst_all, b0, b1, b2, s0, s1, s2):
    c = lax.axis_index("c")
    s = lax.axis_index("s")
    r0 = s * ROWS_PER_SUB
    bufs = (b0, b1, b2)
    sems = (s0, s1, s2)
    pltpu.sync_copy(dst4.at[c, s], dst_all)

    def seg_task(src4, out_ref):
        pltpu.sync_copy(src4.at[c, s], idx_all)
        pltpu.sync_copy(zblk, acc.at[pl.ds(r0, ROWS_PER_SUB)])
        plsc.subcore_barrier()
        _gather_pipeline(
            lambda j, b, sx: pltpu.make_async_copy(x2.at[idx_all.at[j]], b, sx),
            lambda j: dst_all.at[j], acc, bufs, sems)
        plsc.subcore_barrier()
        pltpu.sync_copy(acc.at[pl.ds(r0, ROWS_PER_SUB)],
                        out_ref.at[c, pl.ds(r0, ROWS_PER_SUB)])
        plsc.subcore_barrier()

    seg_task(se4, pX0)
    seg_task(so4, pX1)


def _scf_body(f5, dst4, z32, pF,
              acc32, dst_all, r32, r32b, sem, sem2):
    c = lax.axis_index("c")
    s = lax.axis_index("s")
    r0 = s * ROWS_PER_SUB
    pltpu.sync_copy(dst4.at[c, s], dst_all)
    pltpu.sync_copy(z32, acc32.at[pl.ds(r0, ROWS_PER_SUB)])
    plsc.subcore_barrier()

    def gather(j, b, sx):
        return pltpu.async_copy(f5.at[c, s, j], b, sx)

    gather(0, r32, sem).wait()

    def pair(jj, carry):
        j = 2 * jj
        cpb = gather(j + 1, r32b, sem2)
        pltpu.sync_copy(r32, acc32.at[dst_all.at[j]], add=True)
        cpb.wait()
        jn = jnp.minimum(j + 2, CHUNKS - 1)
        cpa = gather(jn, r32, sem)
        pltpu.sync_copy(r32b, acc32.at[dst_all.at[j + 1]], add=True)
        cpa.wait()
        return carry

    lax.fori_loop(0, CHUNKS // 2, pair, 0)
    plsc.subcore_barrier()
    pltpu.sync_copy(acc32.at[pl.ds(r0, ROWS_PER_SUB)],
                    pF.at[c, pl.ds(r0, ROWS_PER_SUB)])
    plsc.subcore_barrier()


def _sc2_body(p2, sr4, dst4, zblk, pP,
              acc, idx_all, dst_all, b0, b1, b2, s0, s1, s2):
    c = lax.axis_index("c")
    s = lax.axis_index("s")
    r0 = s * ROWS_PER_SUB
    bufs = (b0, b1, b2)
    sems = (s0, s1, s2)
    pltpu.sync_copy(dst4.at[c, s], dst_all)
    pltpu.sync_copy(sr4.at[c, s], idx_all)
    pltpu.sync_copy(zblk, acc.at[pl.ds(r0, ROWS_PER_SUB)])
    plsc.subcore_barrier()
    _gather_pipeline(
        lambda j, b, sx: pltpu.make_async_copy(p2.at[idx_all.at[j]], b, sx),
        lambda j: dst_all.at[j], acc, bufs, sems)
    plsc.subcore_barrier()
    pltpu.sync_copy(acc.at[pl.ds(r0, ROWS_PER_SUB)],
                    pP.at[c, pl.ds(r0, ROWS_PER_SUB)])
    plsc.subcore_barrier()


def _make_scx():
    mesh = plsc.VectorSubcoreMesh(core_axis_name="c", subcore_axis_name="s")
    out_type = [
        jax.ShapeDtypeStruct((NCORE, N_PAD, 128), jnp.float32),
        jax.ShapeDtypeStruct((NCORE, N_PAD, 128), jnp.float32),
    ]
    scratch = [
        pltpu.VMEM_SHARED((N_PAD, 128), jnp.float32),
        pltpu.VMEM((CHUNKS2, K2), jnp.int32),
        pltpu.VMEM((CHUNKS2, K2), jnp.int32),
        pltpu.VMEM((K2, 128), jnp.float32),
        pltpu.VMEM((K2, 128), jnp.float32),
        pltpu.VMEM((K2, 128), jnp.float32),
        pltpu.SemaphoreType.DMA,
        pltpu.SemaphoreType.DMA,
        pltpu.SemaphoreType.DMA,
    ]
    return pl.kernel(_scx_body, out_type=out_type, mesh=mesh,
                     scratch_types=scratch)


def _make_scf():
    mesh = plsc.VectorSubcoreMesh(core_axis_name="c", subcore_axis_name="s")
    out_type = [jax.ShapeDtypeStruct((NCORE, N_PAD, 32), jnp.float32)]
    scratch = [
        pltpu.VMEM_SHARED((N_PAD, 32), jnp.float32),
        pltpu.VMEM((CHUNKS, K), jnp.int32),
        pltpu.VMEM((K, 32), jnp.float32),
        pltpu.VMEM((K, 32), jnp.float32),
        pltpu.SemaphoreType.DMA,
        pltpu.SemaphoreType.DMA,
    ]
    return pl.kernel(_scf_body, out_type=out_type, mesh=mesh,
                     scratch_types=scratch)


def _make_sc2():
    mesh = plsc.VectorSubcoreMesh(core_axis_name="c", subcore_axis_name="s")
    out_type = [jax.ShapeDtypeStruct((NCORE, N_PAD, 128), jnp.float32)]
    scratch = [
        pltpu.VMEM_SHARED((N_PAD, 128), jnp.float32),
        pltpu.VMEM((CHUNKS2, K2), jnp.int32),
        pltpu.VMEM((CHUNKS2, K2), jnp.int32),
        pltpu.VMEM((K2, 128), jnp.float32),
        pltpu.VMEM((K2, 128), jnp.float32),
        pltpu.VMEM((K2, 128), jnp.float32),
        pltpu.SemaphoreType.DMA,
        pltpu.SemaphoreType.DMA,
        pltpu.SemaphoreType.DMA,
    ]
    return pl.kernel(_sc2_body, out_type=out_type, mesh=mesh,
                     scratch_types=scratch)



def _feat_body(t_ref, a_ref, d_ref, eye_ref, f_ref):
    t = t_ref[0]
    rows = [jnp.ones_like(t)]
    for _ in range(11):
        rows.append(rows[-1] * t)
    ia = lax.broadcasted_iota(jnp.int32, (12, 1), 0)
    idd = lax.broadcasted_iota(jnp.int32, (2, 1), 0)
    oh_a = (a_ref[0] == ia).astype(jnp.float32)
    oh_d = (d_ref[0] == idd).astype(jnp.float32)
    z = jnp.zeros((6, t.shape[1]), jnp.float32)
    smat = jnp.concatenate(rows + [oh_a, oh_d, z], axis=0)
    dn = (((0,), (0,)), ((), ()))
    f_ref[...] = lax.dot_general(smat, eye_ref[...], dn,
                                 preferred_element_type=jnp.float32)


def _dense0_body(x_ref, pf_ref, px0_ref, px1_ref, wh0_ref, wh1_ref,
                 wf0_ref, wr_ref, bias_ref, out_ref, s_ref, ss_ref):
    i = pl.program_id(0)
    sf = pf_ref[0] + pf_ref[1]
    sx0 = px0_ref[0] + px0_ref[1]
    sx1 = px1_ref[0] + px1_ref[1]
    inv = 1.0 / jnp.maximum(sf[:, 0:1], 1.0)
    out = jnp.dot(sx0 * inv, wh0_ref[...], preferred_element_type=jnp.float32)
    out += jnp.dot(sx1 * inv, wh1_ref[...], preferred_element_type=jnp.float32)
    out += jnp.dot(sf * inv, wf0_ref[...], preferred_element_type=jnp.float32)
    out += jnp.dot(x_ref[...], wr_ref[...], preferred_element_type=jnp.float32)
    out += bias_ref[...]
    out_ref[...] = out

    @pl.when(i == 0)
    def _():
        s_ref[...] = jnp.zeros_like(s_ref)
        ss_ref[...] = jnp.zeros_like(ss_ref)

    s_ref[...] += jnp.sum(out, axis=0, keepdims=True)
    ss_ref[...] += jnp.sum(out * out, axis=0, keepdims=True)


def _bn_elu_p_body(out_ref, s_ref, ss_ref, g_ref, b_ref, w1h_ref,
                   h_ref, p_ref):
    m = s_ref[...] / N
    v = ss_ref[...] / N - m * m
    xn = (out_ref[...] - m) * lax.rsqrt(v + 1e-5) * g_ref[...] + b_ref[...]
    h = jnp.where(xn > 0, xn, jnp.exp(xn) - 1.0)
    h_ref[...] = h
    p_ref[...] = jnp.dot(h, w1h_ref[...], preferred_element_type=jnp.float32)


def _dense1_body(h_ref, pf_ref, pp_ref, wf1_ref, wr1_ref,
                 bias_ref, out_ref, s_ref, ss_ref):
    i = pl.program_id(0)
    sf = pf_ref[0] + pf_ref[1]
    sp = pp_ref[0] + pp_ref[1]
    inv = 1.0 / jnp.maximum(sf[:, 0:1], 1.0)
    out = sp * inv
    out += jnp.dot(sf * inv, wf1_ref[...], preferred_element_type=jnp.float32)
    out += jnp.dot(h_ref[...], wr1_ref[...], preferred_element_type=jnp.float32)
    out += bias_ref[...]
    out_ref[...] = out

    @pl.when(i == 0)
    def _():
        s_ref[...] = jnp.zeros_like(s_ref)
        ss_ref[...] = jnp.zeros_like(ss_ref)

    s_ref[...] += jnp.sum(out, axis=0, keepdims=True)
    ss_ref[...] += jnp.sum(out * out, axis=0, keepdims=True)


def _bn_elu_lsm_body(out_ref, s_ref, ss_ref, g_ref, b_ref, y_ref):
    m = s_ref[...] / N
    v = ss_ref[...] / N - m * m
    xn = (out_ref[...] - m) * lax.rsqrt(v + 1e-5) * g_ref[...] + b_ref[...]
    h = jnp.where(xn > 0, xn, jnp.exp(xn) - 1.0)
    mx = jnp.max(h, axis=1, keepdims=True)
    z = h - mx
    lse = jnp.log(jnp.sum(jnp.exp(z), axis=1, keepdims=True))
    y_ref[...] = z - lse



def kernel(x, edge_index, edge_attr, edge_t, edge_d, emb_type, emb_dir, t_w,
           t_b, l0_wl, l0_bl, l0_wr, l0_br, g0, b0, l1_wl, l1_bl, l1_wr,
           l1_br, g1, b1):
    f32 = jnp.float32

    src = edge_index[0].astype(jnp.int32)
    dst = edge_index[1].astype(jnp.int32)
    nw = NCORE * NSUB
    per_w = E // nw
    pad_w = CHUNKS * K - per_w
    pad_src = (jnp.arange(nw * pad_w, dtype=jnp.int32) * 83) % N
    pad_dst = N + jnp.arange(nw * pad_w, dtype=jnp.int32) % (N_PAD - N)

    def interleave(real, pad):
        return jnp.concatenate(
            [real.reshape(nw, per_w), pad.reshape(nw, pad_w)], axis=1
        ).reshape(NCORE, NSUB, CHUNKS, K)

    src4 = interleave(src, pad_src)
    dst4 = interleave(dst, pad_dst)
    shp2 = (NCORE, NSUB, CHUNKS2, K2)
    src4b = src4.reshape(shp2)
    dst4b = dst4.reshape(shp2)
    src_even = src4b * 2
    src_odd = src4b * 2 + 1
    zpad_f = jnp.zeros((nw * pad_w,), f32)
    zpad_i = jnp.zeros((nw * pad_w,), jnp.int32)
    t_pad = interleave(edge_t.astype(f32), zpad_f).reshape(GRID_E, 1, EB)
    a_pad = interleave(edge_attr.astype(jnp.int32), zpad_i) \
        .reshape(GRID_E, 1, EB)
    d_pad = interleave(edge_d.astype(jnp.int32), zpad_i) \
        .reshape(GRID_E, 1, EB)

    x2 = x.astype(f32).reshape(2 * N, 128)

    marr = jnp.arange(16, dtype=f32).reshape(16, 1)
    fact = jnp.cumprod(jnp.maximum(jnp.arange(16, dtype=f32), 1.0)) \
        .reshape(16, 1)
    twf = t_w.astype(f32).reshape(1, DT)
    tbf = t_b.astype(f32).reshape(1, DT)
    wpoly = (twf ** marr) * jnp.cos(tbf + marr * (jnp.pi / 2)) / fact
    wpoly = wpoly[:12]

    def wfeat(wl_ef, wl_et, dout):
        w = jnp.zeros((32, dout), f32)
        w = w.at[:12].set(wpoly @ wl_et.T.astype(f32))
        w = w.at[12:24].set(emb_type.astype(f32) @ wl_ef.T.astype(f32))
        w = w.at[24:26].set(emb_dir.astype(f32) @ wl_ef.T.astype(f32))
        return w

    wh0 = l0_wl[:, 0:128].T.astype(f32)
    wh1 = l0_wl[:, 128:256].T.astype(f32)
    wf0 = wfeat(l0_wl[:, DIN:DIN + DE], l0_wl[:, DIN + DE:DIN + DE + DT], DH)
    wr0 = l0_wr.T.astype(f32)
    bias0 = (l0_bl + l0_br).reshape(1, DH).astype(f32)
    w1h = l1_wl[:, :DH].T.astype(f32)
    wf1 = wfeat(l1_wl[:, DH:DH + DE], l1_wl[:, DH + DE:DH + DE + DT], DOUT)
    wr1 = l1_wr.T.astype(f32)
    bias1 = (l1_bl + l1_br).reshape(1, DOUT).astype(f32)
    g0r = g0.reshape(1, DH).astype(f32)
    b0r = b0.reshape(1, DH).astype(f32)
    g1r = g1.reshape(1, DOUT).astype(f32)
    b1r = b1.reshape(1, DOUT).astype(f32)

    zblk = jnp.zeros((ROWS_PER_SUB, 128), f32)
    z32 = jnp.zeros((ROWS_PER_SUB, 32), f32)
    eye32 = jnp.eye(32, dtype=f32)

    full = lambda shape: pl.BlockSpec(shape, lambda i: (0,) * len(shape))
    feat = pl.pallas_call(
        _feat_body,
        grid=(GRID_E,),
        in_specs=[
            pl.BlockSpec((1, 1, EB), lambda i: (i, 0, 0)),
            pl.BlockSpec((1, 1, EB), lambda i: (i, 0, 0)),
            pl.BlockSpec((1, 1, EB), lambda i: (i, 0, 0)),
            full((32, 32)),
        ],
        out_specs=pl.BlockSpec((EB, 32), lambda i: (i, 0)),
        out_shape=jax.ShapeDtypeStruct((E_PAD, 32), f32),
    )
    F = feat(t_pad, a_pad, d_pad, eye32)
    F5 = F.reshape(NCORE, NSUB, CHUNKS, K, 32)

    (pF,) = _make_scf()(F5, dst4, z32)
    pX0, pX1 = _make_scx()(x2, src_even, src_odd, dst4b, zblk)

    dense0 = pl.pallas_call(
        _dense0_body,
        grid=(GRID_N,),
        in_specs=[
            pl.BlockSpec((RB, DIN), lambda i: (i, 0)),
            pl.BlockSpec((NCORE, RB, 32), lambda i: (0, i, 0)),
            pl.BlockSpec((NCORE, RB, 128), lambda i: (0, i, 0)),
            pl.BlockSpec((NCORE, RB, 128), lambda i: (0, i, 0)),
            full((128, DH)), full((128, DH)), full((32, DH)),
            full((DIN, DH)), full((1, DH)),
        ],
        out_specs=[
            pl.BlockSpec((RB, DH), lambda i: (i, 0)),
            pl.BlockSpec((1, DH), lambda i: (0, 0)),
            pl.BlockSpec((1, DH), lambda i: (0, 0)),
        ],
        out_shape=[
            jax.ShapeDtypeStruct((N, DH), f32),
            jax.ShapeDtypeStruct((1, DH), f32),
            jax.ShapeDtypeStruct((1, DH), f32),
        ],
    )
    out0, s0, ss0 = dense0(x.astype(f32), pF, pX0, pX1, wh0, wh1,
                           wf0, wr0, bias0)

    bn0 = pl.pallas_call(
        _bn_elu_p_body,
        grid=(GRID_N,),
        in_specs=[
            pl.BlockSpec((RB, DH), lambda i: (i, 0)),
            full((1, DH)), full((1, DH)), full((1, DH)), full((1, DH)),
            full((DH, DOUT)),
        ],
        out_specs=[
            pl.BlockSpec((RB, DH), lambda i: (i, 0)),
            pl.BlockSpec((RB, DOUT), lambda i: (i, 0)),
        ],
        out_shape=[
            jax.ShapeDtypeStruct((N, DH), f32),
            jax.ShapeDtypeStruct((N, DOUT), f32),
        ],
    )
    h, p = bn0(out0, s0, ss0, g0r, b0r, w1h)

    sc2 = _make_sc2()
    (pP,) = sc2(p, src4b, dst4b, zblk)

    dense1 = pl.pallas_call(
        _dense1_body,
        grid=(GRID_N,),
        in_specs=[
            pl.BlockSpec((RB, DH), lambda i: (i, 0)),
            pl.BlockSpec((NCORE, RB, 32), lambda i: (0, i, 0)),
            pl.BlockSpec((NCORE, RB, 128), lambda i: (0, i, 0)),
            full((32, DOUT)), full((DH, DOUT)), full((1, DOUT)),
        ],
        out_specs=[
            pl.BlockSpec((RB, DOUT), lambda i: (i, 0)),
            pl.BlockSpec((1, DOUT), lambda i: (0, 0)),
            pl.BlockSpec((1, DOUT), lambda i: (0, 0)),
        ],
        out_shape=[
            jax.ShapeDtypeStruct((N, DOUT), f32),
            jax.ShapeDtypeStruct((1, DOUT), f32),
            jax.ShapeDtypeStruct((1, DOUT), f32),
        ],
    )
    out1, s1, ss1 = dense1(h, pF, pP, wf1, wr1, bias1)

    bn1 = pl.pallas_call(
        _bn_elu_lsm_body,
        grid=(GRID_N,),
        in_specs=[
            pl.BlockSpec((RB, DOUT), lambda i: (i, 0)),
            full((1, DOUT)), full((1, DOUT)), full((1, DOUT)), full((1, DOUT)),
        ],
        out_specs=pl.BlockSpec((RB, DOUT), lambda i: (i, 0)),
        out_shape=jax.ShapeDtypeStruct((N, DOUT), f32),
    )
    return bn1(out1, s1, ss1, g1r, b1r)

# --- scband reference (transcript-rebuilt; emitter-appended) ---
"""Pipeline reference for scband-gearsage-30399778521249 (READ-ONLY COPY).

The authoritative reference and input builder live on the scoring server;
editing this copy changes nothing except your own understanding.
"""

import jax, jax.numpy as jnp
import numpy as np

N = 10000
E = 160000
DIN = 256
DH = 512
DOUT = 128
DE = 50
DT = 50


def _glorot(key, shape):
    fan_out, fan_in = shape
    lim = float(np.sqrt(6.0 / (fan_in + fan_out)))
    return jax.random.uniform(key, shape, minval=-lim, maxval=lim, dtype=jnp.float32)


def setup_inputs(seed: int = 0) -> dict:
    key = jax.random.key(seed)
    ks = jax.random.split(key, 16)
    x = jax.random.normal(ks[0], (N, DIN), dtype=jnp.float32)
    edge_index = jax.random.randint(ks[1], (2, E), 0, N, dtype=jnp.int64 if jax.config.jax_enable_x64 else jnp.int32)
    edge_attr = jax.random.randint(ks[2], (E,), 0, 12)
    edge_t = jax.random.uniform(ks[3], (E,), dtype=jnp.float32)
    edge_d = jax.random.randint(ks[4], (E,), 0, 2)
    emb_type = _glorot(ks[5], (12, DE))
    emb_dir = _glorot(ks[6], (2, DE))
    t_w = jnp.asarray(1.0 / 10 ** np.linspace(0, 9, DT), dtype=jnp.float32)
    t_b = jnp.zeros((DT,), jnp.float32)
    in0 = DIN + DE + DT
    in1 = DH + DE + DT
    l0_wl = _glorot(ks[7], (DH, in0)); l0_bl = jnp.zeros((DH,), jnp.float32)
    l0_wr = _glorot(ks[8], (DH, DIN)); l0_br = jnp.zeros((DH,), jnp.float32)
    l1_wl = _glorot(ks[9], (DOUT, in1)); l1_bl = jnp.zeros((DOUT,), jnp.float32)
    l1_wr = _glorot(ks[10], (DOUT, DH)); l1_br = jnp.zeros((DOUT,), jnp.float32)
    g0 = jnp.ones((DH,), jnp.float32); b0 = jnp.zeros((DH,), jnp.float32)
    g1 = jnp.ones((DOUT,), jnp.float32); b1 = jnp.zeros((DOUT,), jnp.float32)
    return {"x": x, "edge_index": edge_index, "edge_attr": edge_attr, "edge_t": edge_t,
            "edge_d": edge_d, "emb_type": emb_type, "emb_dir": emb_dir, "t_w": t_w, "t_b": t_b,
            "l0_wl": l0_wl, "l0_bl": l0_bl, "l0_wr": l0_wr, "l0_br": l0_br, "g0": g0, "b0": b0,
            "l1_wl": l1_wl, "l1_bl": l1_bl, "l1_wr": l1_wr, "l1_br": l1_br, "g1": g1, "b1": b1}


def reference(x, edge_index, edge_attr, edge_t, edge_d, emb_type, emb_dir, t_w, t_b,
              l0_wl, l0_bl, l0_wr, l0_br, g0, b0, l1_wl, l1_bl, l1_wr, l1_br, g1, b1):
    # edge feature embedding: type + direction
    ef = jnp.take(emb_type, edge_attr, axis=0) + jnp.take(emb_dir, edge_d, axis=0)
    # TimeEncoder: cos(Linear(1->DT)(t))
    et = jnp.cos(edge_t[:, None] * t_w[None, :] + t_b[None, :])
    src = edge_index[0]
    dst = edge_index[1]

    def seg_mean(data, seg):
        s = jax.ops.segment_sum(data, seg, num_segments=N)
        c = jax.ops.segment_sum(jnp.ones((data.shape[0], 1), data.dtype), seg, num_segments=N)
        return s / jnp.maximum(c, 1.0)

    def sage_layer(h, wl, bl, wr, br, g, b):
        # message = concat(x_j, edge_attr_emb, time_enc); mean-aggregated at dst
        msg = jnp.concatenate([jnp.take(h, src, axis=0), ef, et], axis=-1)
        agg = seg_mean(msg, dst)
        out = agg @ wl.T + bl + h @ wr.T + br
        # BatchNorm1d (training-mode batch statistics, gamma/beta learned)
        m = out.mean(axis=0)
        v = out.var(axis=0)
        out = (out - m) / jnp.sqrt(v + 1e-5) * g + b
        return jax.nn.elu(out)

    h = sage_layer(x, l0_wl, l0_bl, l0_wr, l0_br, g0, b0)
    h = sage_layer(h, l1_wl, l1_bl, l1_wr, l1_br, g1, b1)
    return jax.nn.log_softmax(h, axis=-1)

if __name__ == "__main__":
    import jax
    _d = setup_inputs()
    print(jax.jit(kernel)(*tuple(_d.values())))

</pallas_src>

<mosaic_0001>
#map = affine_map<(d0, d1) -> (0, 0)>
#map1 = affine_map<(d0, d1) -> (0, 0, 0, 0)>
#map2 = affine_map<(d0, d1) -> (0, 0, 0)>
module attributes {stable_mosaic.version = 14 : i64} {
  func.func @_sc2_body(%arg0: i32, %arg1: i32, %arg2: memref<10000x128xf32, #tpu.memory_space<hbm>>, %arg3: memref<2x16x80x64xi32, #tpu.memory_space<hbm>>, %arg4: memref<2x16x80x64xi32, #tpu.memory_space<hbm>>, %arg5: memref<640x128xf32, #tpu.memory_space<hbm>>, %arg6: memref<2x10240x128xf32, #tpu.memory_space<hbm>>, %arg7: memref<10240x128xf32, #tpu.memory_space<vmem_shared>>, %arg8: memref<80x64xi32, #tpu.memory_space<vmem>>, %arg9: memref<80x64xi32, #tpu.memory_space<vmem>>, %arg10: memref<64x128xf32, #tpu.memory_space<vmem>>, %arg11: memref<64x128xf32, #tpu.memory_space<vmem>>, %arg12: memref<64x128xf32, #tpu.memory_space<vmem>>, %arg13: memref<!tpu.dma_semaphore, #tpu.memory_space<semaphore_mem>>, %arg14: memref<!tpu.dma_semaphore, #tpu.memory_space<semaphore_mem>>, %arg15: memref<!tpu.dma_semaphore, #tpu.memory_space<semaphore_mem>>) attributes {dimension_semantics = [#tpu.dimension_semantics<core_parallel>, #tpu.dimension_semantics<subcore_parallel>], iteration_bounds = array<i64: 2, 16>, scalar_prefetch = 0 : i64, scratch_operands = 9 : i64, tpu.core_type = #tpu.core_type<sc_vector_subcore>, window_params = [{transform_indices = #map}, {transform_indices = #map1}, {transform_indices = #map1}, {transform_indices = #map}, {transform_indices = #map2}]} {
    %mul3A = arith.constant 640 : i32
    %mul3A_0 = arith.muli %arg1, %mul3A : i32
    "tpu.region"() ({
      %run_scoped3A_50 = tpu.sem_alloc : memref<!tpu.dma_semaphore, #tpu.memory_space<semaphore_mem>>
      %dma_start3A_51 = arith.constant 0 : i32
      %dma_start3A_52 = arith.constant 0 : i32
      %dma_start3A_53 = tpu.memref_slice %arg4[%arg0, %arg1, %dma_start3A_51, %dma_start3A_52] : memref<2x16x80x64xi32, #tpu.memory_space<hbm>> -> memref<1x1x80x64xi32, #tpu.memory_space<hbm>>
      %dma_start3A_54 = tpu.memref_squeeze %dma_start3A_53 : memref<1x1x80x64xi32, #tpu.memory_space<hbm>> -> memref<80x64xi32, #tpu.memory_space<hbm>>
      %dma_start3A_55 = arith.constant 0 : i32
      %dma_start3A_56 = arith.constant 0 : i32
      %dma_start3A_57 = tpu.memref_slice %arg4[%arg0, %arg1, %dma_start3A_55, %dma_start3A_56] : memref<2x16x80x64xi32, #tpu.memory_space<hbm>> -> memref<1x1x80x64xi32, #tpu.memory_space<hbm>>
      %dma_start3A_58 = tpu.memref_squeeze %dma_start3A_57 : memref<1x1x80x64xi32, #tpu.memory_space<hbm>> -> memref<80x64xi32, #tpu.memory_space<hbm>>
      tpu.enqueue_dma source(%dma_start3A_58 : memref<80x64xi32, #tpu.memory_space<hbm>>) target(%arg9 : memref<80x64xi32, #tpu.memory_space<vmem>>) target_semaphore(%run_scoped3A_50 : memref<!tpu.dma_semaphore, #tpu.memory_space<semaphore_mem>>)
      %dma_wait3A_59 = arith.constant 0 : i32
      %dma_wait3A_60 = arith.constant 0 : i32
      %dma_wait3A_61 = tpu.memref_slice %arg4[%arg0, %arg1, %dma_wait3A_59, %dma_wait3A_60] : memref<2x16x80x64xi32, #tpu.memory_space<hbm>> -> memref<1x1x80x64xi32, #tpu.memory_space<hbm>>
      %dma_wait3A_62 = tpu.memref_squeeze %dma_wait3A_61 : memref<1x1x80x64xi32, #tpu.memory_space<hbm>> -> memref<80x64xi32, #tpu.memory_space<hbm>>
      %dma_wait3A_63 = arith.constant 0 : i32
      %dma_wait3A_64 = arith.constant 0 : i32
      %dma_wait3A_65 = tpu.memref_slice %arg4[%arg0, %arg1, %dma_wait3A_63, %dma_wait3A_64] : memref<2x16x80x64xi32, #tpu.memory_space<hbm>> -> memref<1x1x80x64xi32, #tpu.memory_space<hbm>>
      %dma_wait3A_66 = tpu.memref_squeeze %dma_wait3A_65 : memref<1x1x80x64xi32, #tpu.memory_space<hbm>> -> memref<80x64xi32, #tpu.memory_space<hbm>>
      tpu.wait_dma2 semaphore(%run_scoped3A_50 : memref<!tpu.dma_semaphore, #tpu.memory_space<semaphore_mem>>) src(%dma_wait3A_66 : memref<80x64xi32, #tpu.memory_space<hbm>>) dst(%arg9 : memref<80x64xi32, #tpu.memory_space<vmem>>)
      tpu.yield
    }) : () -> ()
    "tpu.region"() ({
      %run_scoped3A_50 = tpu.sem_alloc : memref<!tpu.dma_semaphore, #tpu.memory_space<semaphore_mem>>
      %dma_start3A_51 = arith.constant 0 : i32
      %dma_start3A_52 = arith.constant 0 : i32
      %dma_start3A_53 = tpu.memref_slice %arg3[%arg0, %arg1, %dma_start3A_51, %dma_start3A_52] : memref<2x16x80x64xi32, #tpu.memory_space<hbm>> -> memref<1x1x80x64xi32, #tpu.memory_space<hbm>>
      %dma_start3A_54 = tpu.memref_squeeze %dma_start3A_53 : memref<1x1x80x64xi32, #tpu.memory_space<hbm>> -> memref<80x64xi32, #tpu.memory_space<hbm>>
      %dma_start3A_55 = arith.constant 0 : i32
      %dma_start3A_56 = arith.constant 0 : i32
      %dma_start3A_57 = tpu.memref_slice %arg3[%arg0, %arg1, %dma_start3A_55, %dma_start3A_56] : memref<2x16x80x64xi32, #tpu.memory_space<hbm>> -> memref<1x1x80x64xi32, #tpu.memory_space<hbm>>
      %dma_start3A_58 = tpu.memref_squeeze %dma_start3A_57 : memref<1x1x80x64xi32, #tpu.memory_space<hbm>> -> memref<80x64xi32, #tpu.memory_space<hbm>>
      tpu.enqueue_dma source(%dma_start3A_58 : memref<80x64xi32, #tpu.memory_space<hbm>>) target(%arg8 : memref<80x64xi32, #tpu.memory_space<vmem>>) target_semaphore(%run_scoped3A_50 : memref<!tpu.dma_semaphore, #tpu.memory_space<semaphore_mem>>)
      %dma_wait3A_59 = arith.constant 0 : i32
      %dma_wait3A_60 = arith.constant 0 : i32
      %dma_wait3A_61 = tpu.memref_slice %arg3[%arg0, %arg1, %dma_wait3A_59, %dma_wait3A_60] : memref<2x16x80x64xi32, #tpu.memory_space<hbm>> -> memref<1x1x80x64xi32, #tpu.memory_space<hbm>>
      %dma_wait3A_62 = tpu.memref_squeeze %dma_wait3A_61 : memref<1x1x80x64xi32, #tpu.memory_space<hbm>> -> memref<80x64xi32, #tpu.memory_space<hbm>>
      %dma_wait3A_63 = arith.constant 0 : i32
      %dma_wait3A_64 = arith.constant 0 : i32
      %dma_wait3A_65 = tpu.memref_slice %arg3[%arg0, %arg1, %dma_wait3A_63, %dma_wait3A_64] : memref<2x16x80x64xi32, #tpu.memory_space<hbm>> -> memref<1x1x80x64xi32, #tpu.memory_space<hbm>>
      %dma_wait3A_66 = tpu.memref_squeeze %dma_wait3A_65 : memref<1x1x80x64xi32, #tpu.memory_space<hbm>> -> memref<80x64xi32, #tpu.memory_space<hbm>>
      tpu.wait_dma2 semaphore(%run_scoped3A_50 : memref<!tpu.dma_semaphore, #tpu.memory_space<semaphore_mem>>) src(%dma_wait3A_66 : memref<80x64xi32, #tpu.memory_space<hbm>>) dst(%arg8 : memref<80x64xi32, #tpu.memory_space<vmem>>)
      tpu.yield
    }) : () -> ()
    "tpu.region"() ({
      %run_scoped3A_50 = tpu.sem_alloc : memref<!tpu.dma_semaphore, #tpu.memory_space<semaphore_mem>>
      %dma_start3A_51 = arith.constant 0 : i32
      %dma_start3A_52 = tpu.memref_slice %arg7[%mul3A_0, %dma_start3A_51] : memref<10240x128xf32, #tpu.memory_space<vmem_shared>> -> memref<640x128xf32, #tpu.memory_space<vmem_shared>>
      tpu.enqueue_dma source(%arg5 : memref<640x128xf32, #tpu.memory_space<hbm>>) target(%dma_start3A_52 : memref<640x128xf32, #tpu.memory_space<vmem_shared>>) target_semaphore(%run_scoped3A_50 : memref<!tpu.dma_semaphore, #tpu.memory_space<semaphore_mem>>)
      %dma_wait3A_53 = arith.constant 0 : i32
      %dma_wait3A_54 = tpu.memref_slice %arg7[%mul3A_0, %dma_wait3A_53] : memref<10240x128xf32, #tpu.memory_space<vmem_shared>> -> memref<640x128xf32, #tpu.memory_space<vmem_shared>>
      tpu.wait_dma2 semaphore(%run_scoped3A_50 : memref<!tpu.dma_semaphore, #tpu.memory_space<semaphore_mem>>) src(%arg5 : memref<640x128xf32, #tpu.memory_space<hbm>>) dst(%dma_wait3A_54 : memref<640x128xf32, #tpu.memory_space<vmem_shared>>)
      tpu.yield
    }) : () -> ()
    %barrier3A = arith.constant 0 : index
    tpu.barrier barrier_id(%barrier3A)
    %dma_start3A = arith.constant 0 : i32
    %dma_start3A_1 = arith.constant 0 : i32
    %dma_start3A_2 = tpu.memref_slice %arg8[%dma_start3A, %dma_start3A_1] : memref<80x64xi32, #tpu.memory_space<vmem>> -> memref<1x64xi32, #tpu.memory_space<vmem>>
    %dma_start3A_3 = tpu.memref_squeeze %dma_start3A_2 : memref<1x64xi32, #tpu.memory_space<vmem>> -> memref<64xi32, #tpu.memory_space<vmem>>
    %dma_start3A_4 = arith.constant 0 : i32
    %dma_start3A_5 = arith.constant 0 : i32
    %dma_start3A_6 = tpu.memref_slice %arg2[%dma_start3A_4, %dma_start3A_5] : memref<10000x128xf32, #tpu.memory_space<hbm>> -> memref<10000x128xf32, #tpu.memory_space<hbm>>
    tpu.enqueue_indirect_dma source(%dma_start3A_6 : memref<10000x128xf32, #tpu.memory_space<hbm>>) target(%arg10 : memref<64x128xf32, #tpu.memory_space<vmem>>) offsets(%dma_start3A_3 : memref<64xi32, #tpu.memory_space<vmem>>) semaphore(%arg13 : memref<!tpu.dma_semaphore, #tpu.memory_space<semaphore_mem>>)
    %dma_start3A_7 = arith.constant 1 : i32
    %dma_start3A_8 = arith.constant 0 : i32
    %dma_start3A_9 = tpu.memref_slice %arg8[%dma_start3A_7, %dma_start3A_8] : memref<80x64xi32, #tpu.memory_space<vmem>> -> memref<1x64xi32, #tpu.memory_space<vmem>>
    %dma_start3A_10 = tpu.memref_squeeze %dma_start3A_9 : memref<1x64xi32, #tpu.memory_space<vmem>> -> memref<64xi32, #tpu.memory_space<vmem>>
    %dma_start3A_11 = arith.constant 0 : i32
    %dma_start3A_12 = arith.constant 0 : i32
    %dma_start3A_13 = tpu.memref_slice %arg2[%dma_start3A_11, %dma_start3A_12] : memref<10000x128xf32, #tpu.memory_space<hbm>> -> memref<10000x128xf32, #tpu.memory_space<hbm>>
    tpu.enqueue_indirect_dma source(%dma_start3A_13 : memref<10000x128xf32, #tpu.memory_space<hbm>>) target(%arg11 : memref<64x128xf32, #tpu.memory_space<vmem>>) offsets(%dma_start3A_10 : memref<64xi32, #tpu.memory_space<vmem>>) semaphore(%arg14 : memref<!tpu.dma_semaphore, #tpu.memory_space<semaphore_mem>>)
    %dma_start3A_14 = arith.constant 2 : i32
    %dma_start3A_15 = arith.constant 0 : i32
    %dma_start3A_16 = tpu.memref_slice %arg8[%dma_start3A_14, %dma_start3A_15] : memref<80x64xi32, #tpu.memory_space<vmem>> -> memref<1x64xi32, #tpu.memory_space<vmem>>
    %dma_start3A_17 = tpu.memref_squeeze %dma_start3A_16 : memref<1x64xi32, #tpu.memory_space<vmem>> -> memref<64xi32, #tpu.memory_space<vmem>>
    %dma_start3A_18 = arith.constant 0 : i32
    %dma_start3A_19 = arith.constant 0 : i32
    %dma_start3A_20 = tpu.memref_slice %arg2[%dma_start3A_18, %dma_start3A_19] : memref<10000x128xf32, #tpu.memory_space<hbm>> -> memref<10000x128xf32, #tpu.memory_space<hbm>>
    tpu.enqueue_indirect_dma source(%dma_start3A_20 : memref<10000x128xf32, #tpu.memory_space<hbm>>) target(%arg12 : memref<64x128xf32, #tpu.memory_space<vmem>>) offsets(%dma_start3A_17 : memref<64xi32, #tpu.memory_space<vmem>>) semaphore(%arg15 : memref<!tpu.dma_semaphore, #tpu.memory_space<semaphore_mem>>)
    %scan3A = arith.constant 0 : i32
    %scan3A_21 = arith.constant 0 : i32
    %scan3A_22 = arith.constant 77 : i32
    %scan3A_23 = arith.addi %scan3A_21, %scan3A_22 : i32
    %scan3A_24 = arith.constant 1 : i32
    scf.for %scan3A_50 = %scan3A_21 to %scan3A_23 step %scan3A_24  : i32 {
      %rem3A = arith.constant 3 : i32
      %rem3A_51 = arith.remsi %scan3A_50, %rem3A : i32
      %eq3A = arith.constant 0 : i32
      %eq3A_52 = arith.cmpi eq, %rem3A_51, %eq3A : i32
      %convert_element_type3A = arith.extui %eq3A_52 : i1 to i32
      %cond3A = arith.constant 0 : i32
      %cond3A_53 = arith.cmpi ne, %convert_element_type3A, %cond3A : i32
      scf.if %cond3A_53 {
        %dma_wait3A_64 = arith.constant 0 : i32
        %dma_wait3A_65 = arith.constant 0 : i32
        %dma_wait3A_66 = tpu.memref_slice %arg8[%dma_wait3A_64, %dma_wait3A_65] : memref<80x64xi32, #tpu.memory_space<vmem>> -> memref<1x64xi32, #tpu.memory_space<vmem>>
        %dma_wait3A_67 = tpu.memref_squeeze %dma_wait3A_66 : memref<1x64xi32, #tpu.memory_space<vmem>> -> memref<64xi32, #tpu.memory_space<vmem>>
        %dma_wait3A_68 = arith.constant 0 : i32
        %dma_wait3A_69 = arith.constant 0 : i32
        %dma_wait3A_70 = tpu.memref_slice %arg2[%dma_wait3A_68, %dma_wait3A_69] : memref<10000x128xf32, #tpu.memory_space<hbm>> -> memref<10000x128xf32, #tpu.memory_space<hbm>>
        tpu.wait_indirect_dma semaphore(%arg13 : memref<!tpu.dma_semaphore, #tpu.memory_space<semaphore_mem>>) src(%dma_wait3A_70 : memref<10000x128xf32, #tpu.memory_space<hbm>>) dst(%arg10 : memref<64x128xf32, #tpu.memory_space<vmem>>)
        "tpu.region"() ({
          %run_scoped3A_78 = tpu.sem_alloc : memref<!tpu.dma_semaphore, #tpu.memory_space<semaphore_mem>>
          %dma_start3A_79 = arith.constant 0 : i32
          %dma_start3A_80 = tpu.memref_slice %arg9[%scan3A_50, %dma_start3A_79] : memref<80x64xi32, #tpu.memory_space<vmem>> -> memref<1x64xi32, #tpu.memory_space<vmem>>
          %dma_start3A_81 = tpu.memref_squeeze %dma_start3A_80 : memref<1x64xi32, #tpu.memory_space<vmem>> -> memref<64xi32, #tpu.memory_space<vmem>>
          %dma_start3A_82 = arith.constant 0 : i32
          %dma_start3A_83 = arith.constant 0 : i32
          %dma_start3A_84 = tpu.memref_slice %arg7[%dma_start3A_82, %dma_start3A_83] : memref<10240x128xf32, #tpu.memory_space<vmem_shared>> -> memref<10240x128xf32, #tpu.memory_space<vmem_shared>>
          tpu.enqueue_indirect_dma source(%arg10 : memref<64x128xf32, #tpu.memory_space<vmem>>) target(%dma_start3A_84 : memref<10240x128xf32, #tpu.memory_space<vmem_shared>>) offsets(%dma_start3A_81 : memref<64xi32, #tpu.memory_space<vmem>>) semaphore(%run_scoped3A_78 : memref<!tpu.dma_semaphore, #tpu.memory_space<semaphore_mem>>) {add = true}
          %dma_wait3A_85 = arith.constant 0 : i32
          %dma_wait3A_86 = tpu.memref_slice %arg9[%scan3A_50, %dma_wait3A_85] : memref<80x64xi32, #tpu.memory_space<vmem>> -> memref<1x64xi32, #tpu.memory_space<vmem>>
          %dma_wait3A_87 = tpu.memref_squeeze %dma_wait3A_86 : memref<1x64xi32, #tpu.memory_space<vmem>> -> memref<64xi32, #tpu.memory_space<vmem>>
          %dma_wait3A_88 = arith.constant 0 : i32
          %dma_wait3A_89 = arith.constant 0 : i32
          %dma_wait3A_90 = tpu.memref_slice %arg7[%dma_wait3A_88, %dma_wait3A_89] : memref<10240x128xf32, #tpu.memory_space<vmem_shared>> -> memref<10240x128xf32, #tpu.memory_space<vmem_shared>>
          tpu.wait_indirect_dma semaphore(%run_scoped3A_78 : memref<!tpu.dma_semaphore, #tpu.memory_space<semaphore_mem>>) src(%arg10 : memref<64x128xf32, #tpu.memory_space<vmem>>) dst(%dma_wait3A_90 : memref<10240x128xf32, #tpu.memory_space<vmem_shared>>)
          tpu.yield
        }) : () -> ()
        %add3A = arith.constant 3 : i32
        %add3A_71 = arith.addi %scan3A_50, %add3A : i32
        %dma_start3A_72 = arith.constant 0 : i32
        %dma_start3A_73 = tpu.memref_slice %arg8[%add3A_71, %dma_start3A_72] : memref<80x64xi32, #tpu.memory_space<vmem>> -> memref<1x64xi32, #tpu.memory_space<vmem>>
        %dma_start3A_74 = tpu.memref_squeeze %dma_start3A_73 : memref<1x64xi32, #tpu.memory_space<vmem>> -> memref<64xi32, #tpu.memory_space<vmem>>
        %dma_start3A_75 = arith.constant 0 : i32
        %dma_start3A_76 = arith.constant 0 : i32
        %dma_start3A_77 = tpu.memref_slice %arg2[%dma_start3A_75, %dma_start3A_76] : memref<10000x128xf32, #tpu.memory_space<hbm>> -> memref<10000x128xf32, #tpu.memory_space<hbm>>
        tpu.enqueue_indirect_dma source(%dma_start3A_77 : memref<10000x128xf32, #tpu.memory_space<hbm>>) target(%arg10 : memref<64x128xf32, #tpu.memory_space<vmem>>) offsets(%dma_start3A_74 : memref<64xi32, #tpu.memory_space<vmem>>) semaphore(%arg13 : memref<!tpu.dma_semaphore, #tpu.memory_space<semaphore_mem>>)
      } else {
      }
      %eq3A_54 = arith.constant 1 : i32
      %eq3A_55 = arith.cmpi eq, %rem3A_51, %eq3A_54 : i32
      %convert_element_type3A_56 = arith.extui %eq3A_55 : i1 to i32
      %cond3A_57 = arith.constant 0 : i32
      %cond3A_58 = arith.cmpi ne, %convert_element_type3A_56, %cond3A_57 : i32
      scf.if %cond3A_58 {
        %dma_wait3A_64 = arith.constant 0 : i32
        %dma_wait3A_65 = arith.constant 0 : i32
        %dma_wait3A_66 = tpu.memref_slice %arg8[%dma_wait3A_64, %dma_wait3A_65] : memref<80x64xi32, #tpu.memory_space<vmem>> -> memref<1x64xi32, #tpu.memory_space<vmem>>
        %dma_wait3A_67 = tpu.memref_squeeze %dma_wait3A_66 : memref<1x64xi32, #tpu.memory_space<vmem>> -> memref<64xi32, #tpu.memory_space<vmem>>
        %dma_wait3A_68 = arith.constant 0 : i32
        %dma_wait3A_69 = arith.constant 0 : i32
        %dma_wait3A_70 = tpu.memref_slice %arg2[%dma_wait3A_68, %dma_wait3A_69] : memref<10000x128xf32, #tpu.memory_space<hbm>> -> memref<10000x128xf32, #tpu.memory_space<hbm>>
        tpu.wait_indirect_dma semaphore(%arg14 : memref<!tpu.dma_semaphore, #tpu.memory_space<semaphore_mem>>) src(%dma_wait3A_70 : memref<10000x128xf32, #tpu.memory_space<hbm>>) dst(%arg11 : memref<64x128xf32, #tpu.memory_space<vmem>>)
        "tpu.region"() ({
          %run_scoped3A_78 = tpu.sem_alloc : memref<!tpu.dma_semaphore, #tpu.memory_space<semaphore_mem>>
          %dma_start3A_79 = arith.constant 0 : i32
          %dma_start3A_80 = tpu.memref_slice %arg9[%scan3A_50, %dma_start3A_79] : memref<80x64xi32, #tpu.memory_space<vmem>> -> memref<1x64xi32, #tpu.memory_space<vmem>>
          %dma_start3A_81 = tpu.memref_squeeze %dma_start3A_80 : memref<1x64xi32, #tpu.memory_space<vmem>> -> memref<64xi32, #tpu.memory_space<vmem>>
          %dma_start3A_82 = arith.constant 0 : i32
          %dma_start3A_83 = arith.constant 0 : i32
          %dma_start3A_84 = tpu.memref_slice %arg7[%dma_start3A_82, %dma_start3A_83] : memref<10240x128xf32, #tpu.memory_space<vmem_shared>> -> memref<10240x128xf32, #tpu.memory_space<vmem_shared>>
          tpu.enqueue_indirect_dma source(%arg11 : memref<64x128xf32, #tpu.memory_space<vmem>>) target(%dma_start3A_84 : memref<10240x128xf32, #tpu.memory_space<vmem_shared>>) offsets(%dma_start3A_81 : memref<64xi32, #tpu.memory_space<vmem>>) semaphore(%run_scoped3A_78 : memref<!tpu.dma_semaphore, #tpu.memory_space<semaphore_mem>>) {add = true}
          %dma_wait3A_85 = arith.constant 0 : i32
          %dma_wait3A_86 = tpu.memref_slice %arg9[%scan3A_50, %dma_wait3A_85] : memref<80x64xi32, #tpu.memory_space<vmem>> -> memref<1x64xi32, #tpu.memory_space<vmem>>
          %dma_wait3A_87 = tpu.memref_squeeze %dma_wait3A_86 : memref<1x64xi32, #tpu.memory_space<vmem>> -> memref<64xi32, #tpu.memory_space<vmem>>
          %dma_wait3A_88 = arith.constant 0 : i32
          %dma_wait3A_89 = arith.constant 0 : i32
          %dma_wait3A_90 = tpu.memref_slice %arg7[%dma_wait3A_88, %dma_wait3A_89] : memref<10240x128xf32, #tpu.memory_space<vmem_shared>> -> memref<10240x128xf32, #tpu.memory_space<vmem_shared>>
          tpu.wait_indirect_dma semaphore(%run_scoped3A_78 : memref<!tpu.dma_semaphore, #tpu.memory_space<semaphore_mem>>) src(%arg11 : memref<64x128xf32, #tpu.memory_space<vmem>>) dst(%dma_wait3A_90 : memref<10240x128xf32, #tpu.memory_space<vmem_shared>>)
          tpu.yield
        }) : () -> ()
        %add3A = arith.constant 3 : i32
        %add3A_71 = arith.addi %scan3A_50, %add3A : i32
        %dma_start3A_72 = arith.constant 0 : i32
        %dma_start3A_73 = tpu.memref_slice %arg8[%add3A_71, %dma_start3A_72] : memref<80x64xi32, #tpu.memory_space<vmem>> -> memref<1x64xi32, #tpu.memory_space<vmem>>
        %dma_start3A_74 = tpu.memref_squeeze %dma_start3A_73 : memref<1x64xi32, #tpu.memory_space<vmem>> -> memref<64xi32, #tpu.memory_space<vmem>>
        %dma_start3A_75 = arith.constant 0 : i32
        %dma_start3A_76 = arith.constant 0 : i32
        %dma_start3A_77 = tpu.memref_slice %arg2[%dma_start3A_75, %dma_start3A_76] : memref<10000x128xf32, #tpu.memory_space<hbm>> -> memref<10000x128xf32, #tpu.memory_space<hbm>>
        tpu.enqueue_indirect_dma source(%dma_start3A_77 : memref<10000x128xf32, #tpu.memory_space<hbm>>) target(%arg11 : memref<64x128xf32, #tpu.memory_space<vmem>>) offsets(%dma_start3A_74 : memref<64xi32, #tpu.memory_space<vmem>>) semaphore(%arg14 : memref<!tpu.dma_semaphore, #tpu.memory_space<semaphore_mem>>)
      } else {
      }
      %eq3A_59 = arith.constant 2 : i32
      %eq3A_60 = arith.cmpi eq, %rem3A_51, %eq3A_59 : i32
      %convert_element_type3A_61 = arith.extui %eq3A_60 : i1 to i32
      %cond3A_62 = arith.constant 0 : i32
      %cond3A_63 = arith.cmpi ne, %convert_element_type3A_61, %cond3A_62 : i32
      scf.if %cond3A_63 {
        %dma_wait3A_64 = arith.constant 0 : i32
        %dma_wait3A_65 = arith.constant 0 : i32
        %dma_wait3A_66 = tpu.memref_slice %arg8[%dma_wait3A_64, %dma_wait3A_65] : memref<80x64xi32, #tpu.memory_space<vmem>> -> memref<1x64xi32, #tpu.memory_space<vmem>>
        %dma_wait3A_67 = tpu.memref_squeeze %dma_wait3A_66 : memref<1x64xi32, #tpu.memory_space<vmem>> -> memref<64xi32, #tpu.memory_space<vmem>>
        %dma_wait3A_68 = arith.constant 0 : i32
        %dma_wait3A_69 = arith.constant 0 : i32
        %dma_wait3A_70 = tpu.memref_slice %arg2[%dma_wait3A_68, %dma_wait3A_69] : memref<10000x128xf32, #tpu.memory_space<hbm>> -> memref<10000x128xf32, #tpu.memory_space<hbm>>
        tpu.wait_indirect_dma semaphore(%arg15 : memref<!tpu.dma_semaphore, #tpu.memory_space<semaphore_mem>>) src(%dma_wait3A_70 : memref<10000x128xf32, #tpu.memory_space<hbm>>) dst(%arg12 : memref<64x128xf32, #tpu.memory_space<vmem>>)
        "tpu.region"() ({
          %run_scoped3A_78 = tpu.sem_alloc : memref<!tpu.dma_semaphore, #tpu.memory_space<semaphore_mem>>
          %dma_start3A_79 = arith.constant 0 : i32
          %dma_start3A_80 = tpu.memref_slice %arg9[%scan3A_50, %dma_start3A_79] : memref<80x64xi32, #tpu.memory_space<vmem>> -> memref<1x64xi32, #tpu.memory_space<vmem>>
          %dma_start3A_81 = tpu.memref_squeeze %dma_start3A_80 : memref<1x64xi32, #tpu.memory_space<vmem>> -> memref<64xi32, #tpu.memory_space<vmem>>
          %dma_start3A_82 = arith.constant 0 : i32
          %dma_start3A_83 = arith.constant 0 : i32
          %dma_start3A_84 = tpu.memref_slice %arg7[%dma_start3A_82, %dma_start3A_83] : memref<10240x128xf32, #tpu.memory_space<vmem_shared>> -> memref<10240x128xf32, #tpu.memory_space<vmem_shared>>
          tpu.enqueue_indirect_dma source(%arg12 : memref<64x128xf32, #tpu.memory_space<vmem>>) target(%dma_start3A_84 : memref<10240x128xf32, #tpu.memory_space<vmem_shared>>) offsets(%dma_start3A_81 : memref<64xi32, #tpu.memory_space<vmem>>) semaphore(%run_scoped3A_78 : memref<!tpu.dma_semaphore, #tpu.memory_space<semaphore_mem>>) {add = true}
          %dma_wait3A_85 = arith.constant 0 : i32
          %dma_wait3A_86 = tpu.memref_slice %arg9[%scan3A_50, %dma_wait3A_85] : memref<80x64xi32, #tpu.memory_space<vmem>> -> memref<1x64xi32, #tpu.memory_space<vmem>>
          %dma_wait3A_87 = tpu.memref_squeeze %dma_wait3A_86 : memref<1x64xi32, #tpu.memory_space<vmem>> -> memref<64xi32, #tpu.memory_space<vmem>>
          %dma_wait3A_88 = arith.constant 0 : i32
          %dma_wait3A_89 = arith.constant 0 : i32
          %dma_wait3A_90 = tpu.memref_slice %arg7[%dma_wait3A_88, %dma_wait3A_89] : memref<10240x128xf32, #tpu.memory_space<vmem_shared>> -> memref<10240x128xf32, #tpu.memory_space<vmem_shared>>
          tpu.wait_indirect_dma semaphore(%run_scoped3A_78 : memref<!tpu.dma_semaphore, #tpu.memory_space<semaphore_mem>>) src(%arg12 : memref<64x128xf32, #tpu.memory_space<vmem>>) dst(%dma_wait3A_90 : memref<10240x128xf32, #tpu.memory_space<vmem_shared>>)
          tpu.yield
        }) : () -> ()
        %add3A = arith.constant 3 : i32
        %add3A_71 = arith.addi %scan3A_50, %add3A : i32
        %dma_start3A_72 = arith.constant 0 : i32
        %dma_start3A_73 = tpu.memref_slice %arg8[%add3A_71, %dma_start3A_72] : memref<80x64xi32, #tpu.memory_space<vmem>> -> memref<1x64xi32, #tpu.memory_space<vmem>>
        %dma_start3A_74 = tpu.memref_squeeze %dma_start3A_73 : memref<1x64xi32, #tpu.memory_space<vmem>> -> memref<64xi32, #tpu.memory_space<vmem>>
        %dma_start3A_75 = arith.constant 0 : i32
        %dma_start3A_76 = arith.constant 0 : i32
        %dma_start3A_77 = tpu.memref_slice %arg2[%dma_start3A_75, %dma_start3A_76] : memref<10000x128xf32, #tpu.memory_space<hbm>> -> memref<10000x128xf32, #tpu.memory_space<hbm>>
        tpu.enqueue_indirect_dma source(%dma_start3A_77 : memref<10000x128xf32, #tpu.memory_space<hbm>>) target(%arg12 : memref<64x128xf32, #tpu.memory_space<vmem>>) offsets(%dma_start3A_74 : memref<64xi32, #tpu.memory_space<vmem>>) semaphore(%arg15 : memref<!tpu.dma_semaphore, #tpu.memory_space<semaphore_mem>>)
      } else {
      }
    }
    %scan3A_25 = arith.constant 77 : i32
    %dma_wait3A = arith.constant 0 : i32
    %dma_wait3A_26 = arith.constant 0 : i32
    %dma_wait3A_27 = tpu.memref_slice %arg8[%dma_wait3A, %dma_wait3A_26] : memref<80x64xi32, #tpu.memory_space<vmem>> -> memref<1x64xi32, #tpu.memory_space<vmem>>
    %dma_wait3A_28 = tpu.memref_squeeze %dma_wait3A_27 : memref<1x64xi32, #tpu.memory_space<vmem>> -> memref<64xi32, #tpu.memory_space<vmem>>
    %dma_wait3A_29 = arith.constant 0 : i32
    %dma_wait3A_30 = arith.constant 0 : i32
    %dma_wait3A_31 = tpu.memref_slice %arg2[%dma_wait3A_29, %dma_wait3A_30] : memref<10000x128xf32, #tpu.memory_space<hbm>> -> memref<10000x128xf32, #tpu.memory_space<hbm>>
    tpu.wait_indirect_dma semaphore(%arg15 : memref<!tpu.dma_semaphore, #tpu.memory_space<semaphore_mem>>) src(%dma_wait3A_31 : memref<10000x128xf32, #tpu.memory_space<hbm>>) dst(%arg12 : memref<64x128xf32, #tpu.memory_space<vmem>>)
    %run_scoped3A = arith.constant 77 : i32
    "tpu.region"() ({
      %run_scoped3A_50 = tpu.sem_alloc : memref<!tpu.dma_semaphore, #tpu.memory_space<semaphore_mem>>
      %dma_start3A_51 = arith.constant 0 : i32
      %dma_start3A_52 = tpu.memref_slice %arg9[%run_scoped3A, %dma_start3A_51] : memref<80x64xi32, #tpu.memory_space<vmem>> -> memref<1x64xi32, #tpu.memory_space<vmem>>
      %dma_start3A_53 = tpu.memref_squeeze %dma_start3A_52 : memref<1x64xi32, #tpu.memory_space<vmem>> -> memref<64xi32, #tpu.memory_space<vmem>>
      %dma_start3A_54 = arith.constant 0 : i32
      %dma_start3A_55 = arith.constant 0 : i32
      %dma_start3A_56 = tpu.memref_slice %arg7[%dma_start3A_54, %dma_start3A_55] : memref<10240x128xf32, #tpu.memory_space<vmem_shared>> -> memref<10240x128xf32, #tpu.memory_space<vmem_shared>>
      tpu.enqueue_indirect_dma source(%arg12 : memref<64x128xf32, #tpu.memory_space<vmem>>) target(%dma_start3A_56 : memref<10240x128xf32, #tpu.memory_space<vmem_shared>>) offsets(%dma_start3A_53 : memref<64xi32, #tpu.memory_space<vmem>>) semaphore(%run_scoped3A_50 : memref<!tpu.dma_semaphore, #tpu.memory_space<semaphore_mem>>) {add = true}
      %dma_wait3A_57 = arith.constant 0 : i32
      %dma_wait3A_58 = tpu.memref_slice %arg9[%run_scoped3A, %dma_wait3A_57] : memref<80x64xi32, #tpu.memory_space<vmem>> -> memref<1x64xi32, #tpu.memory_space<vmem>>
      %dma_wait3A_59 = tpu.memref_squeeze %dma_wait3A_58 : memref<1x64xi32, #tpu.memory_space<vmem>> -> memref<64xi32, #tpu.memory_space<vmem>>
      %dma_wait3A_60 = arith.constant 0 : i32
      %dma_wait3A_61 = arith.constant 0 : i32
      %dma_wait3A_62 = tpu.memref_slice %arg7[%dma_wait3A_60, %dma_wait3A_61] : memref<10240x128xf32, #tpu.memory_space<vmem_shared>> -> memref<10240x128xf32, #tpu.memory_space<vmem_shared>>
      tpu.wait_indirect_dma semaphore(%run_scoped3A_50 : memref<!tpu.dma_semaphore, #tpu.memory_space<semaphore_mem>>) src(%arg12 : memref<64x128xf32, #tpu.memory_space<vmem>>) dst(%dma_wait3A_62 : memref<10240x128xf32, #tpu.memory_space<vmem_shared>>)
      tpu.yield
    }) : () -> ()
    %dma_wait3A_32 = arith.constant 0 : i32
    %dma_wait3A_33 = arith.constant 0 : i32
    %dma_wait3A_34 = tpu.memref_slice %arg8[%dma_wait3A_32, %dma_wait3A_33] : memref<80x64xi32, #tpu.memory_space<vmem>> -> memref<1x64xi32, #tpu.memory_space<vmem>>
    %dma_wait3A_35 = tpu.memref_squeeze %dma_wait3A_34 : memref<1x64xi32, #tpu.memory_space<vmem>> -> memref<64xi32, #tpu.memory_space<vmem>>
    %dma_wait3A_36 = arith.constant 0 : i32
    %dma_wait3A_37 = arith.constant 0 : i32
    %dma_wait3A_38 = tpu.memref_slice %arg2[%dma_wait3A_36, %dma_wait3A_37] : memref<10000x128xf32, #tpu.memory_space<hbm>> -> memref<10000x128xf32, #tpu.memory_space<hbm>>
    tpu.wait_indirect_dma semaphore(%arg13 : memref<!tpu.dma_semaphore, #tpu.memory_space<semaphore_mem>>) src(%dma_wait3A_38 : memref<10000x128xf32, #tpu.memory_space<hbm>>) dst(%arg10 : memref<64x128xf32, #tpu.memory_space<vmem>>)
    %run_scoped3A_39 = arith.constant 78 : i32
    "tpu.region"() ({
      %run_scoped3A_50 = tpu.sem_alloc : memref<!tpu.dma_semaphore, #tpu.memory_space<semaphore_mem>>
      %dma_start3A_51 = arith.constant 0 : i32
      %dma_start3A_52 = tpu.memref_slice %arg9[%run_scoped3A_39, %dma_start3A_51] : memref<80x64xi32, #tpu.memory_space<vmem>> -> memref<1x64xi32, #tpu.memory_space<vmem>>
      %dma_start3A_53 = tpu.memref_squeeze %dma_start3A_52 : memref<1x64xi32, #tpu.memory_space<vmem>> -> memref<64xi32, #tpu.memory_space<vmem>>
      %dma_start3A_54 = arith.constant 0 : i32
      %dma_start3A_55 = arith.constant 0 : i32
      %dma_start3A_56 = tpu.memref_slice %arg7[%dma_start3A_54, %dma_start3A_55] : memref<10240x128xf32, #tpu.memory_space<vmem_shared>> -> memref<10240x128xf32, #tpu.memory_space<vmem_shared>>
      tpu.enqueue_indirect_dma source(%arg10 : memref<64x128xf32, #tpu.memory_space<vmem>>) target(%dma_start3A_56 : memref<10240x128xf32, #tpu.memory_space<vmem_shared>>) offsets(%dma_start3A_53 : memref<64xi32, #tpu.memory_space<vmem>>) semaphore(%run_scoped3A_50 : memref<!tpu.dma_semaphore, #tpu.memory_space<semaphore_mem>>) {add = true}
      %dma_wait3A_57 = arith.constant 0 : i32
      %dma_wait3A_58 = tpu.memref_slice %arg9[%run_scoped3A_39, %dma_wait3A_57] : memref<80x64xi32, #tpu.memory_space<vmem>> -> memref<1x64xi32, #tpu.memory_space<vmem>>
      %dma_wait3A_59 = tpu.memref_squeeze %dma_wait3A_58 : memref<1x64xi32, #tpu.memory_space<vmem>> -> memref<64xi32, #tpu.memory_space<vmem>>
      %dma_wait3A_60 = arith.constant 0 : i32
      %dma_wait3A_61 = arith.constant 0 : i32
      %dma_wait3A_62 = tpu.memref_slice %arg7[%dma_wait3A_60, %dma_wait3A_61] : memref<10240x128xf32, #tpu.memory_space<vmem_shared>> -> memref<10240x128xf32, #tpu.memory_space<vmem_shared>>
      tpu.wait_indirect_dma semaphore(%run_scoped3A_50 : memref<!tpu.dma_semaphore, #tpu.memory_space<semaphore_mem>>) src(%arg10 : memref<64x128xf32, #tpu.memory_space<vmem>>) dst(%dma_wait3A_62 : memref<10240x128xf32, #tpu.memory_space<vmem_shared>>)
      tpu.yield
    }) : () -> ()
    %dma_wait3A_40 = arith.constant 0 : i32
    %dma_wait3A_41 = arith.constant 0 : i32
    %dma_wait3A_42 = tpu.memref_slice %arg8[%dma_wait3A_40, %dma_wait3A_41] : memref<80x64xi32, #tpu.memory_space<vmem>> -> memref<1x64xi32, #tpu.memory_space<vmem>>
    %dma_wait3A_43 = tpu.memref_squeeze %dma_wait3A_42 : memref<1x64xi32, #tpu.memory_space<vmem>> -> memref<64xi32, #tpu.memory_space<vmem>>
    %dma_wait3A_44 = arith.constant 0 : i32
    %dma_wait3A_45 = arith.constant 0 : i32
    %dma_wait3A_46 = tpu.memref_slice %arg2[%dma_wait3A_44, %dma_wait3A_45] : memref<10000x128xf32, #tpu.memory_space<hbm>> -> memref<10000x128xf32, #tpu.memory_space<hbm>>
    tpu.wait_indirect_dma semaphore(%arg14 : memref<!tpu.dma_semaphore, #tpu.memory_space<semaphore_mem>>) src(%dma_wait3A_46 : memref<10000x128xf32, #tpu.memory_space<hbm>>) dst(%arg11 : memref<64x128xf32, #tpu.memory_space<vmem>>)
    %run_scoped3A_47 = arith.constant 79 : i32
    "tpu.region"() ({
      %run_scoped3A_50 = tpu.sem_alloc : memref<!tpu.dma_semaphore, #tpu.memory_space<semaphore_mem>>
      %dma_start3A_51 = arith.constant 0 : i32
      %dma_start3A_52 = tpu.memref_slice %arg9[%run_scoped3A_47, %dma_start3A_51] : memref<80x64xi32, #tpu.memory_space<vmem>> -> memref<1x64xi32, #tpu.memory_space<vmem>>
      %dma_start3A_53 = tpu.memref_squeeze %dma_start3A_52 : memref<1x64xi32, #tpu.memory_space<vmem>> -> memref<64xi32, #tpu.memory_space<vmem>>
      %dma_start3A_54 = arith.constant 0 : i32
      %dma_start3A_55 = arith.constant 0 : i32
      %dma_start3A_56 = tpu.memref_slice %arg7[%dma_start3A_54, %dma_start3A_55] : memref<10240x128xf32, #tpu.memory_space<vmem_shared>> -> memref<10240x128xf32, #tpu.memory_space<vmem_shared>>
      tpu.enqueue_indirect_dma source(%arg11 : memref<64x128xf32, #tpu.memory_space<vmem>>) target(%dma_start3A_56 : memref<10240x128xf32, #tpu.memory_space<vmem_shared>>) offsets(%dma_start3A_53 : memref<64xi32, #tpu.memory_space<vmem>>) semaphore(%run_scoped3A_50 : memref<!tpu.dma_semaphore, #tpu.memory_space<semaphore_mem>>) {add = true}
      %dma_wait3A_57 = arith.constant 0 : i32
      %dma_wait3A_58 = tpu.memref_slice %arg9[%run_scoped3A_47, %dma_wait3A_57] : memref<80x64xi32, #tpu.memory_space<vmem>> -> memref<1x64xi32, #tpu.memory_space<vmem>>
      %dma_wait3A_59 = tpu.memref_squeeze %dma_wait3A_58 : memref<1x64xi32, #tpu.memory_space<vmem>> -> memref<64xi32, #tpu.memory_space<vmem>>
      %dma_wait3A_60 = arith.constant 0 : i32
      %dma_wait3A_61 = arith.constant 0 : i32
      %dma_wait3A_62 = tpu.memref_slice %arg7[%dma_wait3A_60, %dma_wait3A_61] : memref<10240x128xf32, #tpu.memory_space<vmem_shared>> -> memref<10240x128xf32, #tpu.memory_space<vmem_shared>>
      tpu.wait_indirect_dma semaphore(%run_scoped3A_50 : memref<!tpu.dma_semaphore, #tpu.memory_space<semaphore_mem>>) src(%arg11 : memref<64x128xf32, #tpu.memory_space<vmem>>) dst(%dma_wait3A_62 : memref<10240x128xf32, #tpu.memory_space<vmem_shared>>)
      tpu.yield
    }) : () -> ()
    %barrier3A_48 = arith.constant 0 : index
    tpu.barrier barrier_id(%barrier3A_48)
    "tpu.region"() ({
      %run_scoped3A_50 = tpu.sem_alloc : memref<!tpu.dma_semaphore, #tpu.memory_space<semaphore_mem>>
      %dma_start3A_51 = arith.constant 0 : i32
      %dma_start3A_52 = tpu.memref_slice %arg6[%arg0, %mul3A_0, %dma_start3A_51] : memref<2x10240x128xf32, #tpu.memory_space<hbm>> -> memref<1x640x128xf32, #tpu.memory_space<hbm>>
      %dma_start3A_53 = tpu.memref_squeeze %dma_start3A_52 : memref<1x640x128xf32, #tpu.memory_space<hbm>> -> memref<640x128xf32, #tpu.memory_space<hbm>>
      %dma_start3A_54 = arith.constant 0 : i32
      %dma_start3A_55 = tpu.memref_slice %arg7[%mul3A_0, %dma_start3A_54] : memref<10240x128xf32, #tpu.memory_space<vmem_shared>> -> memref<640x128xf32, #tpu.memory_space<vmem_shared>>
      tpu.enqueue_dma source(%dma_start3A_55 : memref<640x128xf32, #tpu.memory_space<vmem_shared>>) target(%dma_start3A_53 : memref<640x128xf32, #tpu.memory_space<hbm>>) target_semaphore(%run_scoped3A_50 : memref<!tpu.dma_semaphore, #tpu.memory_space<semaphore_mem>>)
      %dma_wait3A_56 = arith.constant 0 : i32
      %dma_wait3A_57 = tpu.memref_slice %arg6[%arg0, %mul3A_0, %dma_wait3A_56] : memref<2x10240x128xf32, #tpu.memory_space<hbm>> -> memref<1x640x128xf32, #tpu.memory_space<hbm>>
      %dma_wait3A_58 = tpu.memref_squeeze %dma_wait3A_57 : memref<1x640x128xf32, #tpu.memory_space<hbm>> -> memref<640x128xf32, #tpu.memory_space<hbm>>
      %dma_wait3A_59 = arith.constant 0 : i32
      %dma_wait3A_60 = tpu.memref_slice %arg7[%mul3A_0, %dma_wait3A_59] : memref<10240x128xf32, #tpu.memory_space<vmem_shared>> -> memref<640x128xf32, #tpu.memory_space<vmem_shared>>
      tpu.wait_dma2 semaphore(%run_scoped3A_50 : memref<!tpu.dma_semaphore, #tpu.memory_space<semaphore_mem>>) src(%dma_wait3A_60 : memref<640x128xf32, #tpu.memory_space<vmem_shared>>) dst(%dma_wait3A_58 : memref<640x128xf32, #tpu.memory_space<hbm>>)
      tpu.yield
    }) : () -> ()
    %barrier3A_49 = arith.constant 0 : index
    tpu.barrier barrier_id(%barrier3A_49)
    return
  }
}

#map = affine_map<(d0, d1) -> (0, 0, 0, 0, 0)>
#map1 = affine_map<(d0, d1) -> (0, 0, 0, 0)>
#map2 = affine_map<(d0, d1) -> (0, 0)>
#map3 = affine_map<(d0, d1) -> (0, 0, 0)>
module attributes {stable_mosaic.version = 14 : i64} {
  func.func @_scf_body(%arg0: i32, %arg1: i32, %arg2: memref<2x16x40x128x32xf32, #tpu.memory_space<hbm>>, %arg3: memref<2x16x40x128xi32, #tpu.memory_space<hbm>>, %arg4: memref<640x32xf32, #tpu.memory_space<hbm>>, %arg5: memref<2x10240x32xf32, #tpu.memory_space<hbm>>, %arg6: memref<10240x32xf32, #tpu.memory_space<vmem_shared>>, %arg7: memref<40x128xi32, #tpu.memory_space<vmem>>, %arg8: memref<128x32xf32, #tpu.memory_space<vmem>>, %arg9: memref<128x32xf32, #tpu.memory_space<vmem>>, %arg10: memref<!tpu.dma_semaphore, #tpu.memory_space<semaphore_mem>>, %arg11: memref<!tpu.dma_semaphore, #tpu.memory_space<semaphore_mem>>) attributes {dimension_semantics = [#tpu.dimension_semantics<core_parallel>, #tpu.dimension_semantics<subcore_parallel>], iteration_bounds = array<i64: 2, 16>, scalar_prefetch = 0 : i64, scratch_operands = 6 : i64, tpu.core_type = #tpu.core_type<sc_vector_subcore>, window_params = [{transform_indices = #map}, {transform_indices = #map1}, {transform_indices = #map2}, {transform_indices = #map3}]} {
    %mul3A = arith.constant 640 : i32
    %mul3A_0 = arith.muli %arg1, %mul3A : i32
    "tpu.region"() ({
      %run_scoped3A = tpu.sem_alloc : memref<!tpu.dma_semaphore, #tpu.memory_space<semaphore_mem>>
      %dma_start3A_24 = arith.constant 0 : i32
      %dma_start3A_25 = arith.constant 0 : i32
      %dma_start3A_26 = tpu.memref_slice %arg3[%arg0, %arg1, %dma_start3A_24, %dma_start3A_25] : memref<2x16x40x128xi32, #tpu.memory_space<hbm>> -> memref<1x1x40x128xi32, #tpu.memory_space<hbm>>
      %dma_start3A_27 = tpu.memref_squeeze %dma_start3A_26 : memref<1x1x40x128xi32, #tpu.memory_space<hbm>> -> memref<40x128xi32, #tpu.memory_space<hbm>>
      %dma_start3A_28 = arith.constant 0 : i32
      %dma_start3A_29 = arith.constant 0 : i32
      %dma_start3A_30 = tpu.memref_slice %arg3[%arg0, %arg1, %dma_start3A_28, %dma_start3A_29] : memref<2x16x40x128xi32, #tpu.memory_space<hbm>> -> memref<1x1x40x128xi32, #tpu.memory_space<hbm>>
      %dma_start3A_31 = tpu.memref_squeeze %dma_start3A_30 : memref<1x1x40x128xi32, #tpu.memory_space<hbm>> -> memref<40x128xi32, #tpu.memory_space<hbm>>
      tpu.enqueue_dma source(%dma_start3A_31 : memref<40x128xi32, #tpu.memory_space<hbm>>) target(%arg7 : memref<40x128xi32, #tpu.memory_space<vmem>>) target_semaphore(%run_scoped3A : memref<!tpu.dma_semaphore, #tpu.memory_space<semaphore_mem>>)
      %dma_wait3A_32 = arith.constant 0 : i32
      %dma_wait3A_33 = arith.constant 0 : i32
      %dma_wait3A_34 = tpu.memref_slice %arg3[%arg0, %arg1, %dma_wait3A_32, %dma_wait3A_33] : memref<2x16x40x128xi32, #tpu.memory_space<hbm>> -> memref<1x1x40x128xi32, #tpu.memory_space<hbm>>
      %dma_wait3A_35 = tpu.memref_squeeze %dma_wait3A_34 : memref<1x1x40x128xi32, #tpu.memory_space<hbm>> -> memref<40x128xi32, #tpu.memory_space<hbm>>
      %dma_wait3A_36 = arith.constant 0 : i32
      %dma_wait3A_37 = arith.constant 0 : i32
      %dma_wait3A_38 = tpu.memref_slice %arg3[%arg0, %arg1, %dma_wait3A_36, %dma_wait3A_37] : memref<2x16x40x128xi32, #tpu.memory_space<hbm>> -> memref<1x1x40x128xi32, #tpu.memory_space<hbm>>
      %dma_wait3A_39 = tpu.memref_squeeze %dma_wait3A_38 : memref<1x1x40x128xi32, #tpu.memory_space<hbm>> -> memref<40x128xi32, #tpu.memory_space<hbm>>
      tpu.wait_dma2 semaphore(%run_scoped3A : memref<!tpu.dma_semaphore, #tpu.memory_space<semaphore_mem>>) src(%dma_wait3A_39 : memref<40x128xi32, #tpu.memory_space<hbm>>) dst(%arg7 : memref<40x128xi32, #tpu.memory_space<vmem>>)
      tpu.yield
    }) : () -> ()
    "tpu.region"() ({
      %run_scoped3A = tpu.sem_alloc : memref<!tpu.dma_semaphore, #tpu.memory_space<semaphore_mem>>
      %dma_start3A_24 = arith.constant 0 : i32
      %dma_start3A_25 = tpu.memref_slice %arg6[%mul3A_0, %dma_start3A_24] : memref<10240x32xf32, #tpu.memory_space<vmem_shared>> -> memref<640x32xf32, #tpu.memory_space<vmem_shared>>
      tpu.enqueue_dma source(%arg4 : memref<640x32xf32, #tpu.memory_space<hbm>>) target(%dma_start3A_25 : memref<640x32xf32, #tpu.memory_space<vmem_shared>>) target_semaphore(%run_scoped3A : memref<!tpu.dma_semaphore, #tpu.memory_space<semaphore_mem>>)
      %dma_wait3A_26 = arith.constant 0 : i32
      %dma_wait3A_27 = tpu.memref_slice %arg6[%mul3A_0, %dma_wait3A_26] : memref<10240x32xf32, #tpu.memory_space<vmem_shared>> -> memref<640x32xf32, #tpu.memory_space<vmem_shared>>
      tpu.wait_dma2 semaphore(%run_scoped3A : memref<!tpu.dma_semaphore, #tpu.memory_space<semaphore_mem>>) src(%arg4 : memref<640x32xf32, #tpu.memory_space<hbm>>) dst(%dma_wait3A_27 : memref<640x32xf32, #tpu.memory_space<vmem_shared>>)
      tpu.yield
    }) : () -> ()
    %barrier3A = arith.constant 0 : index
    tpu.barrier barrier_id(%barrier3A)
    %dma_start3A = arith.constant 0 : i32
    %dma_start3A_1 = arith.constant 0 : i32
    %dma_start3A_2 = arith.constant 0 : i32
    %dma_start3A_3 = tpu.memref_slice %arg2[%arg0, %arg1, %dma_start3A, %dma_start3A_1, %dma_start3A_2] : memref<2x16x40x128x32xf32, #tpu.memory_space<hbm>> -> memref<1x1x1x128x32xf32, #tpu.memory_space<hbm>>
    %dma_start3A_4 = tpu.memref_squeeze %dma_start3A_3 : memref<1x1x1x128x32xf32, #tpu.memory_space<hbm>> -> memref<128x32xf32, #tpu.memory_space<hbm>>
    %dma_start3A_5 = arith.constant 0 : i32
    %dma_start3A_6 = arith.constant 0 : i32
    %dma_start3A_7 = tpu.memref_slice %arg2[%arg0, %arg1, %dma_start3A, %dma_start3A_5, %dma_start3A_6] : memref<2x16x40x128x32xf32, #tpu.memory_space<hbm>> -> memref<1x1x1x128x32xf32, #tpu.memory_space<hbm>>
    %dma_start3A_8 = tpu.memref_squeeze %dma_start3A_7 : memref<1x1x1x128x32xf32, #tpu.memory_space<hbm>> -> memref<128x32xf32, #tpu.memory_space<hbm>>
    tpu.enqueue_dma source(%dma_start3A_8 : memref<128x32xf32, #tpu.memory_space<hbm>>) target(%arg8 : memref<128x32xf32, #tpu.memory_space<vmem>>) target_semaphore(%arg10 : memref<!tpu.dma_semaphore, #tpu.memory_space<semaphore_mem>>)
    %dma_wait3A = arith.constant 0 : i32
    %dma_wait3A_9 = arith.constant 0 : i32
    %dma_wait3A_10 = arith.constant 0 : i32
    %dma_wait3A_11 = tpu.memref_slice %arg2[%arg0, %arg1, %dma_wait3A, %dma_wait3A_9, %dma_wait3A_10] : memref<2x16x40x128x32xf32, #tpu.memory_space<hbm>> -> memref<1x1x1x128x32xf32, #tpu.memory_space<hbm>>
    %dma_wait3A_12 = tpu.memref_squeeze %dma_wait3A_11 : memref<1x1x1x128x32xf32, #tpu.memory_space<hbm>> -> memref<128x32xf32, #tpu.memory_space<hbm>>
    %dma_wait3A_13 = arith.constant 0 : i32
    %dma_wait3A_14 = arith.constant 0 : i32
    %dma_wait3A_15 = tpu.memref_slice %arg2[%arg0, %arg1, %dma_wait3A, %dma_wait3A_13, %dma_wait3A_14] : memref<2x16x40x128x32xf32, #tpu.memory_space<hbm>> -> memref<1x1x1x128x32xf32, #tpu.memory_space<hbm>>
    %dma_wait3A_16 = tpu.memref_squeeze %dma_wait3A_15 : memref<1x1x1x128x32xf32, #tpu.memory_space<hbm>> -> memref<128x32xf32, #tpu.memory_space<hbm>>
    tpu.wait_dma2 semaphore(%arg10 : memref<!tpu.dma_semaphore, #tpu.memory_space<semaphore_mem>>) src(%dma_wait3A_16 : memref<128x32xf32, #tpu.memory_space<hbm>>) dst(%arg8 : memref<128x32xf32, #tpu.memory_space<vmem>>)
    %scan3A = arith.constant 0 : i32
    %scan3A_17 = arith.constant 0 : i32
    %scan3A_18 = arith.constant 20 : i32
    %scan3A_19 = arith.addi %scan3A_17, %scan3A_18 : i32
    %scan3A_20 = arith.constant 1 : i32
    scf.for %scan3A_24 = %scan3A_17 to %scan3A_19 step %scan3A_20  : i32 {
      %mul3A_25 = arith.constant 2 : i32
      %mul3A_26 = arith.muli %mul3A_25, %scan3A_24 : i32
      %add3A = arith.constant 1 : i32
      %add3A_27 = arith.addi %mul3A_26, %add3A : i32
      %dma_start3A_28 = arith.constant 0 : i32
      %dma_start3A_29 = arith.constant 0 : i32
      %dma_start3A_30 = tpu.memref_slice %arg2[%arg0, %arg1, %add3A_27, %dma_start3A_28, %dma_start3A_29] : memref<2x16x40x128x32xf32, #tpu.memory_space<hbm>> -> memref<1x1x1x128x32xf32, #tpu.memory_space<hbm>>
      %dma_start3A_31 = tpu.memref_squeeze %dma_start3A_30 : memref<1x1x1x128x32xf32, #tpu.memory_space<hbm>> -> memref<128x32xf32, #tpu.memory_space<hbm>>
      %dma_start3A_32 = arith.constant 0 : i32
      %dma_start3A_33 = arith.constant 0 : i32
      %dma_start3A_34 = tpu.memref_slice %arg2[%arg0, %arg1, %add3A_27, %dma_start3A_32, %dma_start3A_33] : memref<2x16x40x128x32xf32, #tpu.memory_space<hbm>> -> memref<1x1x1x128x32xf32, #tpu.memory_space<hbm>>
      %dma_start3A_35 = tpu.memref_squeeze %dma_start3A_34 : memref<1x1x1x128x32xf32, #tpu.memory_space<hbm>> -> memref<128x32xf32, #tpu.memory_space<hbm>>
      tpu.enqueue_dma source(%dma_start3A_35 : memref<128x32xf32, #tpu.memory_space<hbm>>) target(%arg9 : memref<128x32xf32, #tpu.memory_space<vmem>>) target_semaphore(%arg11 : memref<!tpu.dma_semaphore, #tpu.memory_space<semaphore_mem>>)
      "tpu.region"() ({
        %run_scoped3A = tpu.sem_alloc : memref<!tpu.dma_semaphore, #tpu.memory_space<semaphore_mem>>
        %dma_start3A_65 = arith.constant 0 : i32
        %dma_start3A_66 = tpu.memref_slice %arg7[%mul3A_26, %dma_start3A_65] : memref<40x128xi32, #tpu.memory_space<vmem>> -> memref<1x128xi32, #tpu.memory_space<vmem>>
        %dma_start3A_67 = tpu.memref_squeeze %dma_start3A_66 : memref<1x128xi32, #tpu.memory_space<vmem>> -> memref<128xi32, #tpu.memory_space<vmem>>
        %dma_start3A_68 = arith.constant 0 : i32
        %dma_start3A_69 = arith.constant 0 : i32
        %dma_start3A_70 = tpu.memref_slice %arg6[%dma_start3A_68, %dma_start3A_69] : memref<10240x32xf32, #tpu.memory_space<vmem_shared>> -> memref<10240x32xf32, #tpu.memory_space<vmem_shared>>
        tpu.enqueue_indirect_dma source(%arg8 : memref<128x32xf32, #tpu.memory_space<vmem>>) target(%dma_start3A_70 : memref<10240x32xf32, #tpu.memory_space<vmem_shared>>) offsets(%dma_start3A_67 : memref<128xi32, #tpu.memory_space<vmem>>) semaphore(%run_scoped3A : memref<!tpu.dma_semaphore, #tpu.memory_space<semaphore_mem>>) {add = true}
        %dma_wait3A_71 = arith.constant 0 : i32
        %dma_wait3A_72 = tpu.memref_slice %arg7[%mul3A_26, %dma_wait3A_71] : memref<40x128xi32, #tpu.memory_space<vmem>> -> memref<1x128xi32, #tpu.memory_space<vmem>>
        %dma_wait3A_73 = tpu.memref_squeeze %dma_wait3A_72 : memref<1x128xi32, #tpu.memory_space<vmem>> -> memref<128xi32, #tpu.memory_space<vmem>>
        %dma_wait3A_74 = arith.constant 0 : i32
        %dma_wait3A_75 = arith.constant 0 : i32
        %dma_wait3A_76 = tpu.memref_slice %arg6[%dma_wait3A_74, %dma_wait3A_75] : memref<10240x32xf32, #tpu.memory_space<vmem_shared>> -> memref<10240x32xf32, #tpu.memory_space<vmem_shared>>
        tpu.wait_indirect_dma semaphore(%run_scoped3A : memref<!tpu.dma_semaphore, #tpu.memory_space<semaphore_mem>>) src(%arg8 : memref<128x32xf32, #tpu.memory_space<vmem>>) dst(%dma_wait3A_76 : memref<10240x32xf32, #tpu.memory_space<vmem_shared>>)
        tpu.yield
      }) : () -> ()
      %dma_wait3A_36 = arith.constant 0 : i32
      %dma_wait3A_37 = arith.constant 0 : i32
      %dma_wait3A_38 = tpu.memref_slice %arg2[%arg0, %arg1, %add3A_27, %dma_wait3A_36, %dma_wait3A_37] : memref<2x16x40x128x32xf32, #tpu.memory_space<hbm>> -> memref<1x1x1x128x32xf32, #tpu.memory_space<hbm>>
      %dma_wait3A_39 = tpu.memref_squeeze %dma_wait3A_38 : memref<1x1x1x128x32xf32, #tpu.memory_space<hbm>> -> memref<128x32xf32, #tpu.memory_space<hbm>>
      %dma_wait3A_40 = arith.constant 0 : i32
      %dma_wait3A_41 = arith.constant 0 : i32
      %dma_wait3A_42 = tpu.memref_slice %arg2[%arg0, %arg1, %add3A_27, %dma_wait3A_40, %dma_wait3A_41] : memref<2x16x40x128x32xf32, #tpu.memory_space<hbm>> -> memref<1x1x1x128x32xf32, #tpu.memory_space<hbm>>
      %dma_wait3A_43 = tpu.memref_squeeze %dma_wait3A_42 : memref<1x1x1x128x32xf32, #tpu.memory_space<hbm>> -> memref<128x32xf32, #tpu.memory_space<hbm>>
      tpu.wait_dma2 semaphore(%arg11 : memref<!tpu.dma_semaphore, #tpu.memory_space<semaphore_mem>>) src(%dma_wait3A_43 : memref<128x32xf32, #tpu.memory_space<hbm>>) dst(%arg9 : memref<128x32xf32, #tpu.memory_space<vmem>>)
      %add3A_44 = arith.constant 2 : i32
      %add3A_45 = arith.addi %mul3A_26, %add3A_44 : i32
      %min3A = arith.constant 39 : i32
      %min3A_46 = arith.minsi %add3A_45, %min3A : i32
      %dma_start3A_47 = arith.constant 0 : i32
      %dma_start3A_48 = arith.constant 0 : i32
      %dma_start3A_49 = tpu.memref_slice %arg2[%arg0, %arg1, %min3A_46, %dma_start3A_47, %dma_start3A_48] : memref<2x16x40x128x32xf32, #tpu.memory_space<hbm>> -> memref<1x1x1x128x32xf32, #tpu.memory_space<hbm>>
      %dma_start3A_50 = tpu.memref_squeeze %dma_start3A_49 : memref<1x1x1x128x32xf32, #tpu.memory_space<hbm>> -> memref<128x32xf32, #tpu.memory_space<hbm>>
      %dma_start3A_51 = arith.constant 0 : i32
      %dma_start3A_52 = arith.constant 0 : i32
      %dma_start3A_53 = tpu.memref_slice %arg2[%arg0, %arg1, %min3A_46, %dma_start3A_51, %dma_start3A_52] : memref<2x16x40x128x32xf32, #tpu.memory_space<hbm>> -> memref<1x1x1x128x32xf32, #tpu.memory_space<hbm>>
      %dma_start3A_54 = tpu.memref_squeeze %dma_start3A_53 : memref<1x1x1x128x32xf32, #tpu.memory_space<hbm>> -> memref<128x32xf32, #tpu.memory_space<hbm>>
      tpu.enqueue_dma source(%dma_start3A_54 : memref<128x32xf32, #tpu.memory_space<hbm>>) target(%arg8 : memref<128x32xf32, #tpu.memory_space<vmem>>) target_semaphore(%arg10 : memref<!tpu.dma_semaphore, #tpu.memory_space<semaphore_mem>>)
      %add3A_55 = arith.constant 1 : i32
      %add3A_56 = arith.addi %mul3A_26, %add3A_55 : i32
      "tpu.region"() ({
        %run_scoped3A = tpu.sem_alloc : memref<!tpu.dma_semaphore, #tpu.memory_space<semaphore_mem>>
        %dma_start3A_65 = arith.constant 0 : i32
        %dma_start3A_66 = tpu.memref_slice %arg7[%add3A_56, %dma_start3A_65] : memref<40x128xi32, #tpu.memory_space<vmem>> -> memref<1x128xi32, #tpu.memory_space<vmem>>
        %dma_start3A_67 = tpu.memref_squeeze %dma_start3A_66 : memref<1x128xi32, #tpu.memory_space<vmem>> -> memref<128xi32, #tpu.memory_space<vmem>>
        %dma_start3A_68 = arith.constant 0 : i32
        %dma_start3A_69 = arith.constant 0 : i32
        %dma_start3A_70 = tpu.memref_slice %arg6[%dma_start3A_68, %dma_start3A_69] : memref<10240x32xf32, #tpu.memory_space<vmem_shared>> -> memref<10240x32xf32, #tpu.memory_space<vmem_shared>>
        tpu.enqueue_indirect_dma source(%arg9 : memref<128x32xf32, #tpu.memory_space<vmem>>) target(%dma_start3A_70 : memref<10240x32xf32, #tpu.memory_space<vmem_shared>>) offsets(%dma_start3A_67 : memref<128xi32, #tpu.memory_space<vmem>>) semaphore(%run_scoped3A : memref<!tpu.dma_semaphore, #tpu.memory_space<semaphore_mem>>) {add = true}
        %dma_wait3A_71 = arith.constant 0 : i32
        %dma_wait3A_72 = tpu.memref_slice %arg7[%add3A_56, %dma_wait3A_71] : memref<40x128xi32, #tpu.memory_space<vmem>> -> memref<1x128xi32, #tpu.memory_space<vmem>>
        %dma_wait3A_73 = tpu.memref_squeeze %dma_wait3A_72 : memref<1x128xi32, #tpu.memory_space<vmem>> -> memref<128xi32, #tpu.memory_space<vmem>>
        %dma_wait3A_74 = arith.constant 0 : i32
        %dma_wait3A_75 = arith.constant 0 : i32
        %dma_wait3A_76 = tpu.memref_slice %arg6[%dma_wait3A_74, %dma_wait3A_75] : memref<10240x32xf32, #tpu.memory_space<vmem_shared>> -> memref<10240x32xf32, #tpu.memory_space<vmem_shared>>
        tpu.wait_indirect_dma semaphore(%run_scoped3A : memref<!tpu.dma_semaphore, #tpu.memory_space<semaphore_mem>>) src(%arg9 : memref<128x32xf32, #tpu.memory_space<vmem>>) dst(%dma_wait3A_76 : memref<10240x32xf32, #tpu.memory_space<vmem_shared>>)
        tpu.yield
      }) : () -> ()
      %dma_wait3A_57 = arith.constant 0 : i32
      %dma_wait3A_58 = arith.constant 0 : i32
      %dma_wait3A_59 = tpu.memref_slice %arg2[%arg0, %arg1, %min3A_46, %dma_wait3A_57, %dma_wait3A_58] : memref<2x16x40x128x32xf32, #tpu.memory_space<hbm>> -> memref<1x1x1x128x32xf32, #tpu.memory_space<hbm>>
      %dma_wait3A_60 = tpu.memref_squeeze %dma_wait3A_59 : memref<1x1x1x128x32xf32, #tpu.memory_space<hbm>> -> memref<128x32xf32, #tpu.memory_space<hbm>>
      %dma_wait3A_61 = arith.constant 0 : i32
      %dma_wait3A_62 = arith.constant 0 : i32
      %dma_wait3A_63 = tpu.memref_slice %arg2[%arg0, %arg1, %min3A_46, %dma_wait3A_61, %dma_wait3A_62] : memref<2x16x40x128x32xf32, #tpu.memory_space<hbm>> -> memref<1x1x1x128x32xf32, #tpu.memory_space<hbm>>
      %dma_wait3A_64 = tpu.memref_squeeze %dma_wait3A_63 : memref<1x1x1x128x32xf32, #tpu.memory_space<hbm>> -> memref<128x32xf32, #tpu.memory_space<hbm>>
      tpu.wait_dma2 semaphore(%arg10 : memref<!tpu.dma_semaphore, #tpu.memory_space<semaphore_mem>>) src(%dma_wait3A_64 : memref<128x32xf32, #tpu.memory_space<hbm>>) dst(%arg8 : memref<128x32xf32, #tpu.memory_space<vmem>>)
    }
    %scan3A_21 = arith.constant 20 : i32
    %barrier3A_22 = arith.constant 0 : index
    tpu.barrier barrier_id(%barrier3A_22)
    "tpu.region"() ({
      %run_scoped3A = tpu.sem_alloc : memref<!tpu.dma_semaphore, #tpu.memory_space<semaphore_mem>>
      %dma_start3A_24 = arith.constant 0 : i32
      %dma_start3A_25 = tpu.memref_slice %arg5[%arg0, %mul3A_0, %dma_start3A_24] : memref<2x10240x32xf32, #tpu.memory_space<hbm>> -> memref<1x640x32xf32, #tpu.memory_space<hbm>>
      %dma_start3A_26 = tpu.memref_squeeze %dma_start3A_25 : memref<1x640x32xf32, #tpu.memory_space<hbm>> -> memref<640x32xf32, #tpu.memory_space<hbm>>
      %dma_start3A_27 = arith.constant 0 : i32
      %dma_start3A_28 = tpu.memref_slice %arg6[%mul3A_0, %dma_start3A_27] : memref<10240x32xf32, #tpu.memory_space<vmem_shared>> -> memref<640x32xf32, #tpu.memory_space<vmem_shared>>
      tpu.enqueue_dma source(%dma_start3A_28 : memref<640x32xf32, #tpu.memory_space<vmem_shared>>) target(%dma_start3A_26 : memref<640x32xf32, #tpu.memory_space<hbm>>) target_semaphore(%run_scoped3A : memref<!tpu.dma_semaphore, #tpu.memory_space<semaphore_mem>>)
      %dma_wait3A_29 = arith.constant 0 : i32
      %dma_wait3A_30 = tpu.memref_slice %arg5[%arg0, %mul3A_0, %dma_wait3A_29] : memref<2x10240x32xf32, #tpu.memory_space<hbm>> -> memref<1x640x32xf32, #tpu.memory_space<hbm>>
      %dma_wait3A_31 = tpu.memref_squeeze %dma_wait3A_30 : memref<1x640x32xf32, #tpu.memory_space<hbm>> -> memref<640x32xf32, #tpu.memory_space<hbm>>
      %dma_wait3A_32 = arith.constant 0 : i32
      %dma_wait3A_33 = tpu.memref_slice %arg6[%mul3A_0, %dma_wait3A_32] : memref<10240x32xf32, #tpu.memory_space<vmem_shared>> -> memref<640x32xf32, #tpu.memory_space<vmem_shared>>
      tpu.wait_dma2 semaphore(%run_scoped3A : memref<!tpu.dma_semaphore, #tpu.memory_space<semaphore_mem>>) src(%dma_wait3A_33 : memref<640x32xf32, #tpu.memory_space<vmem_shared>>) dst(%dma_wait3A_31 : memref<640x32xf32, #tpu.memory_space<hbm>>)
      tpu.yield
    }) : () -> ()
    %barrier3A_23 = arith.constant 0 : index
    tpu.barrier barrier_id(%barrier3A_23)
    return
  }
}

#map = affine_map<(d0, d1) -> (0, 0)>
#map1 = affine_map<(d0, d1) -> (0, 0, 0, 0)>
#map2 = affine_map<(d0, d1) -> (0, 0, 0)>
module attributes {stable_mosaic.version = 14 : i64} {
  func.func @_scx_body(%arg0: i32, %arg1: i32, %arg2: memref<20000x128xf32, #tpu.memory_space<hbm>>, %arg3: memref<2x16x80x64xi32, #tpu.memory_space<hbm>>, %arg4: memref<2x16x80x64xi32, #tpu.memory_space<hbm>>, %arg5: memref<2x16x80x64xi32, #tpu.memory_space<hbm>>, %arg6: memref<640x128xf32, #tpu.memory_space<hbm>>, %arg7: memref<2x10240x128xf32, #tpu.memory_space<hbm>>, %arg8: memref<2x10240x128xf32, #tpu.memory_space<hbm>>, %arg9: memref<10240x128xf32, #tpu.memory_space<vmem_shared>>, %arg10: memref<80x64xi32, #tpu.memory_space<vmem>>, %arg11: memref<80x64xi32, #tpu.memory_space<vmem>>, %arg12: memref<64x128xf32, #tpu.memory_space<vmem>>, %arg13: memref<64x128xf32, #tpu.memory_space<vmem>>, %arg14: memref<64x128xf32, #tpu.memory_space<vmem>>, %arg15: memref<!tpu.dma_semaphore, #tpu.memory_space<semaphore_mem>>, %arg16: memref<!tpu.dma_semaphore, #tpu.memory_space<semaphore_mem>>, %arg17: memref<!tpu.dma_semaphore, #tpu.memory_space<semaphore_mem>>) attributes {dimension_semantics = [#tpu.dimension_semantics<core_parallel>, #tpu.dimension_semantics<subcore_parallel>], iteration_bounds = array<i64: 2, 16>, scalar_prefetch = 0 : i64, scratch_operands = 9 : i64, tpu.core_type = #tpu.core_type<sc_vector_subcore>, window_params = [{transform_indices = #map}, {transform_indices = #map1}, {transform_indices = #map1}, {transform_indices = #map1}, {transform_indices = #map}, {transform_indices = #map2}, {transform_indices = #map2}]} {
    %mul3A = arith.constant 640 : i32
    %mul3A_0 = arith.muli %arg1, %mul3A : i32
    "tpu.region"() ({
      %run_scoped3A_104 = tpu.sem_alloc : memref<!tpu.dma_semaphore, #tpu.memory_space<semaphore_mem>>
      %dma_start3A_105 = arith.constant 0 : i32
      %dma_start3A_106 = arith.constant 0 : i32
      %dma_start3A_107 = tpu.memref_slice %arg5[%arg0, %arg1, %dma_start3A_105, %dma_start3A_106] : memref<2x16x80x64xi32, #tpu.memory_space<hbm>> -> memref<1x1x80x64xi32, #tpu.memory_space<hbm>>
      %dma_start3A_108 = tpu.memref_squeeze %dma_start3A_107 : memref<1x1x80x64xi32, #tpu.memory_space<hbm>> -> memref<80x64xi32, #tpu.memory_space<hbm>>
      %dma_start3A_109 = arith.constant 0 : i32
      %dma_start3A_110 = arith.constant 0 : i32
      %dma_start3A_111 = tpu.memref_slice %arg5[%arg0, %arg1, %dma_start3A_109, %dma_start3A_110] : memref<2x16x80x64xi32, #tpu.memory_space<hbm>> -> memref<1x1x80x64xi32, #tpu.memory_space<hbm>>
      %dma_start3A_112 = tpu.memref_squeeze %dma_start3A_111 : memref<1x1x80x64xi32, #tpu.memory_space<hbm>> -> memref<80x64xi32, #tpu.memory_space<hbm>>
      tpu.enqueue_dma source(%dma_start3A_112 : memref<80x64xi32, #tpu.memory_space<hbm>>) target(%arg11 : memref<80x64xi32, #tpu.memory_space<vmem>>) target_semaphore(%run_scoped3A_104 : memref<!tpu.dma_semaphore, #tpu.memory_space<semaphore_mem>>)
      %dma_wait3A_113 = arith.constant 0 : i32
      %dma_wait3A_114 = arith.constant 0 : i32
      %dma_wait3A_115 = tpu.memref_slice %arg5[%arg0, %arg1, %dma_wait3A_113, %dma_wait3A_114] : memref<2x16x80x64xi32, #tpu.memory_space<hbm>> -> memref<1x1x80x64xi32, #tpu.memory_space<hbm>>
      %dma_wait3A_116 = tpu.memref_squeeze %dma_wait3A_115 : memref<1x1x80x64xi32, #tpu.memory_space<hbm>> -> memref<80x64xi32, #tpu.memory_space<hbm>>
      %dma_wait3A_117 = arith.constant 0 : i32
      %dma_wait3A_118 = arith.constant 0 : i32
      %dma_wait3A_119 = tpu.memref_slice %arg5[%arg0, %arg1, %dma_wait3A_117, %dma_wait3A_118] : memref<2x16x80x64xi32, #tpu.memory_space<hbm>> -> memref<1x1x80x64xi32, #tpu.memory_space<hbm>>
      %dma_wait3A_120 = tpu.memref_squeeze %dma_wait3A_119 : memref<1x1x80x64xi32, #tpu.memory_space<hbm>> -> memref<80x64xi32, #tpu.memory_space<hbm>>
      tpu.wait_dma2 semaphore(%run_scoped3A_104 : memref<!tpu.dma_semaphore, #tpu.memory_space<semaphore_mem>>) src(%dma_wait3A_120 : memref<80x64xi32, #tpu.memory_space<hbm>>) dst(%arg11 : memref<80x64xi32, #tpu.memory_space<vmem>>)
      tpu.yield
    }) : () -> ()
    "tpu.region"() ({
      %run_scoped3A_104 = tpu.sem_alloc : memref<!tpu.dma_semaphore, #tpu.memory_space<semaphore_mem>>
      %dma_start3A_105 = arith.constant 0 : i32
      %dma_start3A_106 = arith.constant 0 : i32
      %dma_start3A_107 = tpu.memref_slice %arg3[%arg0, %arg1, %dma_start3A_105, %dma_start3A_106] : memref<2x16x80x64xi32, #tpu.memory_space<hbm>> -> memref<1x1x80x64xi32, #tpu.memory_space<hbm>>
      %dma_start3A_108 = tpu.memref_squeeze %dma_start3A_107 : memref<1x1x80x64xi32, #tpu.memory_space<hbm>> -> memref<80x64xi32, #tpu.memory_space<hbm>>
      %dma_start3A_109 = arith.constant 0 : i32
      %dma_start3A_110 = arith.constant 0 : i32
      %dma_start3A_111 = tpu.memref_slice %arg3[%arg0, %arg1, %dma_start3A_109, %dma_start3A_110] : memref<2x16x80x64xi32, #tpu.memory_space<hbm>> -> memref<1x1x80x64xi32, #tpu.memory_space<hbm>>
      %dma_start3A_112 = tpu.memref_squeeze %dma_start3A_111 : memref<1x1x80x64xi32, #tpu.memory_space<hbm>> -> memref<80x64xi32, #tpu.memory_space<hbm>>
      tpu.enqueue_dma source(%dma_start3A_112 : memref<80x64xi32, #tpu.memory_space<hbm>>) target(%arg10 : memref<80x64xi32, #tpu.memory_space<vmem>>) target_semaphore(%run_scoped3A_104 : memref<!tpu.dma_semaphore, #tpu.memory_space<semaphore_mem>>)
      %dma_wait3A_113 = arith.constant 0 : i32
      %dma_wait3A_114 = arith.constant 0 : i32
      %dma_wait3A_115 = tpu.memref_slice %arg3[%arg0, %arg1, %dma_wait3A_113, %dma_wait3A_114] : memref<2x16x80x64xi32, #tpu.memory_space<hbm>> -> memref<1x1x80x64xi32, #tpu.memory_space<hbm>>
      %dma_wait3A_116 = tpu.memref_squeeze %dma_wait3A_115 : memref<1x1x80x64xi32, #tpu.memory_space<hbm>> -> memref<80x64xi32, #tpu.memory_space<hbm>>
      %dma_wait3A_117 = arith.constant 0 : i32
      %dma_wait3A_118 = arith.constant 0 : i32
      %dma_wait3A_119 = tpu.memref_slice %arg3[%arg0, %arg1, %dma_wait3A_117, %dma_wait3A_118] : memref<2x16x80x64xi32, #tpu.memory_space<hbm>> -> memref<1x1x80x64xi32, #tpu.memory_space<hbm>>
      %dma_wait3A_120 = tpu.memref_squeeze %dma_wait3A_119 : memref<1x1x80x64xi32, #tpu.memory_space<hbm>> -> memref<80x64xi32, #tpu.memory_space<hbm>>
      tpu.wait_dma2 semaphore(%run_scoped3A_104 : memref<!tpu.dma_semaphore, #tpu.memory_space<semaphore_mem>>) src(%dma_wait3A_120 : memref<80x64xi32, #tpu.memory_space<hbm>>) dst(%arg10 : memref<80x64xi32, #tpu.memory_space<vmem>>)
      tpu.yield
    }) : () -> ()
    "tpu.region"() ({
      %run_scoped3A_104 = tpu.sem_alloc : memref<!tpu.dma_semaphore, #tpu.memory_space<semaphore_mem>>
      %dma_start3A_105 = arith.constant 0 : i32
      %dma_start3A_106 = tpu.memref_slice %arg9[%mul3A_0, %dma_start3A_105] : memref<10240x128xf32, #tpu.memory_space<vmem_shared>> -> memref<640x128xf32, #tpu.memory_space<vmem_shared>>
      tpu.enqueue_dma source(%arg6 : memref<640x128xf32, #tpu.memory_space<hbm>>) target(%dma_start3A_106 : memref<640x128xf32, #tpu.memory_space<vmem_shared>>) target_semaphore(%run_scoped3A_104 : memref<!tpu.dma_semaphore, #tpu.memory_space<semaphore_mem>>)
      %dma_wait3A_107 = arith.constant 0 : i32
      %dma_wait3A_108 = tpu.memref_slice %arg9[%mul3A_0, %dma_wait3A_107] : memref<10240x128xf32, #tpu.memory_space<vmem_shared>> -> memref<640x128xf32, #tpu.memory_space<vmem_shared>>
      tpu.wait_dma2 semaphore(%run_scoped3A_104 : memref<!tpu.dma_semaphore, #tpu.memory_space<semaphore_mem>>) src(%arg6 : memref<640x128xf32, #tpu.memory_space<hbm>>) dst(%dma_wait3A_108 : memref<640x128xf32, #tpu.memory_space<vmem_shared>>)
      tpu.yield
    }) : () -> ()
    %barrier3A = arith.constant 0 : index
    tpu.barrier barrier_id(%barrier3A)
    %dma_start3A = arith.constant 0 : i32
    %dma_start3A_1 = arith.constant 0 : i32
    %dma_start3A_2 = tpu.memref_slice %arg10[%dma_start3A, %dma_start3A_1] : memref<80x64xi32, #tpu.memory_space<vmem>> -> memref<1x64xi32, #tpu.memory_space<vmem>>
    %dma_start3A_3 = tpu.memref_squeeze %dma_start3A_2 : memref<1x64xi32, #tpu.memory_space<vmem>> -> memref<64xi32, #tpu.memory_space<vmem>>
    %dma_start3A_4 = arith.constant 0 : i32
    %dma_start3A_5 = arith.constant 0 : i32
    %dma_start3A_6 = tpu.memref_slice %arg2[%dma_start3A_4, %dma_start3A_5] : memref<20000x128xf32, #tpu.memory_space<hbm>> -> memref<20000x128xf32, #tpu.memory_space<hbm>>
    tpu.enqueue_indirect_dma source(%dma_start3A_6 : memref<20000x128xf32, #tpu.memory_space<hbm>>) target(%arg12 : memref<64x128xf32, #tpu.memory_space<vmem>>) offsets(%dma_start3A_3 : memref<64xi32, #tpu.memory_space<vmem>>) semaphore(%arg15 : memref<!tpu.dma_semaphore, #tpu.memory_space<semaphore_mem>>)
    %dma_start3A_7 = arith.constant 1 : i32
    %dma_start3A_8 = arith.constant 0 : i32
    %dma_start3A_9 = tpu.memref_slice %arg10[%dma_start3A_7, %dma_start3A_8] : memref<80x64xi32, #tpu.memory_space<vmem>> -> memref<1x64xi32, #tpu.memory_space<vmem>>
    %dma_start3A_10 = tpu.memref_squeeze %dma_start3A_9 : memref<1x64xi32, #tpu.memory_space<vmem>> -> memref<64xi32, #tpu.memory_space<vmem>>
    %dma_start3A_11 = arith.constant 0 : i32
    %dma_start3A_12 = arith.constant 0 : i32
    %dma_start3A_13 = tpu.memref_slice %arg2[%dma_start3A_11, %dma_start3A_12] : memref<20000x128xf32, #tpu.memory_space<hbm>> -> memref<20000x128xf32, #tpu.memory_space<hbm>>
    tpu.enqueue_indirect_dma source(%dma_start3A_13 : memref<20000x128xf32, #tpu.memory_space<hbm>>) target(%arg13 : memref<64x128xf32, #tpu.memory_space<vmem>>) offsets(%dma_start3A_10 : memref<64xi32, #tpu.memory_space<vmem>>) semaphore(%arg16 : memref<!tpu.dma_semaphore, #tpu.memory_space<semaphore_mem>>)
    %dma_start3A_14 = arith.constant 2 : i32
    %dma_start3A_15 = arith.constant 0 : i32
    %dma_start3A_16 = tpu.memref_slice %arg10[%dma_start3A_14, %dma_start3A_15] : memref<80x64xi32, #tpu.memory_space<vmem>> -> memref<1x64xi32, #tpu.memory_space<vmem>>
    %dma_start3A_17 = tpu.memref_squeeze %dma_start3A_16 : memref<1x64xi32, #tpu.memory_space<vmem>> -> memref<64xi32, #tpu.memory_space<vmem>>
    %dma_start3A_18 = arith.constant 0 : i32
    %dma_start3A_19 = arith.constant 0 : i32
    %dma_start3A_20 = tpu.memref_slice %arg2[%dma_start3A_18, %dma_start3A_19] : memref<20000x128xf32, #tpu.memory_space<hbm>> -> memref<20000x128xf32, #tpu.memory_space<hbm>>
    tpu.enqueue_indirect_dma source(%dma_start3A_20 : memref<20000x128xf32, #tpu.memory_space<hbm>>) target(%arg14 : memref<64x128xf32, #tpu.memory_space<vmem>>) offsets(%dma_start3A_17 : memref<64xi32, #tpu.memory_space<vmem>>) semaphore(%arg17 : memref<!tpu.dma_semaphore, #tpu.memory_space<semaphore_mem>>)
    %scan3A = arith.constant 0 : i32
    %scan3A_21 = arith.constant 0 : i32
    %scan3A_22 = arith.constant 77 : i32
    %scan3A_23 = arith.addi %scan3A_21, %scan3A_22 : i32
    %scan3A_24 = arith.constant 1 : i32
    scf.for %scan3A_104 = %scan3A_21 to %scan3A_23 step %scan3A_24  : i32 {
      %rem3A = arith.constant 3 : i32
      %rem3A_105 = arith.remsi %scan3A_104, %rem3A : i32
      %eq3A = arith.constant 0 : i32
      %eq3A_106 = arith.cmpi eq, %rem3A_105, %eq3A : i32
      %convert_element_type3A = arith.extui %eq3A_106 : i1 to i32
      %cond3A = arith.constant 0 : i32
      %cond3A_107 = arith.cmpi ne, %convert_element_type3A, %cond3A : i32
      scf.if %cond3A_107 {
        %dma_wait3A_118 = arith.constant 0 : i32
        %dma_wait3A_119 = arith.constant 0 : i32
        %dma_wait3A_120 = tpu.memref_slice %arg10[%dma_wait3A_118, %dma_wait3A_119] : memref<80x64xi32, #tpu.memory_space<vmem>> -> memref<1x64xi32, #tpu.memory_space<vmem>>
        %dma_wait3A_121 = tpu.memref_squeeze %dma_wait3A_120 : memref<1x64xi32, #tpu.memory_space<vmem>> -> memref<64xi32, #tpu.memory_space<vmem>>
        %dma_wait3A_122 = arith.constant 0 : i32
        %dma_wait3A_123 = arith.constant 0 : i32
        %dma_wait3A_124 = tpu.memref_slice %arg2[%dma_wait3A_122, %dma_wait3A_123] : memref<20000x128xf32, #tpu.memory_space<hbm>> -> memref<20000x128xf32, #tpu.memory_space<hbm>>
        tpu.wait_indirect_dma semaphore(%arg15 : memref<!tpu.dma_semaphore, #tpu.memory_space<semaphore_mem>>) src(%dma_wait3A_124 : memref<20000x128xf32, #tpu.memory_space<hbm>>) dst(%arg12 : memref<64x128xf32, #tpu.memory_space<vmem>>)
        "tpu.region"() ({
          %run_scoped3A_132 = tpu.sem_alloc : memref<!tpu.dma_semaphore, #tpu.memory_space<semaphore_mem>>
          %dma_start3A_133 = arith.constant 0 : i32
          %dma_start3A_134 = tpu.memref_slice %arg11[%scan3A_104, %dma_start3A_133] : memref<80x64xi32, #tpu.memory_space<vmem>> -> memref<1x64xi32, #tpu.memory_space<vmem>>
          %dma_start3A_135 = tpu.memref_squeeze %dma_start3A_134 : memref<1x64xi32, #tpu.memory_space<vmem>> -> memref<64xi32, #tpu.memory_space<vmem>>
          %dma_start3A_136 = arith.constant 0 : i32
          %dma_start3A_137 = arith.constant 0 : i32
          %dma_start3A_138 = tpu.memref_slice %arg9[%dma_start3A_136, %dma_start3A_137] : memref<10240x128xf32, #tpu.memory_space<vmem_shared>> -> memref<10240x128xf32, #tpu.memory_space<vmem_shared>>
          tpu.enqueue_indirect_dma source(%arg12 : memref<64x128xf32, #tpu.memory_space<vmem>>) target(%dma_start3A_138 : memref<10240x128xf32, #tpu.memory_space<vmem_shared>>) offsets(%dma_start3A_135 : memref<64xi32, #tpu.memory_space<vmem>>) semaphore(%run_scoped3A_132 : memref<!tpu.dma_semaphore, #tpu.memory_space<semaphore_mem>>) {add = true}
          %dma_wait3A_139 = arith.constant 0 : i32
          %dma_wait3A_140 = tpu.memref_slice %arg11[%scan3A_104, %dma_wait3A_139] : memref<80x64xi32, #tpu.memory_space<vmem>> -> memref<1x64xi32, #tpu.memory_space<vmem>>
          %dma_wait3A_141 = tpu.memref_squeeze %dma_wait3A_140 : memref<1x64xi32, #tpu.memory_space<vmem>> -> memref<64xi32, #tpu.memory_space<vmem>>
          %dma_wait3A_142 = arith.constant 0 : i32
          %dma_wait3A_143 = arith.constant 0 : i32
          %dma_wait3A_144 = tpu.memref_slice %arg9[%dma_wait3A_142, %dma_wait3A_143] : memref<10240x128xf32, #tpu.memory_space<vmem_shared>> -> memref<10240x128xf32, #tpu.memory_space<vmem_shared>>
          tpu.wait_indirect_dma semaphore(%run_scoped3A_132 : memref<!tpu.dma_semaphore, #tpu.memory_space<semaphore_mem>>) src(%arg12 : memref<64x128xf32, #tpu.memory_space<vmem>>) dst(%dma_wait3A_144 : memref<10240x128xf32, #tpu.memory_space<vmem_shared>>)
          tpu.yield
        }) : () -> ()
        %add3A = arith.constant 3 : i32
        %add3A_125 = arith.addi %scan3A_104, %add3A : i32
        %dma_start3A_126 = arith.constant 0 : i32
        %dma_start3A_127 = tpu.memref_slice %arg10[%add3A_125, %dma_start3A_126] : memref<80x64xi32, #tpu.memory_space<vmem>> -> memref<1x64xi32, #tpu.memory_space<vmem>>
        %dma_start3A_128 = tpu.memref_squeeze %dma_start3A_127 : memref<1x64xi32, #tpu.memory_space<vmem>> -> memref<64xi32, #tpu.memory_space<vmem>>
        %dma_start3A_129 = arith.constant 0 : i32
        %dma_start3A_130 = arith.constant 0 : i32
        %dma_start3A_131 = tpu.memref_slice %arg2[%dma_start3A_129, %dma_start3A_130] : memref<20000x128xf32, #tpu.memory_space<hbm>> -> memref<20000x128xf32, #tpu.memory_space<hbm>>
        tpu.enqueue_indirect_dma source(%dma_start3A_131 : memref<20000x128xf32, #tpu.memory_space<hbm>>) target(%arg12 : memref<64x128xf32, #tpu.memory_space<vmem>>) offsets(%dma_start3A_128 : memref<64xi32, #tpu.memory_space<vmem>>) semaphore(%arg15 : memref<!tpu.dma_semaphore, #tpu.memory_space<semaphore_mem>>)
      } else {
      }
      %eq3A_108 = arith.constant 1 : i32
      %eq3A_109 = arith.cmpi eq, %rem3A_105, %eq3A_108 : i32
      %convert_element_type3A_110 = arith.extui %eq3A_109 : i1 to i32
      %cond3A_111 = arith.constant 0 : i32
      %cond3A_112 = arith.cmpi ne, %convert_element_type3A_110, %cond3A_111 : i32
      scf.if %cond3A_112 {
        %dma_wait3A_118 = arith.constant 0 : i32
        %dma_wait3A_119 = arith.constant 0 : i32
        %dma_wait3A_120 = tpu.memref_slice %arg10[%dma_wait3A_118, %dma_wait3A_119] : memref<80x64xi32, #tpu.memory_space<vmem>> -> memref<1x64xi32, #tpu.memory_space<vmem>>
        %dma_wait3A_121 = tpu.memref_squeeze %dma_wait3A_120 : memref<1x64xi32, #tpu.memory_space<vmem>> -> memref<64xi32, #tpu.memory_space<vmem>>
        %dma_wait3A_122 = arith.constant 0 : i32
        %dma_wait3A_123 = arith.constant 0 : i32
        %dma_wait3A_124 = tpu.memref_slice %arg2[%dma_wait3A_122, %dma_wait3A_123] : memref<20000x128xf32, #tpu.memory_space<hbm>> -> memref<20000x128xf32, #tpu.memory_space<hbm>>
        tpu.wait_indirect_dma semaphore(%arg16 : memref<!tpu.dma_semaphore, #tpu.memory_space<semaphore_mem>>) src(%dma_wait3A_124 : memref<20000x128xf32, #tpu.memory_space<hbm>>) dst(%arg13 : memref<64x128xf32, #tpu.memory_space<vmem>>)
        "tpu.region"() ({
          %run_scoped3A_132 = tpu.sem_alloc : memref<!tpu.dma_semaphore, #tpu.memory_space<semaphore_mem>>
          %dma_start3A_133 = arith.constant 0 : i32
          %dma_start3A_134 = tpu.memref_slice %arg11[%scan3A_104, %dma_start3A_133] : memref<80x64xi32, #tpu.memory_space<vmem>> -> memref<1x64xi32, #tpu.memory_space<vmem>>
          %dma_start3A_135 = tpu.memref_squeeze %dma_start3A_134 : memref<1x64xi32, #tpu.memory_space<vmem>> -> memref<64xi32, #tpu.memory_space<vmem>>
          %dma_start3A_136 = arith.constant 0 : i32
          %dma_start3A_137 = arith.constant 0 : i32
          %dma_start3A_138 = tpu.memref_slice %arg9[%dma_start3A_136, %dma_start3A_137] : memref<10240x128xf32, #tpu.memory_space<vmem_shared>> -> memref<10240x128xf32, #tpu.memory_space<vmem_shared>>
          tpu.enqueue_indirect_dma source(%arg13 : memref<64x128xf32, #tpu.memory_space<vmem>>) target(%dma_start3A_138 : memref<10240x128xf32, #tpu.memory_space<vmem_shared>>) offsets(%dma_start3A_135 : memref<64xi32, #tpu.memory_space<vmem>>) semaphore(%run_scoped3A_132 : memref<!tpu.dma_semaphore, #tpu.memory_space<semaphore_mem>>) {add = true}
          %dma_wait3A_139 = arith.constant 0 : i32
          %dma_wait3A_140 = tpu.memref_slice %arg11[%scan3A_104, %dma_wait3A_139] : memref<80x64xi32, #tpu.memory_space<vmem>> -> memref<1x64xi32, #tpu.memory_space<vmem>>
          %dma_wait3A_141 = tpu.memref_squeeze %dma_wait3A_140 : memref<1x64xi32, #tpu.memory_space<vmem>> -> memref<64xi32, #tpu.memory_space<vmem>>
          %dma_wait3A_142 = arith.constant 0 : i32
          %dma_wait3A_143 = arith.constant 0 : i32
          %dma_wait3A_144 = tpu.memref_slice %arg9[%dma_wait3A_142, %dma_wait3A_143] : memref<10240x128xf32, #tpu.memory_space<vmem_shared>> -> memref<10240x128xf32, #tpu.memory_space<vmem_shared>>
          tpu.wait_indirect_dma semaphore(%run_scoped3A_132 : memref<!tpu.dma_semaphore, #tpu.memory_space<semaphore_mem>>) src(%arg13 : memref<64x128xf32, #tpu.memory_space<vmem>>) dst(%dma_wait3A_144 : memref<10240x128xf32, #tpu.memory_space<vmem_shared>>)
          tpu.yield
        }) : () -> ()
        %add3A = arith.constant 3 : i32
        %add3A_125 = arith.addi %scan3A_104, %add3A : i32
        %dma_start3A_126 = arith.constant 0 : i32
        %dma_start3A_127 = tpu.memref_slice %arg10[%add3A_125, %dma_start3A_126] : memref<80x64xi32, #tpu.memory_space<vmem>> -> memref<1x64xi32, #tpu.memory_space<vmem>>
        %dma_start3A_128 = tpu.memref_squeeze %dma_start3A_127 : memref<1x64xi32, #tpu.memory_space<vmem>> -> memref<64xi32, #tpu.memory_space<vmem>>
        %dma_start3A_129 = arith.constant 0 : i32
        %dma_start3A_130 = arith.constant 0 : i32
        %dma_start3A_131 = tpu.memref_slice %arg2[%dma_start3A_129, %dma_start3A_130] : memref<20000x128xf32, #tpu.memory_space<hbm>> -> memref<20000x128xf32, #tpu.memory_space<hbm>>
        tpu.enqueue_indirect_dma source(%dma_start3A_131 : memref<20000x128xf32, #tpu.memory_space<hbm>>) target(%arg13 : memref<64x128xf32, #tpu.memory_space<vmem>>) offsets(%dma_start3A_128 : memref<64xi32, #tpu.memory_space<vmem>>) semaphore(%arg16 : memref<!tpu.dma_semaphore, #tpu.memory_space<semaphore_mem>>)
      } else {
      }
      %eq3A_113 = arith.constant 2 : i32
      %eq3A_114 = arith.cmpi eq, %rem3A_105, %eq3A_113 : i32
      %convert_element_type3A_115 = arith.extui %eq3A_114 : i1 to i32
      %cond3A_116 = arith.constant 0 : i32
      %cond3A_117 = arith.cmpi ne, %convert_element_type3A_115, %cond3A_116 : i32
      scf.if %cond3A_117 {
        %dma_wait3A_118 = arith.constant 0 : i32
        %dma_wait3A_119 = arith.constant 0 : i32
        %dma_wait3A_120 = tpu.memref_slice %arg10[%dma_wait3A_118, %dma_wait3A_119] : memref<80x64xi32, #tpu.memory_space<vmem>> -> memref<1x64xi32, #tpu.memory_space<vmem>>
        %dma_wait3A_121 = tpu.memref_squeeze %dma_wait3A_120 : memref<1x64xi32, #tpu.memory_space<vmem>> -> memref<64xi32, #tpu.memory_space<vmem>>
        %dma_wait3A_122 = arith.constant 0 : i32
        %dma_wait3A_123 = arith.constant 0 : i32
        %dma_wait3A_124 = tpu.memref_slice %arg2[%dma_wait3A_122, %dma_wait3A_123] : memref<20000x128xf32, #tpu.memory_space<hbm>> -> memref<20000x128xf32, #tpu.memory_space<hbm>>
        tpu.wait_indirect_dma semaphore(%arg17 : memref<!tpu.dma_semaphore, #tpu.memory_space<semaphore_mem>>) src(%dma_wait3A_124 : memref<20000x128xf32, #tpu.memory_space<hbm>>) dst(%arg14 : memref<64x128xf32, #tpu.memory_space<vmem>>)
        "tpu.region"() ({
          %run_scoped3A_132 = tpu.sem_alloc : memref<!tpu.dma_semaphore, #tpu.memory_space<semaphore_mem>>
          %dma_start3A_133 = arith.constant 0 : i32
          %dma_start3A_134 = tpu.memref_slice %arg11[%scan3A_104, %dma_start3A_133] : memref<80x64xi32, #tpu.memory_space<vmem>> -> memref<1x64xi32, #tpu.memory_space<vmem>>
          %dma_start3A_135 = tpu.memref_squeeze %dma_start3A_134 : memref<1x64xi32, #tpu.memory_space<vmem>> -> memref<64xi32, #tpu.memory_space<vmem>>
          %dma_start3A_136 = arith.constant 0 : i32
          %dma_start3A_137 = arith.constant 0 : i32
          %dma_start3A_138 = tpu.memref_slice %arg9[%dma_start3A_136, %dma_start3A_137] : memref<10240x128xf32, #tpu.memory_space<vmem_shared>> -> memref<10240x128xf32, #tpu.memory_space<vmem_shared>>
          tpu.enqueue_indirect_dma source(%arg14 : memref<64x128xf32, #tpu.memory_space<vmem>>) target(%dma_start3A_138 : memref<10240x128xf32, #tpu.memory_space<vmem_shared>>) offsets(%dma_start3A_135 : memref<64xi32, #tpu.memory_space<vmem>>) semaphore(%run_scoped3A_132 : memref<!tpu.dma_semaphore, #tpu.memory_space<semaphore_mem>>) {add = true}
          %dma_wait3A_139 = arith.constant 0 : i32
          %dma_wait3A_140 = tpu.memref_slice %arg11[%scan3A_104, %dma_wait3A_139] : memref<80x64xi32, #tpu.memory_space<vmem>> -> memref<1x64xi32, #tpu.memory_space<vmem>>
          %dma_wait3A_141 = tpu.memref_squeeze %dma_wait3A_140 : memref<1x64xi32, #tpu.memory_space<vmem>> -> memref<64xi32, #tpu.memory_space<vmem>>
          %dma_wait3A_142 = arith.constant 0 : i32
          %dma_wait3A_143 = arith.constant 0 : i32
          %dma_wait3A_144 = tpu.memref_slice %arg9[%dma_wait3A_142, %dma_wait3A_143] : memref<10240x128xf32, #tpu.memory_space<vmem_shared>> -> memref<10240x128xf32, #tpu.memory_space<vmem_shared>>
          tpu.wait_indirect_dma semaphore(%run_scoped3A_132 : memref<!tpu.dma_semaphore, #tpu.memory_space<semaphore_mem>>) src(%arg14 : memref<64x128xf32, #tpu.memory_space<vmem>>) dst(%dma_wait3A_144 : memref<10240x128xf32, #tpu.memory_space<vmem_shared>>)
          tpu.yield
        }) : () -> ()
        %add3A = arith.constant 3 : i32
        %add3A_125 = arith.addi %scan3A_104, %add3A : i32
        %dma_start3A_126 = arith.constant 0 : i32
        %dma_start3A_127 = tpu.memref_slice %arg10[%add3A_125, %dma_start3A_126] : memref<80x64xi32, #tpu.memory_space<vmem>> -> memref<1x64xi32, #tpu.memory_space<vmem>>
        %dma_start3A_128 = tpu.memref_squeeze %dma_start3A_127 : memref<1x64xi32, #tpu.memory_space<vmem>> -> memref<64xi32, #tpu.memory_space<vmem>>
        %dma_start3A_129 = arith.constant 0 : i32
        %dma_start3A_130 = arith.constant 0 : i32
        %dma_start3A_131 = tpu.memref_slice %arg2[%dma_start3A_129, %dma_start3A_130] : memref<20000x128xf32, #tpu.memory_space<hbm>> -> memref<20000x128xf32, #tpu.memory_space<hbm>>
        tpu.enqueue_indirect_dma source(%dma_start3A_131 : memref<20000x128xf32, #tpu.memory_space<hbm>>) target(%arg14 : memref<64x128xf32, #tpu.memory_space<vmem>>) offsets(%dma_start3A_128 : memref<64xi32, #tpu.memory_space<vmem>>) semaphore(%arg17 : memref<!tpu.dma_semaphore, #tpu.memory_space<semaphore_mem>>)
      } else {
      }
    }
    %scan3A_25 = arith.constant 77 : i32
    %dma_wait3A = arith.constant 0 : i32
    %dma_wait3A_26 = arith.constant 0 : i32
    %dma_wait3A_27 = tpu.memref_slice %arg10[%dma_wait3A, %dma_wait3A_26] : memref<80x64xi32, #tpu.memory_space<vmem>> -> memref<1x64xi32, #tpu.memory_space<vmem>>
    %dma_wait3A_28 = tpu.memref_squeeze %dma_wait3A_27 : memref<1x64xi32, #tpu.memory_space<vmem>> -> memref<64xi32, #tpu.memory_space<vmem>>
    %dma_wait3A_29 = arith.constant 0 : i32
    %dma_wait3A_30 = arith.constant 0 : i32
    %dma_wait3A_31 = tpu.memref_slice %arg2[%dma_wait3A_29, %dma_wait3A_30] : memref<20000x128xf32, #tpu.memory_space<hbm>> -> memref<20000x128xf32, #tpu.memory_space<hbm>>
    tpu.wait_indirect_dma semaphore(%arg17 : memref<!tpu.dma_semaphore, #tpu.memory_space<semaphore_mem>>) src(%dma_wait3A_31 : memref<20000x128xf32, #tpu.memory_space<hbm>>) dst(%arg14 : memref<64x128xf32, #tpu.memory_space<vmem>>)
    %run_scoped3A = arith.constant 77 : i32
    "tpu.region"() ({
      %run_scoped3A_104 = tpu.sem_alloc : memref<!tpu.dma_semaphore, #tpu.memory_space<semaphore_mem>>
      %dma_start3A_105 = arith.constant 0 : i32
      %dma_start3A_106 = tpu.memref_slice %arg11[%run_scoped3A, %dma_start3A_105] : memref<80x64xi32, #tpu.memory_space<vmem>> -> memref<1x64xi32, #tpu.memory_space<vmem>>
      %dma_start3A_107 = tpu.memref_squeeze %dma_start3A_106 : memref<1x64xi32, #tpu.memory_space<vmem>> -> memref<64xi32, #tpu.memory_space<vmem>>
      %dma_start3A_108 = arith.constant 0 : i32
      %dma_start3A_109 = arith.constant 0 : i32
      %dma_start3A_110 = tpu.memref_slice %arg9[%dma_start3A_108, %dma_start3A_109] : memref<10240x128xf32, #tpu.memory_space<vmem_shared>> -> memref<10240x128xf32, #tpu.memory_space<vmem_shared>>
      tpu.enqueue_indirect_dma source(%arg14 : memref<64x128xf32, #tpu.memory_space<vmem>>) target(%dma_start3A_110 : memref<10240x128xf32, #tpu.memory_space<vmem_shared>>) offsets(%dma_start3A_107 : memref<64xi32, #tpu.memory_space<vmem>>) semaphore(%run_scoped3A_104 : memref<!tpu.dma_semaphore, #tpu.memory_space<semaphore_mem>>) {add = true}
      %dma_wait3A_111 = arith.constant 0 : i32
      %dma_wait3A_112 = tpu.memref_slice %arg11[%run_scoped3A, %dma_wait3A_111] : memref<80x64xi32, #tpu.memory_space<vmem>> -> memref<1x64xi32, #tpu.memory_space<vmem>>
      %dma_wait3A_113 = tpu.memref_squeeze %dma_wait3A_112 : memref<1x64xi32, #tpu.memory_space<vmem>> -> memref<64xi32, #tpu.memory_space<vmem>>
      %dma_wait3A_114 = arith.constant 0 : i32
      %dma_wait3A_115 = arith.constant 0 : i32
      %dma_wait3A_116 = tpu.memref_slice %arg9[%dma_wait3A_114, %dma_wait3A_115] : memref<10240x128xf32, #tpu.memory_space<vmem_shared>> -> memref<10240x128xf32, #tpu.memory_space<vmem_shared>>
      tpu.wait_indirect_dma semaphore(%run_scoped3A_104 : memref<!tpu.dma_semaphore, #tpu.memory_space<semaphore_mem>>) src(%arg14 : memref<64x128xf32, #tpu.memory_space<vmem>>) dst(%dma_wait3A_116 : memref<10240x128xf32, #tpu.memory_space<vmem_shared>>)
      tpu.yield
    }) : () -> ()
    %dma_wait3A_32 = arith.constant 0 : i32
    %dma_wait3A_33 = arith.constant 0 : i32
    %dma_wait3A_34 = tpu.memref_slice %arg10[%dma_wait3A_32, %dma_wait3A_33] : memref<80x64xi32, #tpu.memory_space<vmem>> -> memref<1x64xi32, #tpu.memory_space<vmem>>
    %dma_wait3A_35 = tpu.memref_squeeze %dma_wait3A_34 : memref<1x64xi32, #tpu.memory_space<vmem>> -> memref<64xi32, #tpu.memory_space<vmem>>
    %dma_wait3A_36 = arith.constant 0 : i32
    %dma_wait3A_37 = arith.constant 0 : i32
    %dma_wait3A_38 = tpu.memref_slice %arg2[%dma_wait3A_36, %dma_wait3A_37] : memref<20000x128xf32, #tpu.memory_space<hbm>> -> memref<20000x128xf32, #tpu.memory_space<hbm>>
    tpu.wait_indirect_dma semaphore(%arg15 : memref<!tpu.dma_semaphore, #tpu.memory_space<semaphore_mem>>) src(%dma_wait3A_38 : memref<20000x128xf32, #tpu.memory_space<hbm>>) dst(%arg12 : memref<64x128xf32, #tpu.memory_space<vmem>>)
    %run_scoped3A_39 = arith.constant 78 : i32
    "tpu.region"() ({
      %run_scoped3A_104 = tpu.sem_alloc : memref<!tpu.dma_semaphore, #tpu.memory_space<semaphore_mem>>
      %dma_start3A_105 = arith.constant 0 : i32
      %dma_start3A_106 = tpu.memref_slice %arg11[%run_scoped3A_39, %dma_start3A_105] : memref<80x64xi32, #tpu.memory_space<vmem>> -> memref<1x64xi32, #tpu.memory_space<vmem>>
      %dma_start3A_107 = tpu.memref_squeeze %dma_start3A_106 : memref<1x64xi32, #tpu.memory_space<vmem>> -> memref<64xi32, #tpu.memory_space<vmem>>
      %dma_start3A_108 = arith.constant 0 : i32
      %dma_start3A_109 = arith.constant 0 : i32
      %dma_start3A_110 = tpu.memref_slice %arg9[%dma_start3A_108, %dma_start3A_109] : memref<10240x128xf32, #tpu.memory_space<vmem_shared>> -> memref<10240x128xf32, #tpu.memory_space<vmem_shared>>
      tpu.enqueue_indirect_dma source(%arg12 : memref<64x128xf32, #tpu.memory_space<vmem>>) target(%dma_start3A_110 : memref<10240x128xf32, #tpu.memory_space<vmem_shared>>) offsets(%dma_start3A_107 : memref<64xi32, #tpu.memory_space<vmem>>) semaphore(%run_scoped3A_104 : memref<!tpu.dma_semaphore, #tpu.memory_space<semaphore_mem>>) {add = true}
      %dma_wait3A_111 = arith.constant 0 : i32
      %dma_wait3A_112 = tpu.memref_slice %arg11[%run_scoped3A_39, %dma_wait3A_111] : memref<80x64xi32, #tpu.memory_space<vmem>> -> memref<1x64xi32, #tpu.memory_space<vmem>>
      %dma_wait3A_113 = tpu.memref_squeeze %dma_wait3A_112 : memref<1x64xi32, #tpu.memory_space<vmem>> -> memref<64xi32, #tpu.memory_space<vmem>>
      %dma_wait3A_114 = arith.constant 0 : i32
      %dma_wait3A_115 = arith.constant 0 : i32
      %dma_wait3A_116 = tpu.memref_slice %arg9[%dma_wait3A_114, %dma_wait3A_115] : memref<10240x128xf32, #tpu.memory_space<vmem_shared>> -> memref<10240x128xf32, #tpu.memory_space<vmem_shared>>
      tpu.wait_indirect_dma semaphore(%run_scoped3A_104 : memref<!tpu.dma_semaphore, #tpu.memory_space<semaphore_mem>>) src(%arg12 : memref<64x128xf32, #tpu.memory_space<vmem>>) dst(%dma_wait3A_116 : memref<10240x128xf32, #tpu.memory_space<vmem_shared>>)
      tpu.yield
    }) : () -> ()
    %dma_wait3A_40 = arith.constant 0 : i32
    %dma_wait3A_41 = arith.constant 0 : i32
    %dma_wait3A_42 = tpu.memref_slice %arg10[%dma_wait3A_40, %dma_wait3A_41] : memref<80x64xi32, #tpu.memory_space<vmem>> -> memref<1x64xi32, #tpu.memory_space<vmem>>
    %dma_wait3A_43 = tpu.memref_squeeze %dma_wait3A_42 : memref<1x64xi32, #tpu.memory_space<vmem>> -> memref<64xi32, #tpu.memory_space<vmem>>
    %dma_wait3A_44 = arith.constant 0 : i32
    %dma_wait3A_45 = arith.constant 0 : i32
    %dma_wait3A_46 = tpu.memref_slice %arg2[%dma_wait3A_44, %dma_wait3A_45] : memref<20000x128xf32, #tpu.memory_space<hbm>> -> memref<20000x128xf32, #tpu.memory_space<hbm>>
    tpu.wait_indirect_dma semaphore(%arg16 : memref<!tpu.dma_semaphore, #tpu.memory_space<semaphore_mem>>) src(%dma_wait3A_46 : memref<20000x128xf32, #tpu.memory_space<hbm>>) dst(%arg13 : memref<64x128xf32, #tpu.memory_space<vmem>>)
    %run_scoped3A_47 = arith.constant 79 : i32
    "tpu.region"() ({
      %run_scoped3A_104 = tpu.sem_alloc : memref<!tpu.dma_semaphore, #tpu.memory_space<semaphore_mem>>
      %dma_start3A_105 = arith.constant 0 : i32
      %dma_start3A_106 = tpu.memref_slice %arg11[%run_scoped3A_47, %dma_start3A_105] : memref<80x64xi32, #tpu.memory_space<vmem>> -> memref<1x64xi32, #tpu.memory_space<vmem>>
      %dma_start3A_107 = tpu.memref_squeeze %dma_start3A_106 : memref<1x64xi32, #tpu.memory_space<vmem>> -> memref<64xi32, #tpu.memory_space<vmem>>
      %dma_start3A_108 = arith.constant 0 : i32
      %dma_start3A_109 = arith.constant 0 : i32
      %dma_start3A_110 = tpu.memref_slice %arg9[%dma_start3A_108, %dma_start3A_109] : memref<10240x128xf32, #tpu.memory_space<vmem_shared>> -> memref<10240x128xf32, #tpu.memory_space<vmem_shared>>
      tpu.enqueue_indirect_dma source(%arg13 : memref<64x128xf32, #tpu.memory_space<vmem>>) target(%dma_start3A_110 : memref<10240x128xf32, #tpu.memory_space<vmem_shared>>) offsets(%dma_start3A_107 : memref<64xi32, #tpu.memory_space<vmem>>) semaphore(%run_scoped3A_104 : memref<!tpu.dma_semaphore, #tpu.memory_space<semaphore_mem>>) {add = true}
      %dma_wait3A_111 = arith.constant 0 : i32
      %dma_wait3A_112 = tpu.memref_slice %arg11[%run_scoped3A_47, %dma_wait3A_111] : memref<80x64xi32, #tpu.memory_space<vmem>> -> memref<1x64xi32, #tpu.memory_space<vmem>>
      %dma_wait3A_113 = tpu.memref_squeeze %dma_wait3A_112 : memref<1x64xi32, #tpu.memory_space<vmem>> -> memref<64xi32, #tpu.memory_space<vmem>>
      %dma_wait3A_114 = arith.constant 0 : i32
      %dma_wait3A_115 = arith.constant 0 : i32
      %dma_wait3A_116 = tpu.memref_slice %arg9[%dma_wait3A_114, %dma_wait3A_115] : memref<10240x128xf32, #tpu.memory_space<vmem_shared>> -> memref<10240x128xf32, #tpu.memory_space<vmem_shared>>
      tpu.wait_indirect_dma semaphore(%run_scoped3A_104 : memref<!tpu.dma_semaphore, #tpu.memory_space<semaphore_mem>>) src(%arg13 : memref<64x128xf32, #tpu.memory_space<vmem>>) dst(%dma_wait3A_116 : memref<10240x128xf32, #tpu.memory_space<vmem_shared>>)
      tpu.yield
    }) : () -> ()
    %barrier3A_48 = arith.constant 0 : index
    tpu.barrier barrier_id(%barrier3A_48)
    "tpu.region"() ({
      %run_scoped3A_104 = tpu.sem_alloc : memref<!tpu.dma_semaphore, #tpu.memory_space<semaphore_mem>>
      %dma_start3A_105 = arith.constant 0 : i32
      %dma_start3A_106 = tpu.memref_slice %arg7[%arg0, %mul3A_0, %dma_start3A_105] : memref<2x10240x128xf32, #tpu.memory_space<hbm>> -> memref<1x640x128xf32, #tpu.memory_space<hbm>>
      %dma_start3A_107 = tpu.memref_squeeze %dma_start3A_106 : memref<1x640x128xf32, #tpu.memory_space<hbm>> -> memref<640x128xf32, #tpu.memory_space<hbm>>
      %dma_start3A_108 = arith.constant 0 : i32
      %dma_start3A_109 = tpu.memref_slice %arg9[%mul3A_0, %dma_start3A_108] : memref<10240x128xf32, #tpu.memory_space<vmem_shared>> -> memref<640x128xf32, #tpu.memory_space<vmem_shared>>
      tpu.enqueue_dma source(%dma_start3A_109 : memref<640x128xf32, #tpu.memory_space<vmem_shared>>) target(%dma_start3A_107 : memref<640x128xf32, #tpu.memory_space<hbm>>) target_semaphore(%run_scoped3A_104 : memref<!tpu.dma_semaphore, #tpu.memory_space<semaphore_mem>>)
      %dma_wait3A_110 = arith.constant 0 : i32
      %dma_wait3A_111 = tpu.memref_slice %arg7[%arg0, %mul3A_0, %dma_wait3A_110] : memref<2x10240x128xf32, #tpu.memory_space<hbm>> -> memref<1x640x128xf32, #tpu.memory_space<hbm>>
      %dma_wait3A_112 = tpu.memref_squeeze %dma_wait3A_111 : memref<1x640x128xf32, #tpu.memory_space<hbm>> -> memref<640x128xf32, #tpu.memory_space<hbm>>
      %dma_wait3A_113 = arith.constant 0 : i32
      %dma_wait3A_114 = tpu.memref_slice %arg9[%mul3A_0, %dma_wait3A_113] : memref<10240x128xf32, #tpu.memory_space<vmem_shared>> -> memref<640x128xf32, #tpu.memory_space<vmem_shared>>
      tpu.wait_dma2 semaphore(%run_scoped3A_104 : memref<!tpu.dma_semaphore, #tpu.memory_space<semaphore_mem>>) src(%dma_wait3A_114 : memref<640x128xf32, #tpu.memory_space<vmem_shared>>) dst(%dma_wait3A_112 : memref<640x128xf32, #tpu.memory_space<hbm>>)
      tpu.yield
    }) : () -> ()
    %barrier3A_49 = arith.constant 0 : index
    tpu.barrier barrier_id(%barrier3A_49)
    "tpu.region"() ({
      %run_scoped3A_104 = tpu.sem_alloc : memref<!tpu.dma_semaphore, #tpu.memory_space<semaphore_mem>>
      %dma_start3A_105 = arith.constant 0 : i32
      %dma_start3A_106 = arith.constant 0 : i32
      %dma_start3A_107 = tpu.memref_slice %arg4[%arg0, %arg1, %dma_start3A_105, %dma_start3A_106] : memref<2x16x80x64xi32, #tpu.memory_space<hbm>> -> memref<1x1x80x64xi32, #tpu.memory_space<hbm>>
      %dma_start3A_108 = tpu.memref_squeeze %dma_start3A_107 : memref<1x1x80x64xi32, #tpu.memory_space<hbm>> -> memref<80x64xi32, #tpu.memory_space<hbm>>
      %dma_start3A_109 = arith.constant 0 : i32
      %dma_start3A_110 = arith.constant 0 : i32
      %dma_start3A_111 = tpu.memref_slice %arg4[%arg0, %arg1, %dma_start3A_109, %dma_start3A_110] : memref<2x16x80x64xi32, #tpu.memory_space<hbm>> -> memref<1x1x80x64xi32, #tpu.memory_space<hbm>>
      %dma_start3A_112 = tpu.memref_squeeze %dma_start3A_111 : memref<1x1x80x64xi32, #tpu.memory_space<hbm>> -> memref<80x64xi32, #tpu.memory_space<hbm>>
      tpu.enqueue_dma source(%dma_start3A_112 : memref<80x64xi32, #tpu.memory_space<hbm>>) target(%arg10 : memref<80x64xi32, #tpu.memory_space<vmem>>) target_semaphore(%run_scoped3A_104 : memref<!tpu.dma_semaphore, #tpu.memory_space<semaphore_mem>>)
      %dma_wait3A_113 = arith.constant 0 : i32
      %dma_wait3A_114 = arith.constant 0 : i32
      %dma_wait3A_115 = tpu.memref_slice %arg4[%arg0, %arg1, %dma_wait3A_113, %dma_wait3A_114] : memref<2x16x80x64xi32, #tpu.memory_space<hbm>> -> memref<1x1x80x64xi32, #tpu.memory_space<hbm>>
      %dma_wait3A_116 = tpu.memref_squeeze %dma_wait3A_115 : memref<1x1x80x64xi32, #tpu.memory_space<hbm>> -> memref<80x64xi32, #tpu.memory_space<hbm>>
      %dma_wait3A_117 = arith.constant 0 : i32
      %dma_wait3A_118 = arith.constant 0 : i32
      %dma_wait3A_119 = tpu.memref_slice %arg4[%arg0, %arg1, %dma_wait3A_117, %dma_wait3A_118] : memref<2x16x80x64xi32, #tpu.memory_space<hbm>> -> memref<1x1x80x64xi32, #tpu.memory_space<hbm>>
      %dma_wait3A_120 = tpu.memref_squeeze %dma_wait3A_119 : memref<1x1x80x64xi32, #tpu.memory_space<hbm>> -> memref<80x64xi32, #tpu.memory_space<hbm>>
      tpu.wait_dma2 semaphore(%run_scoped3A_104 : memref<!tpu.dma_semaphore, #tpu.memory_space<semaphore_mem>>) src(%dma_wait3A_120 : memref<80x64xi32, #tpu.memory_space<hbm>>) dst(%arg10 : memref<80x64xi32, #tpu.memory_space<vmem>>)
      tpu.yield
    }) : () -> ()
    "tpu.region"() ({
      %run_scoped3A_104 = tpu.sem_alloc : memref<!tpu.dma_semaphore, #tpu.memory_space<semaphore_mem>>
      %dma_start3A_105 = arith.constant 0 : i32
      %dma_start3A_106 = tpu.memref_slice %arg9[%mul3A_0, %dma_start3A_105] : memref<10240x128xf32, #tpu.memory_space<vmem_shared>> -> memref<640x128xf32, #tpu.memory_space<vmem_shared>>
      tpu.enqueue_dma source(%arg6 : memref<640x128xf32, #tpu.memory_space<hbm>>) target(%dma_start3A_106 : memref<640x128xf32, #tpu.memory_space<vmem_shared>>) target_semaphore(%run_scoped3A_104 : memref<!tpu.dma_semaphore, #tpu.memory_space<semaphore_mem>>)
      %dma_wait3A_107 = arith.constant 0 : i32
      %dma_wait3A_108 = tpu.memref_slice %arg9[%mul3A_0, %dma_wait3A_107] : memref<10240x128xf32, #tpu.memory_space<vmem_shared>> -> memref<640x128xf32, #tpu.memory_space<vmem_shared>>
      tpu.wait_dma2 semaphore(%run_scoped3A_104 : memref<!tpu.dma_semaphore, #tpu.memory_space<semaphore_mem>>) src(%arg6 : memref<640x128xf32, #tpu.memory_space<hbm>>) dst(%dma_wait3A_108 : memref<640x128xf32, #tpu.memory_space<vmem_shared>>)
      tpu.yield
    }) : () -> ()
    %barrier3A_50 = arith.constant 0 : index
    tpu.barrier barrier_id(%barrier3A_50)
    %dma_start3A_51 = arith.constant 0 : i32
    %dma_start3A_52 = arith.constant 0 : i32
    %dma_start3A_53 = tpu.memref_slice %arg10[%dma_start3A_51, %dma_start3A_52] : memref<80x64xi32, #tpu.memory_space<vmem>> -> memref<1x64xi32, #tpu.memory_space<vmem>>
    %dma_start3A_54 = tpu.memref_squeeze %dma_start3A_53 : memref<1x64xi32, #tpu.memory_space<vmem>> -> memref<64xi32, #tpu.memory_space<vmem>>
    %dma_start3A_55 = arith.constant 0 : i32
    %dma_start3A_56 = arith.constant 0 : i32
    %dma_start3A_57 = tpu.memref_slice %arg2[%dma_start3A_55, %dma_start3A_56] : memref<20000x128xf32, #tpu.memory_space<hbm>> -> memref<20000x128xf32, #tpu.memory_space<hbm>>
    tpu.enqueue_indirect_dma source(%dma_start3A_57 : memref<20000x128xf32, #tpu.memory_space<hbm>>) target(%arg12 : memref<64x128xf32, #tpu.memory_space<vmem>>) offsets(%dma_start3A_54 : memref<64xi32, #tpu.memory_space<vmem>>) semaphore(%arg15 : memref<!tpu.dma_semaphore, #tpu.memory_space<semaphore_mem>>)
    %dma_start3A_58 = arith.constant 1 : i32
    %dma_start3A_59 = arith.constant 0 : i32
    %dma_start3A_60 = tpu.memref_slice %arg10[%dma_start3A_58, %dma_start3A_59] : memref<80x64xi32, #tpu.memory_space<vmem>> -> memref<1x64xi32, #tpu.memory_space<vmem>>
    %dma_start3A_61 = tpu.memref_squeeze %dma_start3A_60 : memref<1x64xi32, #tpu.memory_space<vmem>> -> memref<64xi32, #tpu.memory_space<vmem>>
    %dma_start3A_62 = arith.constant 0 : i32
    %dma_start3A_63 = arith.constant 0 : i32
    %dma_start3A_64 = tpu.memref_slice %arg2[%dma_start3A_62, %dma_start3A_63] : memref<20000x128xf32, #tpu.memory_space<hbm>> -> memref<20000x128xf32, #tpu.memory_space<hbm>>
    tpu.enqueue_indirect_dma source(%dma_start3A_64 : memref<20000x128xf32, #tpu.memory_space<hbm>>) target(%arg13 : memref<64x128xf32, #tpu.memory_space<vmem>>) offsets(%dma_start3A_61 : memref<64xi32, #tpu.memory_space<vmem>>) semaphore(%arg16 : memref<!tpu.dma_semaphore, #tpu.memory_space<semaphore_mem>>)
    %dma_start3A_65 = arith.constant 2 : i32
    %dma_start3A_66 = arith.constant 0 : i32
    %dma_start3A_67 = tpu.memref_slice %arg10[%dma_start3A_65, %dma_start3A_66] : memref<80x64xi32, #tpu.memory_space<vmem>> -> memref<1x64xi32, #tpu.memory_space<vmem>>
    %dma_start3A_68 = tpu.memref_squeeze %dma_start3A_67 : memref<1x64xi32, #tpu.memory_space<vmem>> -> memref<64xi32, #tpu.memory_space<vmem>>
    %dma_start3A_69 = arith.constant 0 : i32
    %dma_start3A_70 = arith.constant 0 : i32
    %dma_start3A_71 = tpu.memref_slice %arg2[%dma_start3A_69, %dma_start3A_70] : memref<20000x128xf32, #tpu.memory_space<hbm>> -> memref<20000x128xf32, #tpu.memory_space<hbm>>
    tpu.enqueue_indirect_dma source(%dma_start3A_71 : memref<20000x128xf32, #tpu.memory_space<hbm>>) target(%arg14 : memref<64x128xf32, #tpu.memory_space<vmem>>) offsets(%dma_start3A_68 : memref<64xi32, #tpu.memory_space<vmem>>) semaphore(%arg17 : memref<!tpu.dma_semaphore, #tpu.memory_space<semaphore_mem>>)
    %scan3A_72 = arith.constant 0 : i32
    %scan3A_73 = arith.constant 0 : i32
    %scan3A_74 = arith.constant 77 : i32
    %scan3A_75 = arith.addi %scan3A_73, %scan3A_74 : i32
    %scan3A_76 = arith.constant 1 : i32
    scf.for %scan3A_104 = %scan3A_73 to %scan3A_75 step %scan3A_76  : i32 {
      %rem3A = arith.constant 3 : i32
      %rem3A_105 = arith.remsi %scan3A_104, %rem3A : i32
      %eq3A = arith.constant 0 : i32
      %eq3A_106 = arith.cmpi eq, %rem3A_105, %eq3A : i32
      %convert_element_type3A = arith.extui %eq3A_106 : i1 to i32
      %cond3A = arith.constant 0 : i32
      %cond3A_107 = arith.cmpi ne, %convert_element_type3A, %cond3A : i32
      scf.if %cond3A_107 {
        %dma_wait3A_118 = arith.constant 0 : i32
        %dma_wait3A_119 = arith.constant 0 : i32
        %dma_wait3A_120 = tpu.memref_slice %arg10[%dma_wait3A_118, %dma_wait3A_119] : memref<80x64xi32, #tpu.memory_space<vmem>> -> memref<1x64xi32, #tpu.memory_space<vmem>>
        %dma_wait3A_121 = tpu.memref_squeeze %dma_wait3A_120 : memref<1x64xi32, #tpu.memory_space<vmem>> -> memref<64xi32, #tpu.memory_space<vmem>>
        %dma_wait3A_122 = arith.constant 0 : i32
        %dma_wait3A_123 = arith.constant 0 : i32
        %dma_wait3A_124 = tpu.memref_slice %arg2[%dma_wait3A_122, %dma_wait3A_123] : memref<20000x128xf32, #tpu.memory_space<hbm>> -> memref<20000x128xf32, #tpu.memory_space<hbm>>
        tpu.wait_indirect_dma semaphore(%arg15 : memref<!tpu.dma_semaphore, #tpu.memory_space<semaphore_mem>>) src(%dma_wait3A_124 : memref<20000x128xf32, #tpu.memory_space<hbm>>) dst(%arg12 : memref<64x128xf32, #tpu.memory_space<vmem>>)
        "tpu.region"() ({
          %run_scoped3A_132 = tpu.sem_alloc : memref<!tpu.dma_semaphore, #tpu.memory_space<semaphore_mem>>
          %dma_start3A_133 = arith.constant 0 : i32
          %dma_start3A_134 = tpu.memref_slice %arg11[%scan3A_104, %dma_start3A_133] : memref<80x64xi32, #tpu.memory_space<vmem>> -> memref<1x64xi32, #tpu.memory_space<vmem>>
          %dma_start3A_135 = tpu.memref_squeeze %dma_start3A_134 : memref<1x64xi32, #tpu.memory_space<vmem>> -> memref<64xi32, #tpu.memory_space<vmem>>
          %dma_start3A_136 = arith.constant 0 : i32
          %dma_start3A_137 = arith.constant 0 : i32
          %dma_start3A_138 = tpu.memref_slice %arg9[%dma_start3A_136, %dma_start3A_137] : memref<10240x128xf32, #tpu.memory_space<vmem_shared>> -> memref<10240x128xf32, #tpu.memory_space<vmem_shared>>
          tpu.enqueue_indirect_dma source(%arg12 : memref<64x128xf32, #tpu.memory_space<vmem>>) target(%dma_start3A_138 : memref<10240x128xf32, #tpu.memory_space<vmem_shared>>) offsets(%dma_start3A_135 : memref<64xi32, #tpu.memory_space<vmem>>) semaphore(%run_scoped3A_132 : memref<!tpu.dma_semaphore, #tpu.memory_space<semaphore_mem>>) {add = true}
          %dma_wait3A_139 = arith.constant 0 : i32
          %dma_wait3A_140 = tpu.memref_slice %arg11[%scan3A_104, %dma_wait3A_139] : memref<80x64xi32, #tpu.memory_space<vmem>> -> memref<1x64xi32, #tpu.memory_space<vmem>>
          %dma_wait3A_141 = tpu.memref_squeeze %dma_wait3A_140 : memref<1x64xi32, #tpu.memory_space<vmem>> -> memref<64xi32, #tpu.memory_space<vmem>>
          %dma_wait3A_142 = arith.constant 0 : i32
          %dma_wait3A_143 = arith.constant 0 : i32
          %dma_wait3A_144 = tpu.memref_slice %arg9[%dma_wait3A_142, %dma_wait3A_143] : memref<10240x128xf32, #tpu.memory_space<vmem_shared>> -> memref<10240x128xf32, #tpu.memory_space<vmem_shared>>
          tpu.wait_indirect_dma semaphore(%run_scoped3A_132 : memref<!tpu.dma_semaphore, #tpu.memory_space<semaphore_mem>>) src(%arg12 : memref<64x128xf32, #tpu.memory_space<vmem>>) dst(%dma_wait3A_144 : memref<10240x128xf32, #tpu.memory_space<vmem_shared>>)
          tpu.yield
        }) : () -> ()
        %add3A = arith.constant 3 : i32
        %add3A_125 = arith.addi %scan3A_104, %add3A : i32
        %dma_start3A_126 = arith.constant 0 : i32
        %dma_start3A_127 = tpu.memref_slice %arg10[%add3A_125, %dma_start3A_126] : memref<80x64xi32, #tpu.memory_space<vmem>> -> memref<1x64xi32, #tpu.memory_space<vmem>>
        %dma_start3A_128 = tpu.memref_squeeze %dma_start3A_127 : memref<1x64xi32, #tpu.memory_space<vmem>> -> memref<64xi32, #tpu.memory_space<vmem>>
        %dma_start3A_129 = arith.constant 0 : i32
        %dma_start3A_130 = arith.constant 0 : i32
        %dma_start3A_131 = tpu.memref_slice %arg2[%dma_start3A_129, %dma_start3A_130] : memref<20000x128xf32, #tpu.memory_space<hbm>> -> memref<20000x128xf32, #tpu.memory_space<hbm>>
        tpu.enqueue_indirect_dma source(%dma_start3A_131 : memref<20000x128xf32, #tpu.memory_space<hbm>>) target(%arg12 : memref<64x128xf32, #tpu.memory_space<vmem>>) offsets(%dma_start3A_128 : memref<64xi32, #tpu.memory_space<vmem>>) semaphore(%arg15 : memref<!tpu.dma_semaphore, #tpu.memory_space<semaphore_mem>>)
      } else {
      }
      %eq3A_108 = arith.constant 1 : i32
      %eq3A_109 = arith.cmpi eq, %rem3A_105, %eq3A_108 : i32
      %convert_element_type3A_110 = arith.extui %eq3A_109 : i1 to i32
      %cond3A_111 = arith.constant 0 : i32
      %cond3A_112 = arith.cmpi ne, %convert_element_type3A_110, %cond3A_111 : i32
      scf.if %cond3A_112 {
        %dma_wait3A_118 = arith.constant 0 : i32
        %dma_wait3A_119 = arith.constant 0 : i32
        %dma_wait3A_120 = tpu.memref_slice %arg10[%dma_wait3A_118, %dma_wait3A_119] : memref<80x64xi32, #tpu.memory_space<vmem>> -> memref<1x64xi32, #tpu.memory_space<vmem>>
        %dma_wait3A_121 = tpu.memref_squeeze %dma_wait3A_120 : memref<1x64xi32, #tpu.memory_space<vmem>> -> memref<64xi32, #tpu.memory_space<vmem>>
        %dma_wait3A_122 = arith.constant 0 : i32
        %dma_wait3A_123 = arith.constant 0 : i32
        %dma_wait3A_124 = tpu.memref_slice %arg2[%dma_wait3A_122, %dma_wait3A_123] : memref<20000x128xf32, #tpu.memory_space<hbm>> -> memref<20000x128xf32, #tpu.memory_space<hbm>>
        tpu.wait_indirect_dma semaphore(%arg16 : memref<!tpu.dma_semaphore, #tpu.memory_space<semaphore_mem>>) src(%dma_wait3A_124 : memref<20000x128xf32, #tpu.memory_space<hbm>>) dst(%arg13 : memref<64x128xf32, #tpu.memory_space<vmem>>)
        "tpu.region"() ({
          %run_scoped3A_132 = tpu.sem_alloc : memref<!tpu.dma_semaphore, #tpu.memory_space<semaphore_mem>>
          %dma_start3A_133 = arith.constant 0 : i32
          %dma_start3A_134 = tpu.memref_slice %arg11[%scan3A_104, %dma_start3A_133] : memref<80x64xi32, #tpu.memory_space<vmem>> -> memref<1x64xi32, #tpu.memory_space<vmem>>
          %dma_start3A_135 = tpu.memref_squeeze %dma_start3A_134 : memref<1x64xi32, #tpu.memory_space<vmem>> -> memref<64xi32, #tpu.memory_space<vmem>>
          %dma_start3A_136 = arith.constant 0 : i32
          %dma_start3A_137 = arith.constant 0 : i32
          %dma_start3A_138 = tpu.memref_slice %arg9[%dma_start3A_136, %dma_start3A_137] : memref<10240x128xf32, #tpu.memory_space<vmem_shared>> -> memref<10240x128xf32, #tpu.memory_space<vmem_shared>>
          tpu.enqueue_indirect_dma source(%arg13 : memref<64x128xf32, #tpu.memory_space<vmem>>) target(%dma_start3A_138 : memref<10240x128xf32, #tpu.memory_space<vmem_shared>>) offsets(%dma_start3A_135 : memref<64xi32, #tpu.memory_space<vmem>>) semaphore(%run_scoped3A_132 : memref<!tpu.dma_semaphore, #tpu.memory_space<semaphore_mem>>) {add = true}
          %dma_wait3A_139 = arith.constant 0 : i32
          %dma_wait3A_140 = tpu.memref_slice %arg11[%scan3A_104, %dma_wait3A_139] : memref<80x64xi32, #tpu.memory_space<vmem>> -> memref<1x64xi32, #tpu.memory_space<vmem>>
          %dma_wait3A_141 = tpu.memref_squeeze %dma_wait3A_140 : memref<1x64xi32, #tpu.memory_space<vmem>> -> memref<64xi32, #tpu.memory_space<vmem>>
          %dma_wait3A_142 = arith.constant 0 : i32
          %dma_wait3A_143 = arith.constant 0 : i32
          %dma_wait3A_144 = tpu.memref_slice %arg9[%dma_wait3A_142, %dma_wait3A_143] : memref<10240x128xf32, #tpu.memory_space<vmem_shared>> -> memref<10240x128xf32, #tpu.memory_space<vmem_shared>>
          tpu.wait_indirect_dma semaphore(%run_scoped3A_132 : memref<!tpu.dma_semaphore, #tpu.memory_space<semaphore_mem>>) src(%arg13 : memref<64x128xf32, #tpu.memory_space<vmem>>) dst(%dma_wait3A_144 : memref<10240x128xf32, #tpu.memory_space<vmem_shared>>)
          tpu.yield
        }) : () -> ()
        %add3A = arith.constant 3 : i32
        %add3A_125 = arith.addi %scan3A_104, %add3A : i32
        %dma_start3A_126 = arith.constant 0 : i32
        %dma_start3A_127 = tpu.memref_slice %arg10[%add3A_125, %dma_start3A_126] : memref<80x64xi32, #tpu.memory_space<vmem>> -> memref<1x64xi32, #tpu.memory_space<vmem>>
        %dma_start3A_128 = tpu.memref_squeeze %dma_start3A_127 : memref<1x64xi32, #tpu.memory_space<vmem>> -> memref<64xi32, #tpu.memory_space<vmem>>
        %dma_start3A_129 = arith.constant 0 : i32
        %dma_start3A_130 = arith.constant 0 : i32
        %dma_start3A_131 = tpu.memref_slice %arg2[%dma_start3A_129, %dma_start3A_130] : memref<20000x128xf32, #tpu.memory_space<hbm>> -> memref<20000x128xf32, #tpu.memory_space<hbm>>
        tpu.enqueue_indirect_dma source(%dma_start3A_131 : memref<20000x128xf32, #tpu.memory_space<hbm>>) target(%arg13 : memref<64x128xf32, #tpu.memory_space<vmem>>) offsets(%dma_start3A_128 : memref<64xi32, #tpu.memory_space<vmem>>) semaphore(%arg16 : memref<!tpu.dma_semaphore, #tpu.memory_space<semaphore_mem>>)
      } else {
      }
      %eq3A_113 = arith.constant 2 : i32
      %eq3A_114 = arith.cmpi eq, %rem3A_105, %eq3A_113 : i32
      %convert_element_type3A_115 = arith.extui %eq3A_114 : i1 to i32
      %cond3A_116 = arith.constant 0 : i32
      %cond3A_117 = arith.cmpi ne, %convert_element_type3A_115, %cond3A_116 : i32
      scf.if %cond3A_117 {
        %dma_wait3A_118 = arith.constant 0 : i32
        %dma_wait3A_119 = arith.constant 0 : i32
        %dma_wait3A_120 = tpu.memref_slice %arg10[%dma_wait3A_118, %dma_wait3A_119] : memref<80x64xi32, #tpu.memory_space<vmem>> -> memref<1x64xi32, #tpu.memory_space<vmem>>
        %dma_wait3A_121 = tpu.memref_squeeze %dma_wait3A_120 : memref<1x64xi32, #tpu.memory_space<vmem>> -> memref<64xi32, #tpu.memory_space<vmem>>
        %dma_wait3A_122 = arith.constant 0 : i32
        %dma_wait3A_123 = arith.constant 0 : i32
        %dma_wait3A_124 = tpu.memref_slice %arg2[%dma_wait3A_122, %dma_wait3A_123] : memref<20000x128xf32, #tpu.memory_space<hbm>> -> memref<20000x128xf32, #tpu.memory_space<hbm>>
        tpu.wait_indirect_dma semaphore(%arg17 : memref<!tpu.dma_semaphore, #tpu.memory_space<semaphore_mem>>) src(%dma_wait3A_124 : memref<20000x128xf32, #tpu.memory_space<hbm>>) dst(%arg14 : memref<64x128xf32, #tpu.memory_space<vmem>>)
        "tpu.region"() ({
          %run_scoped3A_132 = tpu.sem_alloc : memref<!tpu.dma_semaphore, #tpu.memory_space<semaphore_mem>>
          %dma_start3A_133 = arith.constant 0 : i32
          %dma_start3A_134 = tpu.memref_slice %arg11[%scan3A_104, %dma_start3A_133] : memref<80x64xi32, #tpu.memory_space<vmem>> -> memref<1x64xi32, #tpu.memory_space<vmem>>
          %dma_start3A_135 = tpu.memref_squeeze %dma_start3A_134 : memref<1x64xi32, #tpu.memory_space<vmem>> -> memref<64xi32, #tpu.memory_space<vmem>>
          %dma_start3A_136 = arith.constant 0 : i32
          %dma_start3A_137 = arith.constant 0 : i32
          %dma_start3A_138 = tpu.memref_slice %arg9[%dma_start3A_136, %dma_start3A_137] : memref<10240x128xf32, #tpu.memory_space<vmem_shared>> -> memref<10240x128xf32, #tpu.memory_space<vmem_shared>>
          tpu.enqueue_indirect_dma source(%arg14 : memref<64x128xf32, #tpu.memory_space<vmem>>) target(%dma_start3A_138 : memref<10240x128xf32, #tpu.memory_space<vmem_shared>>) offsets(%dma_start3A_135 : memref<64xi32, #tpu.memory_space<vmem>>) semaphore(%run_scoped3A_132 : memref<!tpu.dma_semaphore, #tpu.memory_space<semaphore_mem>>) {add = true}
          %dma_wait3A_139 = arith.constant 0 : i32
          %dma_wait3A_140 = tpu.memref_slice %arg11[%scan3A_104, %dma_wait3A_139] : memref<80x64xi32, #tpu.memory_space<vmem>> -> memref<1x64xi32, #tpu.memory_space<vmem>>
          %dma_wait3A_141 = tpu.memref_squeeze %dma_wait3A_140 : memref<1x64xi32, #tpu.memory_space<vmem>> -> memref<64xi32, #tpu.memory_space<vmem>>
          %dma_wait3A_142 = arith.constant 0 : i32
          %dma_wait3A_143 = arith.constant 0 : i32
          %dma_wait3A_144 = tpu.memref_slice %arg9[%dma_wait3A_142, %dma_wait3A_143] : memref<10240x128xf32, #tpu.memory_space<vmem_shared>> -> memref<10240x128xf32, #tpu.memory_space<vmem_shared>>
          tpu.wait_indirect_dma semaphore(%run_scoped3A_132 : memref<!tpu.dma_semaphore, #tpu.memory_space<semaphore_mem>>) src(%arg14 : memref<64x128xf32, #tpu.memory_space<vmem>>) dst(%dma_wait3A_144 : memref<10240x128xf32, #tpu.memory_space<vmem_shared>>)
          tpu.yield
        }) : () -> ()
        %add3A = arith.constant 3 : i32
        %add3A_125 = arith.addi %scan3A_104, %add3A : i32
        %dma_start3A_126 = arith.constant 0 : i32
        %dma_start3A_127 = tpu.memref_slice %arg10[%add3A_125, %dma_start3A_126] : memref<80x64xi32, #tpu.memory_space<vmem>> -> memref<1x64xi32, #tpu.memory_space<vmem>>
        %dma_start3A_128 = tpu.memref_squeeze %dma_start3A_127 : memref<1x64xi32, #tpu.memory_space<vmem>> -> memref<64xi32, #tpu.memory_space<vmem>>
        %dma_start3A_129 = arith.constant 0 : i32
        %dma_start3A_130 = arith.constant 0 : i32
        %dma_start3A_131 = tpu.memref_slice %arg2[%dma_start3A_129, %dma_start3A_130] : memref<20000x128xf32, #tpu.memory_space<hbm>> -> memref<20000x128xf32, #tpu.memory_space<hbm>>
        tpu.enqueue_indirect_dma source(%dma_start3A_131 : memref<20000x128xf32, #tpu.memory_space<hbm>>) target(%arg14 : memref<64x128xf32, #tpu.memory_space<vmem>>) offsets(%dma_start3A_128 : memref<64xi32, #tpu.memory_space<vmem>>) semaphore(%arg17 : memref<!tpu.dma_semaphore, #tpu.memory_space<semaphore_mem>>)
      } else {
      }
    }
    %scan3A_77 = arith.constant 77 : i32
    %dma_wait3A_78 = arith.constant 0 : i32
    %dma_wait3A_79 = arith.constant 0 : i32
    %dma_wait3A_80 = tpu.memref_slice %arg10[%dma_wait3A_78, %dma_wait3A_79] : memref<80x64xi32, #tpu.memory_space<vmem>> -> memref<1x64xi32, #tpu.memory_space<vmem>>
    %dma_wait3A_81 = tpu.memref_squeeze %dma_wait3A_80 : memref<1x64xi32, #tpu.memory_space<vmem>> -> memref<64xi32, #tpu.memory_space<vmem>>
    %dma_wait3A_82 = arith.constant 0 : i32
    %dma_wait3A_83 = arith.constant 0 : i32
    %dma_wait3A_84 = tpu.memref_slice %arg2[%dma_wait3A_82, %dma_wait3A_83] : memref<20000x128xf32, #tpu.memory_space<hbm>> -> memref<20000x128xf32, #tpu.memory_space<hbm>>
    tpu.wait_indirect_dma semaphore(%arg17 : memref<!tpu.dma_semaphore, #tpu.memory_space<semaphore_mem>>) src(%dma_wait3A_84 : memref<20000x128xf32, #tpu.memory_space<hbm>>) dst(%arg14 : memref<64x128xf32, #tpu.memory_space<vmem>>)
    %run_scoped3A_85 = arith.constant 77 : i32
    "tpu.region"() ({
      %run_scoped3A_104 = tpu.sem_alloc : memref<!tpu.dma_semaphore, #tpu.memory_space<semaphore_mem>>
      %dma_start3A_105 = arith.constant 0 : i32
      %dma_start3A_106 = tpu.memref_slice %arg11[%run_scoped3A_85, %dma_start3A_105] : memref<80x64xi32, #tpu.memory_space<vmem>> -> memref<1x64xi32, #tpu.memory_space<vmem>>
      %dma_start3A_107 = tpu.memref_squeeze %dma_start3A_106 : memref<1x64xi32, #tpu.memory_space<vmem>> -> memref<64xi32, #tpu.memory_space<vmem>>
      %dma_start3A_108 = arith.constant 0 : i32
      %dma_start3A_109 = arith.constant 0 : i32
      %dma_start3A_110 = tpu.memref_slice %arg9[%dma_start3A_108, %dma_start3A_109] : memref<10240x128xf32, #tpu.memory_space<vmem_shared>> -> memref<10240x128xf32, #tpu.memory_space<vmem_shared>>
      tpu.enqueue_indirect_dma source(%arg14 : memref<64x128xf32, #tpu.memory_space<vmem>>) target(%dma_start3A_110 : memref<10240x128xf32, #tpu.memory_space<vmem_shared>>) offsets(%dma_start3A_107 : memref<64xi32, #tpu.memory_space<vmem>>) semaphore(%run_scoped3A_104 : memref<!tpu.dma_semaphore, #tpu.memory_space<semaphore_mem>>) {add = true}
      %dma_wait3A_111 = arith.constant 0 : i32
      %dma_wait3A_112 = tpu.memref_slice %arg11[%run_scoped3A_85, %dma_wait3A_111] : memref<80x64xi32, #tpu.memory_space<vmem>> -> memref<1x64xi32, #tpu.memory_space<vmem>>
      %dma_wait3A_113 = tpu.memref_squeeze %dma_wait3A_112 : memref<1x64xi32, #tpu.memory_space<vmem>> -> memref<64xi32, #tpu.memory_space<vmem>>
      %dma_wait3A_114 = arith.constant 0 : i32
      %dma_wait3A_115 = arith.constant 0 : i32
      %dma_wait3A_116 = tpu.memref_slice %arg9[%dma_wait3A_114, %dma_wait3A_115] : memref<10240x128xf32, #tpu.memory_space<vmem_shared>> -> memref<10240x128xf32, #tpu.memory_space<vmem_shared>>
      tpu.wait_indirect_dma semaphore(%run_scoped3A_104 : memref<!tpu.dma_semaphore, #tpu.memory_space<semaphore_mem>>) src(%arg14 : memref<64x128xf32, #tpu.memory_space<vmem>>) dst(%dma_wait3A_116 : memref<10240x128xf32, #tpu.memory_space<vmem_shared>>)
      tpu.yield
    }) : () -> ()
    %dma_wait3A_86 = arith.constant 0 : i32
    %dma_wait3A_87 = arith.constant 0 : i32
    %dma_wait3A_88 = tpu.memref_slice %arg10[%dma_wait3A_86, %dma_wait3A_87] : memref<80x64xi32, #tpu.memory_space<vmem>> -> memref<1x64xi32, #tpu.memory_space<vmem>>
    %dma_wait3A_89 = tpu.memref_squeeze %dma_wait3A_88 : memref<1x64xi32, #tpu.memory_space<vmem>> -> memref<64xi32, #tpu.memory_space<vmem>>
    %dma_wait3A_90 = arith.constant 0 : i32
    %dma_wait3A_91 = arith.constant 0 : i32
    %dma_wait3A_92 = tpu.memref_slice %arg2[%dma_wait3A_90, %dma_wait3A_91] : memref<20000x128xf32, #tpu.memory_space<hbm>> -> memref<20000x128xf32, #tpu.memory_space<hbm>>
    tpu.wait_indirect_dma semaphore(%arg15 : memref<!tpu.dma_semaphore, #tpu.memory_space<semaphore_mem>>) src(%dma_wait3A_92 : memref<20000x128xf32, #tpu.memory_space<hbm>>) dst(%arg12 : memref<64x128xf32, #tpu.memory_space<vmem>>)
    %run_scoped3A_93 = arith.constant 78 : i32
    "tpu.region"() ({
      %run_scoped3A_104 = tpu.sem_alloc : memref<!tpu.dma_semaphore, #tpu.memory_space<semaphore_mem>>
      %dma_start3A_105 = arith.constant 0 : i32
      %dma_start3A_106 = tpu.memref_slice %arg11[%run_scoped3A_93, %dma_start3A_105] : memref<80x64xi32, #tpu.memory_space<vmem>> -> memref<1x64xi32, #tpu.memory_space<vmem>>
      %dma_start3A_107 = tpu.memref_squeeze %dma_start3A_106 : memref<1x64xi32, #tpu.memory_space<vmem>> -> memref<64xi32, #tpu.memory_space<vmem>>
      %dma_start3A_108 = arith.constant 0 : i32
      %dma_start3A_109 = arith.constant 0 : i32
      %dma_start3A_110 = tpu.memref_slice %arg9[%dma_start3A_108, %dma_start3A_109] : memref<10240x128xf32, #tpu.memory_space<vmem_shared>> -> memref<10240x128xf32, #tpu.memory_space<vmem_shared>>
      tpu.enqueue_indirect_dma source(%arg12 : memref<64x128xf32, #tpu.memory_space<vmem>>) target(%dma_start3A_110 : memref<10240x128xf32, #tpu.memory_space<vmem_shared>>) offsets(%dma_start3A_107 : memref<64xi32, #tpu.memory_space<vmem>>) semaphore(%run_scoped3A_104 : memref<!tpu.dma_semaphore, #tpu.memory_space<semaphore_mem>>) {add = true}
      %dma_wait3A_111 = arith.constant 0 : i32
      %dma_wait3A_112 = tpu.memref_slice %arg11[%run_scoped3A_93, %dma_wait3A_111] : memref<80x64xi32, #tpu.memory_space<vmem>> -> memref<1x64xi32, #tpu.memory_space<vmem>>
      %dma_wait3A_113 = tpu.memref_squeeze %dma_wait3A_112 : memref<1x64xi32, #tpu.memory_space<vmem>> -> memref<64xi32, #tpu.memory_space<vmem>>
      %dma_wait3A_114 = arith.constant 0 : i32
      %dma_wait3A_115 = arith.constant 0 : i32
      %dma_wait3A_116 = tpu.memref_slice %arg9[%dma_wait3A_114, %dma_wait3A_115] : memref<10240x128xf32, #tpu.memory_space<vmem_shared>> -> memref<10240x128xf32, #tpu.memory_space<vmem_shared>>
      tpu.wait_indirect_dma semaphore(%run_scoped3A_104 : memref<!tpu.dma_semaphore, #tpu.memory_space<semaphore_mem>>) src(%arg12 : memref<64x128xf32, #tpu.memory_space<vmem>>) dst(%dma_wait3A_116 : memref<10240x128xf32, #tpu.memory_space<vmem_shared>>)
      tpu.yield
    }) : () -> ()
    %dma_wait3A_94 = arith.constant 0 : i32
    %dma_wait3A_95 = arith.constant 0 : i32
    %dma_wait3A_96 = tpu.memref_slice %arg10[%dma_wait3A_94, %dma_wait3A_95] : memref<80x64xi32, #tpu.memory_space<vmem>> -> memref<1x64xi32, #tpu.memory_space<vmem>>
    %dma_wait3A_97 = tpu.memref_squeeze %dma_wait3A_96 : memref<1x64xi32, #tpu.memory_space<vmem>> -> memref<64xi32, #tpu.memory_space<vmem>>
    %dma_wait3A_98 = arith.constant 0 : i32
    %dma_wait3A_99 = arith.constant 0 : i32
    %dma_wait3A_100 = tpu.memref_slice %arg2[%dma_wait3A_98, %dma_wait3A_99] : memref<20000x128xf32, #tpu.memory_space<hbm>> -> memref<20000x128xf32, #tpu.memory_space<hbm>>
    tpu.wait_indirect_dma semaphore(%arg16 : memref<!tpu.dma_semaphore, #tpu.memory_space<semaphore_mem>>) src(%dma_wait3A_100 : memref<20000x128xf32, #tpu.memory_space<hbm>>) dst(%arg13 : memref<64x128xf32, #tpu.memory_space<vmem>>)
    %run_scoped3A_101 = arith.constant 79 : i32
    "tpu.region"() ({
      %run_scoped3A_104 = tpu.sem_alloc : memref<!tpu.dma_semaphore, #tpu.memory_space<semaphore_mem>>
      %dma_start3A_105 = arith.constant 0 : i32
      %dma_start3A_106 = tpu.memref_slice %arg11[%run_scoped3A_101, %dma_start3A_105] : memref<80x64xi32, #tpu.memory_space<vmem>> -> memref<1x64xi32, #tpu.memory_space<vmem>>
      %dma_start3A_107 = tpu.memref_squeeze %dma_start3A_106 : memref<1x64xi32, #tpu.memory_space<vmem>> -> memref<64xi32, #tpu.memory_space<vmem>>
      %dma_start3A_108 = arith.constant 0 : i32
      %dma_start3A_109 = arith.constant 0 : i32
      %dma_start3A_110 = tpu.memref_slice %arg9[%dma_start3A_108, %dma_start3A_109] : memref<10240x128xf32, #tpu.memory_space<vmem_shared>> -> memref<10240x128xf32, #tpu.memory_space<vmem_shared>>
      tpu.enqueue_indirect_dma source(%arg13 : memref<64x128xf32, #tpu.memory_space<vmem>>) target(%dma_start3A_110 : memref<10240x128xf32, #tpu.memory_space<vmem_shared>>) offsets(%dma_start3A_107 : memref<64xi32, #tpu.memory_space<vmem>>) semaphore(%run_scoped3A_104 : memref<!tpu.dma_semaphore, #tpu.memory_space<semaphore_mem>>) {add = true}
      %dma_wait3A_111 = arith.constant 0 : i32
      %dma_wait3A_112 = tpu.memref_slice %arg11[%run_scoped3A_101, %dma_wait3A_111] : memref<80x64xi32, #tpu.memory_space<vmem>> -> memref<1x64xi32, #tpu.memory_space<vmem>>
      %dma_wait3A_113 = tpu.memref_squeeze %dma_wait3A_112 : memref<1x64xi32, #tpu.memory_space<vmem>> -> memref<64xi32, #tpu.memory_space<vmem>>
      %dma_wait3A_114 = arith.constant 0 : i32
      %dma_wait3A_115 = arith.constant 0 : i32
      %dma_wait3A_116 = tpu.memref_slice %arg9[%dma_wait3A_114, %dma_wait3A_115] : memref<10240x128xf32, #tpu.memory_space<vmem_shared>> -> memref<10240x128xf32, #tpu.memory_space<vmem_shared>>
      tpu.wait_indirect_dma semaphore(%run_scoped3A_104 : memref<!tpu.dma_semaphore, #tpu.memory_space<semaphore_mem>>) src(%arg13 : memref<64x128xf32, #tpu.memory_space<vmem>>) dst(%dma_wait3A_116 : memref<10240x128xf32, #tpu.memory_space<vmem_shared>>)
      tpu.yield
    }) : () -> ()
    %barrier3A_102 = arith.constant 0 : index
    tpu.barrier barrier_id(%barrier3A_102)
    "tpu.region"() ({
      %run_scoped3A_104 = tpu.sem_alloc : memref<!tpu.dma_semaphore, #tpu.memory_space<semaphore_mem>>
      %dma_start3A_105 = arith.constant 0 : i32
      %dma_start3A_106 = tpu.memref_slice %arg8[%arg0, %mul3A_0, %dma_start3A_105] : memref<2x10240x128xf32, #tpu.memory_space<hbm>> -> memref<1x640x128xf32, #tpu.memory_space<hbm>>
      %dma_start3A_107 = tpu.memref_squeeze %dma_start3A_106 : memref<1x640x128xf32, #tpu.memory_space<hbm>> -> memref<640x128xf32, #tpu.memory_space<hbm>>
      %dma_start3A_108 = arith.constant 0 : i32
      %dma_start3A_109 = tpu.memref_slice %arg9[%mul3A_0, %dma_start3A_108] : memref<10240x128xf32, #tpu.memory_space<vmem_shared>> -> memref<640x128xf32, #tpu.memory_space<vmem_shared>>
      tpu.enqueue_dma source(%dma_start3A_109 : memref<640x128xf32, #tpu.memory_space<vmem_shared>>) target(%dma_start3A_107 : memref<640x128xf32, #tpu.memory_space<hbm>>) target_semaphore(%run_scoped3A_104 : memref<!tpu.dma_semaphore, #tpu.memory_space<semaphore_mem>>)
      %dma_wait3A_110 = arith.constant 0 : i32
      %dma_wait3A_111 = tpu.memref_slice %arg8[%arg0, %mul3A_0, %dma_wait3A_110] : memref<2x10240x128xf32, #tpu.memory_space<hbm>> -> memref<1x640x128xf32, #tpu.memory_space<hbm>>
      %dma_wait3A_112 = tpu.memref_squeeze %dma_wait3A_111 : memref<1x640x128xf32, #tpu.memory_space<hbm>> -> memref<640x128xf32, #tpu.memory_space<hbm>>
      %dma_wait3A_113 = arith.constant 0 : i32
      %dma_wait3A_114 = tpu.memref_slice %arg9[%mul3A_0, %dma_wait3A_113] : memref<10240x128xf32, #tpu.memory_space<vmem_shared>> -> memref<640x128xf32, #tpu.memory_space<vmem_shared>>
      tpu.wait_dma2 semaphore(%run_scoped3A_104 : memref<!tpu.dma_semaphore, #tpu.memory_space<semaphore_mem>>) src(%dma_wait3A_114 : memref<640x128xf32, #tpu.memory_space<vmem_shared>>) dst(%dma_wait3A_112 : memref<640x128xf32, #tpu.memory_space<hbm>>)
      tpu.yield
    }) : () -> ()
    %barrier3A_103 = arith.constant 0 : index
    tpu.barrier barrier_id(%barrier3A_103)
    return
  }
}

module attributes {stable_mosaic.version = 14 : i64} {
  func.func @_feat_body(%arg0: i32, %arg1: memref<1x1x1024xf32, #tpu.memory_space<vmem>>, %arg2: memref<1x1x1024xi32, #tpu.memory_space<vmem>>, %arg3: memref<1x1x1024xi32, #tpu.memory_space<vmem>>, %arg4: memref<32x32xf32, #tpu.memory_space<vmem>>, %arg5: memref<1024x32xf32, #tpu.memory_space<vmem>>) attributes {dimension_semantics = [#tpu.dimension_semantics<arbitrary>], iteration_bounds = array<i64: 160>, scalar_prefetch = 0 : i64, scratch_operands = 0 : i64, tpu.core_type = #tpu.core_type<tc>, window_params = [{transform_indices = @transform_0, window_bounds = array<i64: 1, 1, 1024>}, {transform_indices = @transform_1, window_bounds = array<i64: 1, 1, 1024>}, {transform_indices = @transform_2, window_bounds = array<i64: 1, 1, 1024>}, {pipeline_mode = #tpu.pipeline_mode<synchronous>, transform_indices = @transform_3, window_bounds = array<i64: 32, 32>}, {transform_indices = @transform_4, window_bounds = array<i64: 1024, 32>}]} {
    %get3A = arith.constant 0 : index
    %get3A_0 = arith.constant 0 : index
    %get3A_1 = arith.constant 0 : index
    %get3A_2 = vector.load %arg1[%get3A, %get3A_0, %get3A_1] : memref<1x1x1024xf32, #tpu.memory_space<vmem>>, vector<1x1x1024xf32>
    %get3A_3 = vector.shape_cast %get3A_2 : vector<1x1x1024xf32> to vector<1x1024xf32>
    %broadcast_in_dim3A = arith.constant 1.000000e+00 : f32
    %broadcast_in_dim3A_4 = vector.broadcast %broadcast_in_dim3A : f32 to vector<1x1024xf32>
    %mul3A = arith.mulf %broadcast_in_dim3A_4, %get3A_3 : vector<1x1024xf32>
    %mul3A_5 = arith.mulf %mul3A, %get3A_3 : vector<1x1024xf32>
    %mul3A_6 = arith.mulf %mul3A_5, %get3A_3 : vector<1x1024xf32>
    %mul3A_7 = arith.mulf %mul3A_6, %get3A_3 : vector<1x1024xf32>
    %mul3A_8 = arith.mulf %mul3A_7, %get3A_3 : vector<1x1024xf32>
    %mul3A_9 = arith.mulf %mul3A_8, %get3A_3 : vector<1x1024xf32>
    %mul3A_10 = arith.mulf %mul3A_9, %get3A_3 : vector<1x1024xf32>
    %mul3A_11 = arith.mulf %mul3A_10, %get3A_3 : vector<1x1024xf32>
    %mul3A_12 = arith.mulf %mul3A_11, %get3A_3 : vector<1x1024xf32>
    %mul3A_13 = arith.mulf %mul3A_12, %get3A_3 : vector<1x1024xf32>
    %mul3A_14 = arith.mulf %mul3A_13, %get3A_3 : vector<1x1024xf32>
    %iota3A = tpu.iota {dimensions = array<i32: 0>} : vector<12x1xi32>
    %iota3A_15 = tpu.iota {dimensions = array<i32: 0>} : vector<2x1xi32>
    %get3A_16 = arith.constant 0 : index
    %get3A_17 = arith.constant 0 : index
    %get3A_18 = arith.constant 0 : index
    %get3A_19 = vector.load %arg2[%get3A_16, %get3A_17, %get3A_18] : memref<1x1x1024xi32, #tpu.memory_space<vmem>>, vector<1x1x1024xi32>
    %get3A_20 = vector.shape_cast %get3A_19 : vector<1x1x1024xi32> to vector<1x1024xi32>
    %eq3A = vector.broadcast %get3A_20 : vector<1x1024xi32> to vector<12x1024xi32>
    %eq3A_21 = vector.broadcast %iota3A : vector<12x1xi32> to vector<12x1024xi32>
    %eq3A_22 = arith.cmpi eq, %eq3A, %eq3A_21 : vector<12x1024xi32>
    %convert_element_type3A = arith.extui %eq3A_22 : vector<12x1024xi1> to vector<12x1024xi32>
    %convert_element_type3A_23 = arith.sitofp %convert_element_type3A : vector<12x1024xi32> to vector<12x1024xf32>
    %get3A_24 = arith.constant 0 : index
    %get3A_25 = arith.constant 0 : index
    %get3A_26 = arith.constant 0 : index
    %get3A_27 = vector.load %arg3[%get3A_24, %get3A_25, %get3A_26] : memref<1x1x1024xi32, #tpu.memory_space<vmem>>, vector<1x1x1024xi32>
    %get3A_28 = vector.shape_cast %get3A_27 : vector<1x1x1024xi32> to vector<1x1024xi32>
    %eq3A_29 = vector.broadcast %get3A_28 : vector<1x1024xi32> to vector<2x1024xi32>
    %eq3A_30 = vector.broadcast %iota3A_15 : vector<2x1xi32> to vector<2x1024xi32>
    %eq3A_31 = arith.cmpi eq, %eq3A_29, %eq3A_30 : vector<2x1024xi32>
    %convert_element_type3A_32 = arith.extui %eq3A_31 : vector<2x1024xi1> to vector<2x1024xi32>
    %convert_element_type3A_33 = arith.sitofp %convert_element_type3A_32 : vector<2x1024xi32> to vector<2x1024xf32>
    %broadcast_in_dim3A_34 = arith.constant 0.000000e+00 : f32
    %broadcast_in_dim3A_35 = vector.broadcast %broadcast_in_dim3A_34 : f32 to vector<6x1024xf32>
    %concatenate3A = tpu.concatenate %broadcast_in_dim3A_4, %mul3A, %mul3A_5, %mul3A_6, %mul3A_7, %mul3A_8, %mul3A_9, %mul3A_10, %mul3A_11, %mul3A_12, %mul3A_13, %mul3A_14, %convert_element_type3A_23, %convert_element_type3A_33, %broadcast_in_dim3A_35 in 0 : vector<1x1024xf32>, vector<1x1024xf32>, vector<1x1024xf32>, vector<1x1024xf32>, vector<1x1024xf32>, vector<1x1024xf32>, vector<1x1024xf32>, vector<1x1024xf32>, vector<1x1024xf32>, vector<1x1024xf32>, vector<1x1024xf32>, vector<1x1024xf32>, vector<12x1024xf32>, vector<2x1024xf32>, vector<6x1024xf32> -> vector<32x1024xf32>
    %get3A_36 = arith.constant 0 : index
    %get3A_37 = arith.constant 0 : index
    %get3A_38 = vector.load %arg4[%get3A_36, %get3A_37] : memref<32x32xf32, #tpu.memory_space<vmem>>, vector<32x32xf32>
    %dot_general3A = arith.constant dense<0.000000e+00> : vector<1024x32xf32>
    %dot_general3A_39 = tpu.matmul %concatenate3A, %get3A_38, %dot_general3A {dimension_numbers = #tpu.dot_dimension_numbers<[0], [0], [1], [1], [0, 1, 1, 1], [], []>, transpose_lhs_hint = false} : vector<32x1024xf32>, vector<32x32xf32>, vector<1024x32xf32> -> vector<1024x32xf32>
    %swap3A = arith.constant 0 : index
    %swap3A_40 = arith.constant 0 : index
    %swap3A_41 = vector.load %arg5[%swap3A, %swap3A_40] : memref<1024x32xf32, #tpu.memory_space<vmem>>, vector<1024x32xf32>
    tpu.vector_store %arg5[%swap3A, %swap3A_40], %dot_general3A_39 {strides = array<i32>} : memref<1024x32xf32, #tpu.memory_space<vmem>>, vector<1024x32xf32>,
    return
  }
  func.func @transform_0(%arg0: i32) -> (i32, i32, i32) {
    %c0_i32 = arith.constant 0 : i32
    %c0_i32_0 = arith.constant 0 : i32
    %c0_i32_1 = arith.constant 0 : i32
    return %arg0, %c0_i32, %c0_i32_0 : i32, i32, i32
  }
  func.func @transform_1(%arg0: i32) -> (i32, i32, i32) {
    %c0_i32 = arith.constant 0 : i32
    %c0_i32_0 = arith.constant 0 : i32
    %c0_i32_1 = arith.constant 0 : i32
    return %arg0, %c0_i32, %c0_i32_0 : i32, i32, i32
  }
  func.func @transform_2(%arg0: i32) -> (i32, i32, i32) {
    %c0_i32 = arith.constant 0 : i32
    %c0_i32_0 = arith.constant 0 : i32
    %c0_i32_1 = arith.constant 0 : i32
    return %arg0, %c0_i32, %c0_i32_0 : i32, i32, i32
  }
  func.func @transform_3(%arg0: i32) -> (i32, i32) {
    %c0_i32 = arith.constant 0 : i32
    %c0_i32_0 = arith.constant 0 : i32
    %c0_i32_1 = arith.constant 0 : i32
    return %c0_i32, %c0_i32_0 : i32, i32
  }
  func.func @transform_4(%arg0: i32) -> (i32, i32) {
    %c0_i32 = arith.constant 0 : i32
    %c0_i32_0 = arith.constant 0 : i32
    return %arg0, %c0_i32 : i32, i32
  }
}

module attributes {stable_mosaic.version = 14 : i64} {
  func.func @_dense0_body(%arg0: i32, %arg1: memref<1000x256xf32, #tpu.memory_space<vmem>>, %arg2: memref<2x1000x32xf32, #tpu.memory_space<vmem>>, %arg3: memref<2x1000x128xf32, #tpu.memory_space<vmem>>, %arg4: memref<2x1000x128xf32, #tpu.memory_space<vmem>>, %arg5: memref<128x512xf32, #tpu.memory_space<vmem>>, %arg6: memref<128x512xf32, #tpu.memory_space<vmem>>, %arg7: memref<32x512xf32, #tpu.memory_space<vmem>>, %arg8: memref<256x512xf32, #tpu.memory_space<vmem>>, %arg9: memref<1x512xf32, #tpu.memory_space<vmem>>, %arg10: memref<1000x512xf32, #tpu.memory_space<vmem>>, %arg11: memref<1x512xf32, #tpu.memory_space<vmem>>, %arg12: memref<1x512xf32, #tpu.memory_space<vmem>>) attributes {dimension_semantics = [#tpu.dimension_semantics<arbitrary>], iteration_bounds = array<i64: 10>, scalar_prefetch = 0 : i64, scratch_operands = 0 : i64, tpu.core_type = #tpu.core_type<tc>, window_params = [{transform_indices = @transform_0, window_bounds = array<i64: 1000, 256>}, {transform_indices = @transform_1, window_bounds = array<i64: 2, 1000, 32>}, {transform_indices = @transform_2, window_bounds = array<i64: 2, 1000, 128>}, {transform_indices = @transform_3, window_bounds = array<i64: 2, 1000, 128>}, {pipeline_mode = #tpu.pipeline_mode<synchronous>, transform_indices = @transform_4, window_bounds = array<i64: 128, 512>}, {pipeline_mode = #tpu.pipeline_mode<synchronous>, transform_indices = @transform_5, window_bounds = array<i64: 128, 512>}, {pipeline_mode = #tpu.pipeline_mode<synchronous>, transform_indices = @transform_6, window_bounds = array<i64: 32, 512>}, {pipeline_mode = #tpu.pipeline_mode<synchronous>, transform_indices = @transform_7, window_bounds = array<i64: 256, 512>}, {pipeline_mode = #tpu.pipeline_mode<synchronous>, transform_indices = @transform_8, window_bounds = array<i64: 1, 512>}, {transform_indices = @transform_9, window_bounds = array<i64: 1000, 512>}, {pipeline_mode = #tpu.pipeline_mode<synchronous>, transform_indices = @transform_10, window_bounds = array<i64: 1, 512>}, {pipeline_mode = #tpu.pipeline_mode<synchronous>, transform_indices = @transform_11, window_bounds = array<i64: 1, 512>}]} {
    %get3A = arith.constant 0 : index
    %get3A_0 = arith.constant 0 : index
    %get3A_1 = arith.constant 0 : index
    %get3A_2 = vector.load %arg2[%get3A, %get3A_0, %get3A_1] : memref<2x1000x32xf32, #tpu.memory_space<vmem>>, vector<1x1000x32xf32>
    %get3A_3 = vector.shape_cast %get3A_2 : vector<1x1000x32xf32> to vector<1000x32xf32>
    %get3A_4 = arith.constant 1 : index
    %get3A_5 = arith.constant 0 : index
    %get3A_6 = arith.constant 0 : index
    %get3A_7 = vector.load %arg2[%get3A_4, %get3A_5, %get3A_6] : memref<2x1000x32xf32, #tpu.memory_space<vmem>>, vector<1x1000x32xf32>
    %get3A_8 = vector.shape_cast %get3A_7 : vector<1x1000x32xf32> to vector<1000x32xf32>
    %add3A = arith.addf %get3A_3, %get3A_8 : vector<1000x32xf32>
    %get3A_9 = arith.constant 0 : index
    %get3A_10 = arith.constant 0 : index
    %get3A_11 = arith.constant 0 : index
    %get3A_12 = vector.load %arg3[%get3A_9, %get3A_10, %get3A_11] : memref<2x1000x128xf32, #tpu.memory_space<vmem>>, vector<1x1000x128xf32>
    %get3A_13 = vector.shape_cast %get3A_12 : vector<1x1000x128xf32> to vector<1000x128xf32>
    %get3A_14 = arith.constant 1 : index
    %get3A_15 = arith.constant 0 : index
    %get3A_16 = arith.constant 0 : index
    %get3A_17 = vector.load %arg3[%get3A_14, %get3A_15, %get3A_16] : memref<2x1000x128xf32, #tpu.memory_space<vmem>>, vector<1x1000x128xf32>
    %get3A_18 = vector.shape_cast %get3A_17 : vector<1x1000x128xf32> to vector<1000x128xf32>
    %add3A_19 = arith.addf %get3A_13, %get3A_18 : vector<1000x128xf32>
    %get3A_20 = arith.constant 0 : index
    %get3A_21 = arith.constant 0 : index
    %get3A_22 = arith.constant 0 : index
    %get3A_23 = vector.load %arg4[%get3A_20, %get3A_21, %get3A_22] : memref<2x1000x128xf32, #tpu.memory_space<vmem>>, vector<1x1000x128xf32>
    %get3A_24 = vector.shape_cast %get3A_23 : vector<1x1000x128xf32> to vector<1000x128xf32>
    %get3A_25 = arith.constant 1 : index
    %get3A_26 = arith.constant 0 : index
    %get3A_27 = arith.constant 0 : index
    %get3A_28 = vector.load %arg4[%get3A_25, %get3A_26, %get3A_27] : memref<2x1000x128xf32, #tpu.memory_space<vmem>>, vector<1x1000x128xf32>
    %get3A_29 = vector.shape_cast %get3A_28 : vector<1x1000x128xf32> to vector<1000x128xf32>
    %add3A_30 = arith.addf %get3A_24, %get3A_29 : vector<1000x128xf32>
    %slice3A = vector.extract_strided_slice %add3A {offsets = [0, 0], sizes = [1000, 1], strides = [1, 1]} : vector<1000x32xf32> to vector<1000x1xf32>
    %max3A = arith.constant 1.000000e+00 : f32
    %max3A_31 = vector.broadcast %max3A : f32 to vector<1000x1xf32>
    %max3A_32 = arith.maximumf %slice3A, %max3A_31 : vector<1000x1xf32>
    %div3A = arith.constant 1.000000e+00 : f32
    %div3A_33 = vector.broadcast %div3A : f32 to vector<1000x1xf32>
    %div3A_34 = arith.divf %div3A_33, %max3A_32 : vector<1000x1xf32>
    %mul3A = vector.broadcast %div3A_34 : vector<1000x1xf32> to vector<1000x128xf32>
    %mul3A_35 = arith.mulf %add3A_19, %mul3A : vector<1000x128xf32>
    %get3A_36 = arith.constant 0 : index
    %get3A_37 = arith.constant 0 : index
    %get3A_38 = vector.load %arg5[%get3A_36, %get3A_37] : memref<128x512xf32, #tpu.memory_space<vmem>>, vector<128x512xf32>
    %dot_general3A = arith.constant dense<0.000000e+00> : vector<1000x512xf32>
    %dot_general3A_39 = tpu.matmul %mul3A_35, %get3A_38, %dot_general3A {dimension_numbers = #tpu.dot_dimension_numbers<[1], [0], [0], [1], [0, 0, 1, 1], [], []>, transpose_lhs_hint = false} : vector<1000x128xf32>, vector<128x512xf32>, vector<1000x512xf32> -> vector<1000x512xf32>
    %mul3A_40 = vector.broadcast %div3A_34 : vector<1000x1xf32> to vector<1000x128xf32>
    %mul3A_41 = arith.mulf %add3A_30, %mul3A_40 : vector<1000x128xf32>
    %get3A_42 = arith.constant 0 : index
    %get3A_43 = arith.constant 0 : index
    %get3A_44 = vector.load %arg6[%get3A_42, %get3A_43] : memref<128x512xf32, #tpu.memory_space<vmem>>, vector<128x512xf32>
    %dot_general3A_45 = arith.constant dense<0.000000e+00> : vector<1000x512xf32>
    %dot_general3A_46 = tpu.matmul %mul3A_41, %get3A_44, %dot_general3A_45 {dimension_numbers = #tpu.dot_dimension_numbers<[1], [0], [0], [1], [0, 0, 1, 1], [], []>, transpose_lhs_hint = false} : vector<1000x128xf32>, vector<128x512xf32>, vector<1000x512xf32> -> vector<1000x512xf32>
    %add3A_47 = arith.addf %dot_general3A_39, %dot_general3A_46 : vector<1000x512xf32>
    %mul3A_48 = vector.broadcast %div3A_34 : vector<1000x1xf32> to vector<1000x32xf32>
    %mul3A_49 = arith.mulf %add3A, %mul3A_48 : vector<1000x32xf32>
    %get3A_50 = arith.constant 0 : index
    %get3A_51 = arith.constant 0 : index
    %get3A_52 = vector.load %arg7[%get3A_50, %get3A_51] : memref<32x512xf32, #tpu.memory_space<vmem>>, vector<32x512xf32>
    %dot_general3A_53 = arith.constant dense<0.000000e+00> : vector<1000x512xf32>
    %dot_general3A_54 = tpu.matmul %mul3A_49, %get3A_52, %dot_general3A_53 {dimension_numbers = #tpu.dot_dimension_numbers<[1], [0], [0], [1], [0, 0, 1, 1], [], []>, transpose_lhs_hint = false} : vector<1000x32xf32>, vector<32x512xf32>, vector<1000x512xf32> -> vector<1000x512xf32>
    %add3A_55 = arith.addf %add3A_47, %dot_general3A_54 : vector<1000x512xf32>
    %get3A_56 = arith.constant 0 : index
    %get3A_57 = arith.constant 0 : index
    %get3A_58 = vector.load %arg1[%get3A_56, %get3A_57] : memref<1000x256xf32, #tpu.memory_space<vmem>>, vector<1000x256xf32>
    %get3A_59 = arith.constant 0 : index
    %get3A_60 = arith.constant 0 : index
    %get3A_61 = vector.load %arg8[%get3A_59, %get3A_60] : memref<256x512xf32, #tpu.memory_space<vmem>>, vector<256x512xf32>
    %dot_general3A_62 = arith.constant dense<0.000000e+00> : vector<1000x512xf32>
    %dot_general3A_63 = tpu.matmul %get3A_58, %get3A_61, %dot_general3A_62 {dimension_numbers = #tpu.dot_dimension_numbers<[1], [0], [0], [1], [0, 0, 1, 1], [], []>, transpose_lhs_hint = false} : vector<1000x256xf32>, vector<256x512xf32>, vector<1000x512xf32> -> vector<1000x512xf32>
    %add3A_64 = arith.addf %add3A_55, %dot_general3A_63 : vector<1000x512xf32>
    %get3A_65 = arith.constant 0 : index
    %get3A_66 = arith.constant 0 : index
    %get3A_67 = vector.load %arg9[%get3A_65, %get3A_66] : memref<1x512xf32, #tpu.memory_space<vmem>>, vector<1x512xf32>
    %add3A_68 = vector.broadcast %get3A_67 : vector<1x512xf32> to vector<1000x512xf32>
    %add3A_69 = arith.addf %add3A_64, %add3A_68 : vector<1000x512xf32>
    %swap3A = arith.constant 0 : index
    %swap3A_70 = arith.constant 0 : index
    %swap3A_71 = vector.load %arg10[%swap3A, %swap3A_70] : memref<1000x512xf32, #tpu.memory_space<vmem>>, vector<1000x512xf32>
    tpu.vector_store %arg10[%swap3A, %swap3A_70], %add3A_69 {strides = array<i32>} : memref<1000x512xf32, #tpu.memory_space<vmem>>, vector<1000x512xf32>,
    %eq3A = arith.constant 0 : i32
    %eq3A_72 = arith.cmpi eq, %arg0, %eq3A : i32
    %convert_element_type3A = arith.extui %eq3A_72 : i1 to i32
    %cond3A = arith.constant 0 : i32
    %cond3A_73 = arith.cmpi ne, %convert_element_type3A, %cond3A : i32
    scf.if %cond3A_73 {
      %broadcast_in_dim3A_93 = arith.constant 0.000000e+00 : f32
      %broadcast_in_dim3A_94 = vector.broadcast %broadcast_in_dim3A_93 : f32 to vector<1x512xf32>
      %swap3A_95 = arith.constant 0 : index
      %swap3A_96 = arith.constant 0 : index
      %swap3A_97 = vector.load %arg11[%swap3A_95, %swap3A_96] : memref<1x512xf32, #tpu.memory_space<vmem>>, vector<1x512xf32>
      tpu.vector_store %arg11[%swap3A_95, %swap3A_96], %broadcast_in_dim3A_94 {strides = array<i32>} : memref<1x512xf32, #tpu.memory_space<vmem>>, vector<1x512xf32>,
      %broadcast_in_dim3A_98 = arith.constant 0.000000e+00 : f32
      %broadcast_in_dim3A_99 = vector.broadcast %broadcast_in_dim3A_98 : f32 to vector<1x512xf32>
      %swap3A_100 = arith.constant 0 : index
      %swap3A_101 = arith.constant 0 : index
      %swap3A_102 = vector.load %arg12[%swap3A_100, %swap3A_101] : memref<1x512xf32, #tpu.memory_space<vmem>>, vector<1x512xf32>
      tpu.vector_store %arg12[%swap3A_100, %swap3A_101], %broadcast_in_dim3A_99 {strides = array<i32>} : memref<1x512xf32, #tpu.memory_space<vmem>>, vector<1x512xf32>,
    } else {
    }
    %get3A_74 = arith.constant 0 : index
    %get3A_75 = arith.constant 0 : index
    %get3A_76 = vector.load %arg11[%get3A_74, %get3A_75] : memref<1x512xf32, #tpu.memory_space<vmem>>, vector<1x512xf32>
    %reduce_sum3A = arith.constant dense<0.000000e+00> : vector<512xf32>
    %reduce_sum3A_77 = vector.multi_reduction <add>, %add3A_69, %reduce_sum3A [0] : vector<1000x512xf32> to vector<512xf32>
    %broadcast_in_dim3A = vector.shape_cast %reduce_sum3A_77 : vector<512xf32> to vector<1x512xf32>
    %add3A_78 = arith.addf %get3A_76, %broadcast_in_dim3A : vector<1x512xf32>
    %swap3A_79 = arith.constant 0 : index
    %swap3A_80 = arith.constant 0 : index
    %swap3A_81 = vector.load %arg11[%swap3A_79, %swap3A_80] : memref<1x512xf32, #tpu.memory_space<vmem>>, vector<1x512xf32>
    tpu.vector_store %arg11[%swap3A_79, %swap3A_80], %add3A_78 {strides = array<i32>} : memref<1x512xf32, #tpu.memory_space<vmem>>, vector<1x512xf32>,
    %get3A_82 = arith.constant 0 : index
    %get3A_83 = arith.constant 0 : index
    %get3A_84 = vector.load %arg12[%get3A_82, %get3A_83] : memref<1x512xf32, #tpu.memory_space<vmem>>, vector<1x512xf32>
    %mul3A_85 = arith.mulf %add3A_69, %add3A_69 : vector<1000x512xf32>
    %reduce_sum3A_86 = arith.constant dense<0.000000e+00> : vector<512xf32>
    %reduce_sum3A_87 = vector.multi_reduction <add>, %mul3A_85, %reduce_sum3A_86 [0] : vector<1000x512xf32> to vector<512xf32>
    %broadcast_in_dim3A_88 = vector.shape_cast %reduce_sum3A_87 : vector<512xf32> to vector<1x512xf32>
    %add3A_89 = arith.addf %get3A_84, %broadcast_in_dim3A_88 : vector<1x512xf32>
    %swap3A_90 = arith.constant 0 : index
    %swap3A_91 = arith.constant 0 : index
    %swap3A_92 = vector.load %arg12[%swap3A_90, %swap3A_91] : memref<1x512xf32, #tpu.memory_space<vmem>>, vector<1x512xf32>
    tpu.vector_store %arg12[%swap3A_90, %swap3A_91], %add3A_89 {strides = array<i32>} : memref<1x512xf32, #tpu.memory_space<vmem>>, vector<1x512xf32>,
    return
  }
  func.func @transform_0(%arg0: i32) -> (i32, i32) {
    %c0_i32 = arith.constant 0 : i32
    %c0_i32_0 = arith.constant 0 : i32
    return %arg0, %c0_i32 : i32, i32
  }
  func.func @transform_1(%arg0: i32) -> (i32, i32, i32) {
    %c0_i32 = arith.constant 0 : i32
    %c0_i32_0 = arith.constant 0 : i32
    %c0_i32_1 = arith.constant 0 : i32
    return %c0_i32, %arg0, %c0_i32_0 : i32, i32, i32
  }
  func.func @transform_2(%arg0: i32) -> (i32, i32, i32) {
    %c0_i32 = arith.constant 0 : i32
    %c0_i32_0 = arith.constant 0 : i32
    %c0_i32_1 = arith.constant 0 : i32
    return %c0_i32, %arg0, %c0_i32_0 : i32, i32, i32
  }
  func.func @transform_3(%arg0: i32) -> (i32, i32, i32) {
    %c0_i32 = arith.constant 0 : i32
    %c0_i32_0 = arith.constant 0 : i32
    %c0_i32_1 = arith.constant 0 : i32
    return %c0_i32, %arg0, %c0_i32_0 : i32, i32, i32
  }
  func.func @transform_4(%arg0: i32) -> (i32, i32) {
    %c0_i32 = arith.constant 0 : i32
    %c0_i32_0 = arith.constant 0 : i32
    %c0_i32_1 = arith.constant 0 : i32
    return %c0_i32, %c0_i32_0 : i32, i32
  }
  func.func @transform_5(%arg0: i32) -> (i32, i32) {
    %c0_i32 = arith.constant 0 : i32
    %c0_i32_0 = arith.constant 0 : i32
    %c0_i32_1 = arith.constant 0 : i32
    return %c0_i32, %c0_i32_0 : i32, i32
  }
  func.func @transform_6(%arg0: i32) -> (i32, i32) {
    %c0_i32 = arith.constant 0 : i32
    %c0_i32_0 = arith.constant 0 : i32
    %c0_i32_1 = arith.constant 0 : i32
    return %c0_i32, %c0_i32_0 : i32, i32
  }
  func.func @transform_7(%arg0: i32) -> (i32, i32) {
    %c0_i32 = arith.constant 0 : i32
    %c0_i32_0 = arith.constant 0 : i32
    %c0_i32_1 = arith.constant 0 : i32
    return %c0_i32, %c0_i32_0 : i32, i32
  }
  func.func @transform_8(%arg0: i32) -> (i32, i32) {
    %c0_i32 = arith.constant 0 : i32
    %c0_i32_0 = arith.constant 0 : i32
    %c0_i32_1 = arith.constant 0 : i32
    return %c0_i32, %c0_i32_0 : i32, i32
  }
  func.func @transform_9(%arg0: i32) -> (i32, i32) {
    %c0_i32 = arith.constant 0 : i32
    %c0_i32_0 = arith.constant 0 : i32
    return %arg0, %c0_i32 : i32, i32
  }
  func.func @transform_10(%arg0: i32) -> (i32, i32) {
    %c0_i32 = arith.constant 0 : i32
    %c0_i32_0 = arith.constant 0 : i32
    %c0_i32_1 = arith.constant 0 : i32
    return %c0_i32, %c0_i32_0 : i32, i32
  }
  func.func @transform_11(%arg0: i32) -> (i32, i32) {
    %c0_i32 = arith.constant 0 : i32
    %c0_i32_0 = arith.constant 0 : i32
    %c0_i32_1 = arith.constant 0 : i32
    return %c0_i32, %c0_i32_0 : i32, i32
  }
}

module attributes {stable_mosaic.version = 14 : i64} {
  func.func @_bn_elu_p_body(%arg0: i32, %arg1: memref<1000x512xf32, #tpu.memory_space<vmem>>, %arg2: memref<1x512xf32, #tpu.memory_space<vmem>>, %arg3: memref<1x512xf32, #tpu.memory_space<vmem>>, %arg4: memref<1x512xf32, #tpu.memory_space<vmem>>, %arg5: memref<1x512xf32, #tpu.memory_space<vmem>>, %arg6: memref<512x128xf32, #tpu.memory_space<vmem>>, %arg7: memref<1000x512xf32, #tpu.memory_space<vmem>>, %arg8: memref<1000x128xf32, #tpu.memory_space<vmem>>) attributes {dimension_semantics = [#tpu.dimension_semantics<arbitrary>], iteration_bounds = array<i64: 10>, scalar_prefetch = 0 : i64, scratch_operands = 0 : i64, tpu.core_type = #tpu.core_type<tc>, window_params = [{transform_indices = @transform_0, window_bounds = array<i64: 1000, 512>}, {pipeline_mode = #tpu.pipeline_mode<synchronous>, transform_indices = @transform_1, window_bounds = array<i64: 1, 512>}, {pipeline_mode = #tpu.pipeline_mode<synchronous>, transform_indices = @transform_2, window_bounds = array<i64: 1, 512>}, {pipeline_mode = #tpu.pipeline_mode<synchronous>, transform_indices = @transform_3, window_bounds = array<i64: 1, 512>}, {pipeline_mode = #tpu.pipeline_mode<synchronous>, transform_indices = @transform_4, window_bounds = array<i64: 1, 512>}, {pipeline_mode = #tpu.pipeline_mode<synchronous>, transform_indices = @transform_5, window_bounds = array<i64: 512, 128>}, {transform_indices = @transform_6, window_bounds = array<i64: 1000, 512>}, {transform_indices = @transform_7, window_bounds = array<i64: 1000, 128>}]} {
    %get3A = arith.constant 0 : index
    %get3A_0 = arith.constant 0 : index
    %get3A_1 = vector.load %arg2[%get3A, %get3A_0] : memref<1x512xf32, #tpu.memory_space<vmem>>, vector<1x512xf32>
    %div3A = arith.constant 1.000000e+04 : f32
    %div3A_2 = vector.broadcast %div3A : f32 to vector<1x512xf32>
    %div3A_3 = arith.divf %get3A_1, %div3A_2 : vector<1x512xf32>
    %get3A_4 = arith.constant 0 : index
    %get3A_5 = arith.constant 0 : index
    %get3A_6 = vector.load %arg3[%get3A_4, %get3A_5] : memref<1x512xf32, #tpu.memory_space<vmem>>, vector<1x512xf32>
    %div3A_7 = arith.constant 1.000000e+04 : f32
    %div3A_8 = vector.broadcast %div3A_7 : f32 to vector<1x512xf32>
    %div3A_9 = arith.divf %get3A_6, %div3A_8 : vector<1x512xf32>
    %mul3A = arith.mulf %div3A_3, %div3A_3 : vector<1x512xf32>
    %sub3A = arith.subf %div3A_9, %mul3A : vector<1x512xf32>
    %get3A_10 = arith.constant 0 : index
    %get3A_11 = arith.constant 0 : index
    %get3A_12 = vector.load %arg1[%get3A_10, %get3A_11] : memref<1000x512xf32, #tpu.memory_space<vmem>>, vector<1000x512xf32>
    %sub3A_13 = vector.broadcast %div3A_3 : vector<1x512xf32> to vector<1000x512xf32>
    %sub3A_14 = arith.subf %get3A_12, %sub3A_13 : vector<1000x512xf32>
    %add3A = arith.constant 9.99999974E-6 : f32
    %add3A_15 = vector.broadcast %add3A : f32 to vector<1x512xf32>
    %add3A_16 = arith.addf %sub3A, %add3A_15 : vector<1x512xf32>
    %rsqrt3A = math.rsqrt %add3A_16 : vector<1x512xf32>
    %mul3A_17 = vector.broadcast %rsqrt3A : vector<1x512xf32> to vector<1000x512xf32>
    %mul3A_18 = arith.mulf %sub3A_14, %mul3A_17 : vector<1000x512xf32>
    %get3A_19 = arith.constant 0 : index
    %get3A_20 = arith.constant 0 : index
    %get3A_21 = vector.load %arg4[%get3A_19, %get3A_20] : memref<1x512xf32, #tpu.memory_space<vmem>>, vector<1x512xf32>
    %mul3A_22 = vector.broadcast %get3A_21 : vector<1x512xf32> to vector<1000x512xf32>
    %mul3A_23 = arith.mulf %mul3A_18, %mul3A_22 : vector<1000x512xf32>
    %get3A_24 = arith.constant 0 : index
    %get3A_25 = arith.constant 0 : index
    %get3A_26 = vector.load %arg5[%get3A_24, %get3A_25] : memref<1x512xf32, #tpu.memory_space<vmem>>, vector<1x512xf32>
    %add3A_27 = vector.broadcast %get3A_26 : vector<1x512xf32> to vector<1000x512xf32>
    %add3A_28 = arith.addf %mul3A_23, %add3A_27 : vector<1000x512xf32>
    %gt3A = arith.constant 0.000000e+00 : f32
    %gt3A_29 = vector.broadcast %gt3A : f32 to vector<1000x512xf32>
    %gt3A_30 = arith.cmpf ogt, %add3A_28, %gt3A_29 : vector<1000x512xf32>
    %exp3A = math.exp %add3A_28 : vector<1000x512xf32>
    %sub3A_31 = arith.constant 1.000000e+00 : f32
    %sub3A_32 = vector.broadcast %sub3A_31 : f32 to vector<1000x512xf32>
    %sub3A_33 = arith.subf %exp3A, %sub3A_32 : vector<1000x512xf32>
    %select_n3A = arith.select %gt3A_30, %add3A_28, %sub3A_33 : vector<1000x512xi1>, vector<1000x512xf32>
    %swap3A = arith.constant 0 : index
    %swap3A_34 = arith.constant 0 : index
    %swap3A_35 = vector.load %arg7[%swap3A, %swap3A_34] : memref<1000x512xf32, #tpu.memory_space<vmem>>, vector<1000x512xf32>
    tpu.vector_store %arg7[%swap3A, %swap3A_34], %select_n3A {strides = array<i32>} : memref<1000x512xf32, #tpu.memory_space<vmem>>, vector<1000x512xf32>,
    %get3A_36 = arith.constant 0 : index
    %get3A_37 = arith.constant 0 : index
    %get3A_38 = vector.load %arg6[%get3A_36, %get3A_37] : memref<512x128xf32, #tpu.memory_space<vmem>>, vector<512x128xf32>
    %dot_general3A = arith.constant dense<0.000000e+00> : vector<1000x128xf32>
    %dot_general3A_39 = tpu.matmul %select_n3A, %get3A_38, %dot_general3A {dimension_numbers = #tpu.dot_dimension_numbers<[1], [0], [0], [1], [0, 0, 1, 1], [], []>, transpose_lhs_hint = false} : vector<1000x512xf32>, vector<512x128xf32>, vector<1000x128xf32> -> vector<1000x128xf32>
    %swap3A_40 = arith.constant 0 : index
    %swap3A_41 = arith.constant 0 : index
    %swap3A_42 = vector.load %arg8[%swap3A_40, %swap3A_41] : memref<1000x128xf32, #tpu.memory_space<vmem>>, vector<1000x128xf32>
    tpu.vector_store %arg8[%swap3A_40, %swap3A_41], %dot_general3A_39 {strides = array<i32>} : memref<1000x128xf32, #tpu.memory_space<vmem>>, vector<1000x128xf32>,
    return
  }
  func.func @transform_0(%arg0: i32) -> (i32, i32) {
    %c0_i32 = arith.constant 0 : i32
    %c0_i32_0 = arith.constant 0 : i32
    return %arg0, %c0_i32 : i32, i32
  }
  func.func @transform_1(%arg0: i32) -> (i32, i32) {
    %c0_i32 = arith.constant 0 : i32
    %c0_i32_0 = arith.constant 0 : i32
    %c0_i32_1 = arith.constant 0 : i32
    return %c0_i32, %c0_i32_0 : i32, i32
  }
  func.func @transform_2(%arg0: i32) -> (i32, i32) {
    %c0_i32 = arith.constant 0 : i32
    %c0_i32_0 = arith.constant 0 : i32
    %c0_i32_1 = arith.constant 0 : i32
    return %c0_i32, %c0_i32_0 : i32, i32
  }
  func.func @transform_3(%arg0: i32) -> (i32, i32) {
    %c0_i32 = arith.constant 0 : i32
    %c0_i32_0 = arith.constant 0 : i32
    %c0_i32_1 = arith.constant 0 : i32
    return %c0_i32, %c0_i32_0 : i32, i32
  }
  func.func @transform_4(%arg0: i32) -> (i32, i32) {
    %c0_i32 = arith.constant 0 : i32
    %c0_i32_0 = arith.constant 0 : i32
    %c0_i32_1 = arith.constant 0 : i32
    return %c0_i32, %c0_i32_0 : i32, i32
  }
  func.func @transform_5(%arg0: i32) -> (i32, i32) {
    %c0_i32 = arith.constant 0 : i32
    %c0_i32_0 = arith.constant 0 : i32
    %c0_i32_1 = arith.constant 0 : i32
    return %c0_i32, %c0_i32_0 : i32, i32
  }
  func.func @transform_6(%arg0: i32) -> (i32, i32) {
    %c0_i32 = arith.constant 0 : i32
    %c0_i32_0 = arith.constant 0 : i32
    return %arg0, %c0_i32 : i32, i32
  }
  func.func @transform_7(%arg0: i32) -> (i32, i32) {
    %c0_i32 = arith.constant 0 : i32
    %c0_i32_0 = arith.constant 0 : i32
    return %arg0, %c0_i32 : i32, i32
  }
}

module attributes {stable_mosaic.version = 14 : i64} {
  func.func @_dense1_body(%arg0: i32, %arg1: memref<1000x512xf32, #tpu.memory_space<vmem>>, %arg2: memref<2x1000x32xf32, #tpu.memory_space<vmem>>, %arg3: memref<2x1000x128xf32, #tpu.memory_space<vmem>>, %arg4: memref<32x128xf32, #tpu.memory_space<vmem>>, %arg5: memref<512x128xf32, #tpu.memory_space<vmem>>, %arg6: memref<1x128xf32, #tpu.memory_space<vmem>>, %arg7: memref<1000x128xf32, #tpu.memory_space<vmem>>, %arg8: memref<1x128xf32, #tpu.memory_space<vmem>>, %arg9: memref<1x128xf32, #tpu.memory_space<vmem>>) attributes {dimension_semantics = [#tpu.dimension_semantics<arbitrary>], iteration_bounds = array<i64: 10>, scalar_prefetch = 0 : i64, scratch_operands = 0 : i64, tpu.core_type = #tpu.core_type<tc>, window_params = [{transform_indices = @transform_0, window_bounds = array<i64: 1000, 512>}, {transform_indices = @transform_1, window_bounds = array<i64: 2, 1000, 32>}, {transform_indices = @transform_2, window_bounds = array<i64: 2, 1000, 128>}, {pipeline_mode = #tpu.pipeline_mode<synchronous>, transform_indices = @transform_3, window_bounds = array<i64: 32, 128>}, {pipeline_mode = #tpu.pipeline_mode<synchronous>, transform_indices = @transform_4, window_bounds = array<i64: 512, 128>}, {pipeline_mode = #tpu.pipeline_mode<synchronous>, transform_indices = @transform_5, window_bounds = array<i64: 1, 128>}, {transform_indices = @transform_6, window_bounds = array<i64: 1000, 128>}, {pipeline_mode = #tpu.pipeline_mode<synchronous>, transform_indices = @transform_7, window_bounds = array<i64: 1, 128>}, {pipeline_mode = #tpu.pipeline_mode<synchronous>, transform_indices = @transform_8, window_bounds = array<i64: 1, 128>}]} {
    %get3A = arith.constant 0 : index
    %get3A_0 = arith.constant 0 : index
    %get3A_1 = arith.constant 0 : index
    %get3A_2 = vector.load %arg2[%get3A, %get3A_0, %get3A_1] : memref<2x1000x32xf32, #tpu.memory_space<vmem>>, vector<1x1000x32xf32>
    %get3A_3 = vector.shape_cast %get3A_2 : vector<1x1000x32xf32> to vector<1000x32xf32>
    %get3A_4 = arith.constant 1 : index
    %get3A_5 = arith.constant 0 : index
    %get3A_6 = arith.constant 0 : index
    %get3A_7 = vector.load %arg2[%get3A_4, %get3A_5, %get3A_6] : memref<2x1000x32xf32, #tpu.memory_space<vmem>>, vector<1x1000x32xf32>
    %get3A_8 = vector.shape_cast %get3A_7 : vector<1x1000x32xf32> to vector<1000x32xf32>
    %add3A = arith.addf %get3A_3, %get3A_8 : vector<1000x32xf32>
    %get3A_9 = arith.constant 0 : index
    %get3A_10 = arith.constant 0 : index
    %get3A_11 = arith.constant 0 : index
    %get3A_12 = vector.load %arg3[%get3A_9, %get3A_10, %get3A_11] : memref<2x1000x128xf32, #tpu.memory_space<vmem>>, vector<1x1000x128xf32>
    %get3A_13 = vector.shape_cast %get3A_12 : vector<1x1000x128xf32> to vector<1000x128xf32>
    %get3A_14 = arith.constant 1 : index
    %get3A_15 = arith.constant 0 : index
    %get3A_16 = arith.constant 0 : index
    %get3A_17 = vector.load %arg3[%get3A_14, %get3A_15, %get3A_16] : memref<2x1000x128xf32, #tpu.memory_space<vmem>>, vector<1x1000x128xf32>
    %get3A_18 = vector.shape_cast %get3A_17 : vector<1x1000x128xf32> to vector<1000x128xf32>
    %add3A_19 = arith.addf %get3A_13, %get3A_18 : vector<1000x128xf32>
    %slice3A = vector.extract_strided_slice %add3A {offsets = [0, 0], sizes = [1000, 1], strides = [1, 1]} : vector<1000x32xf32> to vector<1000x1xf32>
    %max3A = arith.constant 1.000000e+00 : f32
    %max3A_20 = vector.broadcast %max3A : f32 to vector<1000x1xf32>
    %max3A_21 = arith.maximumf %slice3A, %max3A_20 : vector<1000x1xf32>
    %div3A = arith.constant 1.000000e+00 : f32
    %div3A_22 = vector.broadcast %div3A : f32 to vector<1000x1xf32>
    %div3A_23 = arith.divf %div3A_22, %max3A_21 : vector<1000x1xf32>
    %mul3A = vector.broadcast %div3A_23 : vector<1000x1xf32> to vector<1000x128xf32>
    %mul3A_24 = arith.mulf %add3A_19, %mul3A : vector<1000x128xf32>
    %mul3A_25 = vector.broadcast %div3A_23 : vector<1000x1xf32> to vector<1000x32xf32>
    %mul3A_26 = arith.mulf %add3A, %mul3A_25 : vector<1000x32xf32>
    %get3A_27 = arith.constant 0 : index
    %get3A_28 = arith.constant 0 : index
    %get3A_29 = vector.load %arg4[%get3A_27, %get3A_28] : memref<32x128xf32, #tpu.memory_space<vmem>>, vector<32x128xf32>
    %dot_general3A = arith.constant dense<0.000000e+00> : vector<1000x128xf32>
    %dot_general3A_30 = tpu.matmul %mul3A_26, %get3A_29, %dot_general3A {dimension_numbers = #tpu.dot_dimension_numbers<[1], [0], [0], [1], [0, 0, 1, 1], [], []>, transpose_lhs_hint = false} : vector<1000x32xf32>, vector<32x128xf32>, vector<1000x128xf32> -> vector<1000x128xf32>
    %add3A_31 = arith.addf %mul3A_24, %dot_general3A_30 : vector<1000x128xf32>
    %get3A_32 = arith.constant 0 : index
    %get3A_33 = arith.constant 0 : index
    %get3A_34 = vector.load %arg1[%get3A_32, %get3A_33] : memref<1000x512xf32, #tpu.memory_space<vmem>>, vector<1000x512xf32>
    %get3A_35 = arith.constant 0 : index
    %get3A_36 = arith.constant 0 : index
    %get3A_37 = vector.load %arg5[%get3A_35, %get3A_36] : memref<512x128xf32, #tpu.memory_space<vmem>>, vector<512x128xf32>
    %dot_general3A_38 = arith.constant dense<0.000000e+00> : vector<1000x128xf32>
    %dot_general3A_39 = tpu.matmul %get3A_34, %get3A_37, %dot_general3A_38 {dimension_numbers = #tpu.dot_dimension_numbers<[1], [0], [0], [1], [0, 0, 1, 1], [], []>, transpose_lhs_hint = false} : vector<1000x512xf32>, vector<512x128xf32>, vector<1000x128xf32> -> vector<1000x128xf32>
    %add3A_40 = arith.addf %add3A_31, %dot_general3A_39 : vector<1000x128xf32>
    %get3A_41 = arith.constant 0 : index
    %get3A_42 = arith.constant 0 : index
    %get3A_43 = vector.load %arg6[%get3A_41, %get3A_42] : memref<1x128xf32, #tpu.memory_space<vmem>>, vector<1x128xf32>
    %add3A_44 = vector.broadcast %get3A_43 : vector<1x128xf32> to vector<1000x128xf32>
    %add3A_45 = arith.addf %add3A_40, %add3A_44 : vector<1000x128xf32>
    %swap3A = arith.constant 0 : index
    %swap3A_46 = arith.constant 0 : index
    %swap3A_47 = vector.load %arg7[%swap3A, %swap3A_46] : memref<1000x128xf32, #tpu.memory_space<vmem>>, vector<1000x128xf32>
    tpu.vector_store %arg7[%swap3A, %swap3A_46], %add3A_45 {strides = array<i32>} : memref<1000x128xf32, #tpu.memory_space<vmem>>, vector<1000x128xf32>,
    %eq3A = arith.constant 0 : i32
    %eq3A_48 = arith.cmpi eq, %arg0, %eq3A : i32
    %convert_element_type3A = arith.extui %eq3A_48 : i1 to i32
    %cond3A = arith.constant 0 : i32
    %cond3A_49 = arith.cmpi ne, %convert_element_type3A, %cond3A : i32
    scf.if %cond3A_49 {
      %broadcast_in_dim3A_69 = arith.constant 0.000000e+00 : f32
      %broadcast_in_dim3A_70 = vector.broadcast %broadcast_in_dim3A_69 : f32 to vector<1x128xf32>
      %swap3A_71 = arith.constant 0 : index
      %swap3A_72 = arith.constant 0 : index
      %swap3A_73 = vector.load %arg8[%swap3A_71, %swap3A_72] : memref<1x128xf32, #tpu.memory_space<vmem>>, vector<1x128xf32>
      tpu.vector_store %arg8[%swap3A_71, %swap3A_72], %broadcast_in_dim3A_70 {strides = array<i32>} : memref<1x128xf32, #tpu.memory_space<vmem>>, vector<1x128xf32>,
      %broadcast_in_dim3A_74 = arith.constant 0.000000e+00 : f32
      %broadcast_in_dim3A_75 = vector.broadcast %broadcast_in_dim3A_74 : f32 to vector<1x128xf32>
      %swap3A_76 = arith.constant 0 : index
      %swap3A_77 = arith.constant 0 : index
      %swap3A_78 = vector.load %arg9[%swap3A_76, %swap3A_77] : memref<1x128xf32, #tpu.memory_space<vmem>>, vector<1x128xf32>
      tpu.vector_store %arg9[%swap3A_76, %swap3A_77], %broadcast_in_dim3A_75 {strides = array<i32>} : memref<1x128xf32, #tpu.memory_space<vmem>>, vector<1x128xf32>,
    } else {
    }
    %get3A_50 = arith.constant 0 : index
    %get3A_51 = arith.constant 0 : index
    %get3A_52 = vector.load %arg8[%get3A_50, %get3A_51] : memref<1x128xf32, #tpu.memory_space<vmem>>, vector<1x128xf32>
    %reduce_sum3A = arith.constant dense<0.000000e+00> : vector<128xf32>
    %reduce_sum3A_53 = vector.multi_reduction <add>, %add3A_45, %reduce_sum3A [0] : vector<1000x128xf32> to vector<128xf32>
    %broadcast_in_dim3A = vector.shape_cast %reduce_sum3A_53 : vector<128xf32> to vector<1x128xf32>
    %add3A_54 = arith.addf %get3A_52, %broadcast_in_dim3A : vector<1x128xf32>
    %swap3A_55 = arith.constant 0 : index
    %swap3A_56 = arith.constant 0 : index
    %swap3A_57 = vector.load %arg8[%swap3A_55, %swap3A_56] : memref<1x128xf32, #tpu.memory_space<vmem>>, vector<1x128xf32>
    tpu.vector_store %arg8[%swap3A_55, %swap3A_56], %add3A_54 {strides = array<i32>} : memref<1x128xf32, #tpu.memory_space<vmem>>, vector<1x128xf32>,
    %get3A_58 = arith.constant 0 : index
    %get3A_59 = arith.constant 0 : index
    %get3A_60 = vector.load %arg9[%get3A_58, %get3A_59] : memref<1x128xf32, #tpu.memory_space<vmem>>, vector<1x128xf32>
    %mul3A_61 = arith.mulf %add3A_45, %add3A_45 : vector<1000x128xf32>
    %reduce_sum3A_62 = arith.constant dense<0.000000e+00> : vector<128xf32>
    %reduce_sum3A_63 = vector.multi_reduction <add>, %mul3A_61, %reduce_sum3A_62 [0] : vector<1000x128xf32> to vector<128xf32>
    %broadcast_in_dim3A_64 = vector.shape_cast %reduce_sum3A_63 : vector<128xf32> to vector<1x128xf32>
    %add3A_65 = arith.addf %get3A_60, %broadcast_in_dim3A_64 : vector<1x128xf32>
    %swap3A_66 = arith.constant 0 : index
    %swap3A_67 = arith.constant 0 : index
    %swap3A_68 = vector.load %arg9[%swap3A_66, %swap3A_67] : memref<1x128xf32, #tpu.memory_space<vmem>>, vector<1x128xf32>
    tpu.vector_store %arg9[%swap3A_66, %swap3A_67], %add3A_65 {strides = array<i32>} : memref<1x128xf32, #tpu.memory_space<vmem>>, vector<1x128xf32>,
    return
  }
  func.func @transform_0(%arg0: i32) -> (i32, i32) {
    %c0_i32 = arith.constant 0 : i32
    %c0_i32_0 = arith.constant 0 : i32
    return %arg0, %c0_i32 : i32, i32
  }
  func.func @transform_1(%arg0: i32) -> (i32, i32, i32) {
    %c0_i32 = arith.constant 0 : i32
    %c0_i32_0 = arith.constant 0 : i32
    %c0_i32_1 = arith.constant 0 : i32
    return %c0_i32, %arg0, %c0_i32_0 : i32, i32, i32
  }
  func.func @transform_2(%arg0: i32) -> (i32, i32, i32) {
    %c0_i32 = arith.constant 0 : i32
    %c0_i32_0 = arith.constant 0 : i32
    %c0_i32_1 = arith.constant 0 : i32
    return %c0_i32, %arg0, %c0_i32_0 : i32, i32, i32
  }
  func.func @transform_3(%arg0: i32) -> (i32, i32) {
    %c0_i32 = arith.constant 0 : i32
    %c0_i32_0 = arith.constant 0 : i32
    %c0_i32_1 = arith.constant 0 : i32
    return %c0_i32, %c0_i32_0 : i32, i32
  }
  func.func @transform_4(%arg0: i32) -> (i32, i32) {
    %c0_i32 = arith.constant 0 : i32
    %c0_i32_0 = arith.constant 0 : i32
    %c0_i32_1 = arith.constant 0 : i32
    return %c0_i32, %c0_i32_0 : i32, i32
  }
  func.func @transform_5(%arg0: i32) -> (i32, i32) {
    %c0_i32 = arith.constant 0 : i32
    %c0_i32_0 = arith.constant 0 : i32
    %c0_i32_1 = arith.constant 0 : i32
    return %c0_i32, %c0_i32_0 : i32, i32
  }
  func.func @transform_6(%arg0: i32) -> (i32, i32) {
    %c0_i32 = arith.constant 0 : i32
    %c0_i32_0 = arith.constant 0 : i32
    return %arg0, %c0_i32 : i32, i32
  }
  func.func @transform_7(%arg0: i32) -> (i32, i32) {
    %c0_i32 = arith.constant 0 : i32
    %c0_i32_0 = arith.constant 0 : i32
    %c0_i32_1 = arith.constant 0 : i32
    return %c0_i32, %c0_i32_0 : i32, i32
  }
  func.func @transform_8(%arg0: i32) -> (i32, i32) {
    %c0_i32 = arith.constant 0 : i32
    %c0_i32_0 = arith.constant 0 : i32
    %c0_i32_1 = arith.constant 0 : i32
    return %c0_i32, %c0_i32_0 : i32, i32
  }
}

module attributes {stable_mosaic.version = 14 : i64} {
  func.func @_bn_elu_lsm_body(%arg0: i32, %arg1: memref<1000x128xf32, #tpu.memory_space<vmem>>, %arg2: memref<1x128xf32, #tpu.memory_space<vmem>>, %arg3: memref<1x128xf32, #tpu.memory_space<vmem>>, %arg4: memref<1x128xf32, #tpu.memory_space<vmem>>, %arg5: memref<1x128xf32, #tpu.memory_space<vmem>>, %arg6: memref<1000x128xf32, #tpu.memory_space<vmem>>) attributes {dimension_semantics = [#tpu.dimension_semantics<arbitrary>], iteration_bounds = array<i64: 10>, scalar_prefetch = 0 : i64, scratch_operands = 0 : i64, tpu.core_type = #tpu.core_type<tc>, window_params = [{transform_indices = @transform_0, window_bounds = array<i64: 1000, 128>}, {pipeline_mode = #tpu.pipeline_mode<synchronous>, transform_indices = @transform_1, window_bounds = array<i64: 1, 128>}, {pipeline_mode = #tpu.pipeline_mode<synchronous>, transform_indices = @transform_2, window_bounds = array<i64: 1, 128>}, {pipeline_mode = #tpu.pipeline_mode<synchronous>, transform_indices = @transform_3, window_bounds = array<i64: 1, 128>}, {pipeline_mode = #tpu.pipeline_mode<synchronous>, transform_indices = @transform_4, window_bounds = array<i64: 1, 128>}, {transform_indices = @transform_5, window_bounds = array<i64: 1000, 128>}]} {
    %get3A = arith.constant 0 : index
    %get3A_0 = arith.constant 0 : index
    %get3A_1 = vector.load %arg2[%get3A, %get3A_0] : memref<1x128xf32, #tpu.memory_space<vmem>>, vector<1x128xf32>
    %div3A = arith.constant 1.000000e+04 : f32
    %div3A_2 = vector.broadcast %div3A : f32 to vector<1x128xf32>
    %div3A_3 = arith.divf %get3A_1, %div3A_2 : vector<1x128xf32>
    %get3A_4 = arith.constant 0 : index
    %get3A_5 = arith.constant 0 : index
    %get3A_6 = vector.load %arg3[%get3A_4, %get3A_5] : memref<1x128xf32, #tpu.memory_space<vmem>>, vector<1x128xf32>
    %div3A_7 = arith.constant 1.000000e+04 : f32
    %div3A_8 = vector.broadcast %div3A_7 : f32 to vector<1x128xf32>
    %div3A_9 = arith.divf %get3A_6, %div3A_8 : vector<1x128xf32>
    %mul3A = arith.mulf %div3A_3, %div3A_3 : vector<1x128xf32>
    %sub3A = arith.subf %div3A_9, %mul3A : vector<1x128xf32>
    %get3A_10 = arith.constant 0 : index
    %get3A_11 = arith.constant 0 : index
    %get3A_12 = vector.load %arg1[%get3A_10, %get3A_11] : memref<1000x128xf32, #tpu.memory_space<vmem>>, vector<1000x128xf32>
    %sub3A_13 = vector.broadcast %div3A_3 : vector<1x128xf32> to vector<1000x128xf32>
    %sub3A_14 = arith.subf %get3A_12, %sub3A_13 : vector<1000x128xf32>
    %add3A = arith.constant 9.99999974E-6 : f32
    %add3A_15 = vector.broadcast %add3A : f32 to vector<1x128xf32>
    %add3A_16 = arith.addf %sub3A, %add3A_15 : vector<1x128xf32>
    %rsqrt3A = math.rsqrt %add3A_16 : vector<1x128xf32>
    %mul3A_17 = vector.broadcast %rsqrt3A : vector<1x128xf32> to vector<1000x128xf32>
    %mul3A_18 = arith.mulf %sub3A_14, %mul3A_17 : vector<1000x128xf32>
    %get3A_19 = arith.constant 0 : index
    %get3A_20 = arith.constant 0 : index
    %get3A_21 = vector.load %arg4[%get3A_19, %get3A_20] : memref<1x128xf32, #tpu.memory_space<vmem>>, vector<1x128xf32>
    %mul3A_22 = vector.broadcast %get3A_21 : vector<1x128xf32> to vector<1000x128xf32>
    %mul3A_23 = arith.mulf %mul3A_18, %mul3A_22 : vector<1000x128xf32>
    %get3A_24 = arith.constant 0 : index
    %get3A_25 = arith.constant 0 : index
    %get3A_26 = vector.load %arg5[%get3A_24, %get3A_25] : memref<1x128xf32, #tpu.memory_space<vmem>>, vector<1x128xf32>
    %add3A_27 = vector.broadcast %get3A_26 : vector<1x128xf32> to vector<1000x128xf32>
    %add3A_28 = arith.addf %mul3A_23, %add3A_27 : vector<1000x128xf32>
    %gt3A = arith.constant 0.000000e+00 : f32
    %gt3A_29 = vector.broadcast %gt3A : f32 to vector<1000x128xf32>
    %gt3A_30 = arith.cmpf ogt, %add3A_28, %gt3A_29 : vector<1000x128xf32>
    %exp3A = math.exp %add3A_28 : vector<1000x128xf32>
    %sub3A_31 = arith.constant 1.000000e+00 : f32
    %sub3A_32 = vector.broadcast %sub3A_31 : f32 to vector<1000x128xf32>
    %sub3A_33 = arith.subf %exp3A, %sub3A_32 : vector<1000x128xf32>
    %select_n3A = arith.select %gt3A_30, %add3A_28, %sub3A_33 : vector<1000x128xi1>, vector<1000x128xf32>
    %reduce_max3A = arith.constant dense<0xFF800000> : vector<1000xf32>
    %reduce_max3A_34 = vector.multi_reduction <maximumf>, %select_n3A, %reduce_max3A [1] : vector<1000x128xf32> to vector<1000xf32>
    %broadcast_in_dim3A = vector.shape_cast %reduce_max3A_34 : vector<1000xf32> to vector<1000x1xf32>
    %sub3A_35 = vector.broadcast %broadcast_in_dim3A : vector<1000x1xf32> to vector<1000x128xf32>
    %sub3A_36 = arith.subf %select_n3A, %sub3A_35 : vector<1000x128xf32>
    %exp3A_37 = math.exp %sub3A_36 : vector<1000x128xf32>
    %reduce_sum3A = arith.constant dense<0.000000e+00> : vector<1000xf32>
    %reduce_sum3A_38 = vector.multi_reduction <add>, %exp3A_37, %reduce_sum3A [1] : vector<1000x128xf32> to vector<1000xf32>
    %broadcast_in_dim3A_39 = vector.shape_cast %reduce_sum3A_38 : vector<1000xf32> to vector<1000x1xf32>
    %log3A = math.log %broadcast_in_dim3A_39 : vector<1000x1xf32>
    %sub3A_40 = vector.broadcast %log3A : vector<1000x1xf32> to vector<1000x128xf32>
    %sub3A_41 = arith.subf %sub3A_36, %sub3A_40 : vector<1000x128xf32>
    %swap3A = arith.constant 0 : index
    %swap3A_42 = arith.constant 0 : index
    %swap3A_43 = vector.load %arg6[%swap3A, %swap3A_42] : memref<1000x128xf32, #tpu.memory_space<vmem>>, vector<1000x128xf32>
    tpu.vector_store %arg6[%swap3A, %swap3A_42], %sub3A_41 {strides = array<i32>} : memref<1000x128xf32, #tpu.memory_space<vmem>>, vector<1000x128xf32>,
    return
  }
  func.func @transform_0(%arg0: i32) -> (i32, i32) {
    %c0_i32 = arith.constant 0 : i32
    %c0_i32_0 = arith.constant 0 : i32
    return %arg0, %c0_i32 : i32, i32
  }
  func.func @transform_1(%arg0: i32) -> (i32, i32) {
    %c0_i32 = arith.constant 0 : i32
    %c0_i32_0 = arith.constant 0 : i32
    %c0_i32_1 = arith.constant 0 : i32
    return %c0_i32, %c0_i32_0 : i32, i32
  }
  func.func @transform_2(%arg0: i32) -> (i32, i32) {
    %c0_i32 = arith.constant 0 : i32
    %c0_i32_0 = arith.constant 0 : i32
    %c0_i32_1 = arith.constant 0 : i32
    return %c0_i32, %c0_i32_0 : i32, i32
  }
  func.func @transform_3(%arg0: i32) -> (i32, i32) {
    %c0_i32 = arith.constant 0 : i32
    %c0_i32_0 = arith.constant 0 : i32
    %c0_i32_1 = arith.constant 0 : i32
    return %c0_i32, %c0_i32_0 : i32, i32
  }
  func.func @transform_4(%arg0: i32) -> (i32, i32) {
    %c0_i32 = arith.constant 0 : i32
    %c0_i32_0 = arith.constant 0 : i32
    %c0_i32_1 = arith.constant 0 : i32
    return %c0_i32, %c0_i32_0 : i32, i32
  }
  func.func @transform_5(%arg0: i32) -> (i32, i32) {
    %c0_i32 = arith.constant 0 : i32
    %c0_i32_0 = arith.constant 0 : i32
    return %arg0, %c0_i32 : i32, i32
  }
}

</mosaic_0001>

<sc_bundles>
// kernel: kernel.10.cloned.1.call-start
scs
__scs_entry_jumppad:
0x0: {  	(pc) =	sbr.rel $0x88, $3  }
0x1: {  	(tag) =	ssettag $0x0;
	lr =	simm.s32 $0x1  }
0x2: {  	[smem:$0x3F8C] =	sst lr;
	_ =	strace $0xD0000000  }
0x3: {  	_ = 	snop  }
0x4: {  	_ = 	snop  }
0x5: {  	_ = 	snop  }
0x6: {  	_ = 	snop  }
0x7: {  	_ = 	snop  }
__scs_overlays_trampoline_lowered:
0x8: {  	[smem:$0x3F9B] =	sst s0  }
0x9: {  	[smem:$0x3F9C] =	sst s1  }
0xa: {  	[smem:$0x3F9D] =	sst s2  }
0xb: {  	[smem:$0x3F9E] =	sst s3  }
0xc: {  	[smem:$0x3F9F] =	sst s4  }
0xd: {  	[smem:$0x3FA0] =	sst s5  }
0xe: {  	[smem:$0x3FA1] =	sst s6  }
0xf: {  	[smem:$0x3FA2] =	sst s7  }
0x10: {  	[smem:$0x3FA3] =	sst s8  }
0x11: {  	[smem:$0x3FA4] =	sst s9;
	s0 =	simm.s32 @!p0 $0x0  }
0x12: {  	s1 =	sld [smem:$0x3F8A];
	s0 =	simm.s32 @p0 $0x1  }
0x13: {  	[smem:$0x3FA5] =	sst s0;
	s0 =	simm.s32 @!p1 $0x0  }
0x14: {  	s2 =	sld [smem:$0x3F89];
	s0 =	simm.s32 @p1 $0x1  }
0x15: {  	[smem:$0x3FA6] =	sst s0;
	s0 =	simm.s32 @!p2 $0x0  }
0x16: {  	s3 =	sld [smem:$0x3FDB];
	s0 =	simm.s32 @p2 $0x1  }
0x17: {  	s4 =	simm.s32 $0x1BF5;
	[smem:$0x3FA8] =	sst s0  }
0x18: {  	s0 =	sld [smem:$0x3F8B];
	_ =	swait.ge [sflag:s4], $0x0  }
0x19: {  	s7 =	sld [smem:$0x3F8C]  }
0x1a: {  	s8 =	sadd.s32 $0xFFFFE003, lr  }
0x1b: {  	s9 =	sadd.s32 $0xFFFFFEF7, lr;
	s5 =	simm.s32 $0xFFFFFFFF;
	p2 =	slt.u32 s8, $0xFFFFF086  }
0x1c: {  	p1 =	slt.u32 s9, $0xF7A;
	s5 =	simm.s32 @!p2 $0x0  }
0x1d: {  	s5 =	simm.s32 @p1 $0x1;
	p0 =	seq.s32 s7, s2  }
0x1e: {  	s7 =	smul.u32 @!p0 $0xF7A, s2;
	p2 =	seq.s32 @!p0 s5, $0x0  }
0x1f: {  	s9 =	smul.u32 $0xF7A, s1;
	s8 =	simm.s32 @!p0 $0x1BF5;
	p2 =	por !p2, p0  }
0x20: {  	[sflag:s8] =	ssyncset.s32 @!p0 $0xFFFFF086;
	s6 =	sadd.s32 @!p0 s3, s7;
	s7 =	simm.s32 @!p0 $0x108  }
0x21: {  	s3 =	sadd.s32 s3, s9;
	s6 =	sadd.s32 @!p0 $0x88, s6;
	s7 =	simm.s32 @p2 $0x1082  }
0x22: {  	[simem:s7], [sflag:s8] =	dma.local @!p0 [hbm:s6], $0xF7A  }
0x23: {  	s9 =	sor.u32 $0xD0000000, s2;
	s6 =	simm.s32 $0x108;
	_ =	swait.ge @!p0 [sflag:s8], $0x0  }
0x24: {  	s3 =	sadd.s32 $0x88, s3;
	s6 =	simm.s32 @!p1 $0x1082;
	[sflag:s4] =	ssyncset.s32 $0xFFFFF086  }
0x25: {  	[simem:s6], [sflag:s4] =	dma.local [hbm:s3], $0xF7A  }
0x26: {  	[smem:$0x3F8C] =	sst s1;
	(tag) =	ssettag s2;
	_ =	strace s9  }
0x27: {  	s1 =	sld [smem:$0x3F9C]  }
0x28: {  	s2 =	sld [smem:$0x3F9D]  }
0x29: {  	s4 =	sld [smem:$0x3F9F]  }
0x2a: {  	p0 =	seq.s32 s5, $0x0;
	s5 =	sld [smem:$0x3FA0]  }
0x2b: {  	s6 =	sld [smem:$0x3FA1]  }
0x2c: {  	s7 =	sld [smem:$0x3FA2]  }
0x2d: {  	s3 =	simm.s32 $0x108;
	s8 =	sld [smem:$0x3FA3]  }
0x2e: {  	s3 =	simm.s32 @!p0 $0x1082;
	s9 =	sld [smem:$0x3FA4]  }
0x2f: {  	lr =	sadd.s32 s0, s3;
	s0 =	sld [smem:$0x3F9B]  }
0x30: {  	s3 =	sld [smem:$0x3F9E]  }
0x31: {  	[smem:$0x3FA7] =	sst s10  }
0x32: {  	s10 =	sld [smem:$0x3FA5];
	_ =	sdelay $0x3  }
0x33: {  	p0 =	seq.s32 s10, $0x1;
	s10 =	sld [smem:$0x3FA7];
	_ =	sdelay $0x3  }
0x34: {  	[smem:$0x3FA7] =	sst s10  }
0x35: {  	s10 =	sld [smem:$0x3FA6];
	_ =	sdelay $0x3  }
0x36: {  	p1 =	seq.s32 s10, $0x1;
	s10 =	sld [smem:$0x3FA7];
	_ =	sdelay $0x3  }
0x37: {  	[smem:$0x3FA7] =	sst s10  }
0x38: {  	s10 =	sld [smem:$0x3FA8]  }
0x39: {  	_ = 	snop;
	(pc) =	sbr.ind lr, $3  }
0x3a: {  	_ = 	snop  }
0x3b: {  	_ = 	snop  }
0x3c: {  	p2 =	seq.s32 s10, $0x1;
	s10 =	sld [smem:$0x3FA7]  }
0x3d: {  	_ =	shalt  }
0x3e: {  	_ =	shalt  }
0x3f: {  	_ =	shalt  }
0x40: {  	_ =	shalt  }
0x41: {  	_ =	shalt  }
0x42: {  	_ =	shalt  }
0x43: {  	_ =	shalt  }
0x44: {  	_ =	shalt  }
0x45: {  	_ =	shalt  }
0x46: {  	_ =	shalt  }
0x47: {  	_ =	shalt  }
0x48: {  	_ =	shalt  }
0x49: {  	_ =	shalt  }
0x4a: {  	_ =	shalt  }
0x4b: {  	_ =	shalt  }
0x4c: {  	_ =	shalt  }
0x4d: {  	_ =	shalt  }
0x4e: {  	_ =	shalt  }
0x4f: {  	_ =	shalt  }
0x50: {  	_ =	shalt  }
0x51: {  	_ =	shalt  }
0x52: {  	_ =	shalt  }
0x53: {  	_ =	shalt  }
0x54: {  	_ =	shalt  }
0x55: {  	_ =	shalt  }
0x56: {  	_ =	shalt  }
0x57: {  	_ =	shalt  }
0x58: {  	_ =	shalt  }
0x59: {  	_ =	shalt  }
0x5a: {  	_ =	shalt  }
0x5b: {  	_ =	shalt  }
0x5c: {  	_ =	shalt  }
0x5d: {  	_ =	shalt  }
0x5e: {  	_ =	shalt  }
0x5f: {  	_ =	shalt  }
0x60: {  	_ =	shalt  }
0x61: {  	_ =	shalt  }
0x62: {  	_ =	shalt  }
0x63: {  	_ =	shalt  }
0x64: {  	_ =	shalt  }
0x65: {  	_ =	shalt  }
0x66: {  	_ =	shalt  }
0x67: {  	_ =	shalt  }
0x68: {  	_ =	shalt  }
0x69: {  	_ =	shalt  }
0x6a: {  	_ =	shalt  }
0x6b: {  	_ =	shalt  }
0x6c: {  	_ =	shalt  }
0x6d: {  	_ =	shalt  }
0x6e: {  	_ =	shalt  }
0x6f: {  	_ =	shalt  }
0x70: {  	_ =	shalt  }
0x71: {  	_ =	shalt  }
0x72: {  	_ =	shalt  }
0x73: {  	_ =	shalt  }
0x74: {  	_ =	shalt  }
0x75: {  	_ =	shalt  }
0x76: {  	_ =	shalt  }
0x77: {  	_ =	shalt  }
0x78: {  	_ =	shalt  }
0x79: {  	_ =	shalt  }
0x7a: {  	_ =	shalt  }
0x7b: {  	_ =	shalt  }
0x7c: {  	_ =	shalt  }
0x7d: {  	_ =	shalt  }
0x7e: {  	_ =	shalt  }
0x7f: {  	_ =	shalt  }
0x80: {  	_ =	shalt  }
0x81: {  	_ =	shalt  }
0x82: {  	_ =	shalt  }
0x83: {  	_ =	shalt  }
0x84: {  	_ =	shalt  }
0x85: {  	_ =	shalt  }
0x86: {  	_ =	shalt  }
0x87: {  	_ =	shalt  }
.Lfunc_end0:
.L_simem_size_0:
called_computation_lowered:
.L_overlay_start_0:
0x88: {  	s2 =	sld [smem:$0x3FD9]  }
0x89: {  	s3 =	sld [smem:$0x3FFE];
	_ =	sdelay $0x1  }
0x8a: {  	s1 =	srdreg.scid  }
0x8b: {  	s0 =	sand.u32 $0x1, s1  }
0x8c: {  	s16 =	sshll.u32 s0, $0xA;
	s2 =	sadd.s32 s3, s2  }
0x8d: {  	s2 =	sadd.s32 s2, s16  }
0x8e: {  	[smem:$0x3FB3] =	sst s2  }
0x8f: {  	_ = 	snop  }
0x90: {  	(tm) =	ssettm $0x1  }
0x91: {  	s17 =	sld [smem:$0x3FFB];
	_ =	sdelay $0x3  }
0x92: {  	_ =	strace s17  }
0x93: {  	s2 =	sld [smem:$0x3FFC];
	_ =	sdelay $0x3  }
0x94: {  	_ =	strace s2  }
0x95: {  	s2 =	sld [smem:$0x3FFD];
	_ =	sdelay $0x3  }
0x96: {  	_ =	strace s2  }
0x97: {  	_ =	strace $0x8FFFFFFF  }
0x98: {  	s18 =	sld [smem:$0x3FDB];
	_ =	sdelay $0x1  }
0x99: {  	s19 =	simm.s32 $_scs_section_size  }
0x9a: {  	s4 =	simm.s32 $_size__tile_overlayer_lowered;
	s5 =	simm.s32 $_tile_overlayer_lowered  }
0x9b: {  	s22 =	simm.s32 $0x1BFF;
	s21 =	sshll.u32 s5, $0x1;
	s2 =	sadd.s32 s19, s18  }
0x9c: {  	s6 =	simm.s32 $0x0;
	s20 =	sshll.u32 s4, $0x1;
	s4 =	sadd.s32 s21, s2  }
0x9d: {  	[timem:s6], [sflag:s22] =	dma.local [hbm:s4], s20  }
0x9e: {  	_ =	swait.ge [sflag:s22], s20  }
0x9f: {  	s3 =	ssub.s32 $0x0, s20;
	[sflag:s22] =	ssyncset.done $0x0  }
0xa0: {  	[sflag:s22] =	ssyncadd.s32 s3;
	_ =	sdelay $0x1  }
0xa1: {  	s23 =	simm.s32 $0x1B8B  }
0xa2: {  	_ =	swait.ge [sflag:s23], $0x1  }
0xa3: {  	[sflag:s23] =	ssyncset.done $0x0  }
0xa4: {  	s25 =	simm.s32 $0x1B8E;
	s24 =	sld [smem:$0x3FFE];
	[sflag:s23] =	ssyncadd.s32 $0xFFFFFFFF  }
0xa5: {  	s26 =	simm.s32 $execute0_lowered;
	[smem:$0x3FD2] =	sst s25  }
0xa6: {  	s4 =	sshll.u32 s26, $0x1;
	_ =	strace $0x80000046;
	[dreg:$0x1] =	wrdreg $0xFFFFFFFF  }
0xa7: {  	s28 =	simm.s32 $_size_execute0_lowered;
	s2 =	sadd.s32 s2, s4;
	[dreg:$0x0] =	wrdreg $0x0  }
0xa8: {  	s4 =	sshll.u32 s28, $0x1;
	[dreg:$0x2] =	wrdreg s2  }
0xa9: {  	[dreg:$0x3] =	wrdreg s4  }
0xaa: {  	[dreg:$0x4] =	wrdreg $0xC0  }
0xab: {  	_ =	task [dreg:s6], $0x5FFFF  }
0xac: {  	[dreg:$0x1] =	wrdreg $0xFFFFFFFF  }
0xad: {  	[dreg:$0x0] =	wrdreg $0x60  }
0xae: {  	[dreg:$0x2] =	wrdreg s24  }
0xaf: {  	[dreg:$0x3] =	wrdreg $0x0  }
0xb0: {  	[dreg:$0x4] =	wrdreg $0x9  }
0xb1: {  	_ =	task.clear_ibuf [dreg:s6], $0x5FFFF;
	_ =	strace $0x90000046  }
0xb2: {  	s29 =	simm.s32 $0x9;
	_ =	strace $0x80000048  }
0xb3: {  	_ =	swait.ge [sflag:s29], $0x1  }
0xb4: {  	[sflag:s29] =	ssyncadd.s32 $0xFFFFFFFF  }
0xb5: {  	_ =	strace $0x90000048  }
0xb6: {  	_ =	sfence  }
0xb7: {  	s30 =	sld [smem:$0x0];
	_ =	sdelay $0x2  }
0xb8: {  	s31 =	sshll.u32 s1, $0xD;
	s1 =	sshrl.u32 s1, $0x2  }
0xb9: {  	s3 =	sand.u32 $0x4000, s31;
	s1 =	sadd.s32 s1, s30  }
0xba: {  	s0 =	sor.u32 s3, s0;
	s1 =	sshll.u32 s1, $0x11  }
0xbb: {  	s0 =	sor.u32 s1, s0  }
0xbc: {  	s0 =	sadd.s32 $0x8F2B, s0  }
0xbd: {  	[sflag:s0] =	ssyncadd.remote.s32 $0x1  }
0xbe: {  	_ =	sfence.sel $0xFFFF  }
0xbf: {  	[dreg:$0x0] =	wrdreg $0xFFFFFFFF;
	(pc) =	sbr.abs _section_cstart, $3  }
0xc0: {  	[dreg:$0x1] =	wrdreg $0xFFFFFFFF  }
0xc1: {  	_ =	task.clear_ibuf [dreg:s6], $0x2FFFF;
	_ =	strace $0x9FFFFFFF  }
0xc2: {  	(tm) =	ssettm $0x7FFFFFFF  }
0xc3: {  	_ =	shalt  }
tec
execute0_lowered:
.L_overlay_start_1:
0x0: {  	(tag) =	ssettag $0x1  }
0x1: {  	s5 =	rddreg [dreg:$0x0]  }
0x2: {  	s0 =	srdreg.scid;
	s2 =	rddreg [dreg:$0x1]  }
0x3: {  	s1 =	rddreg [dreg:$0x2];
	s3 =	simm.s32 $0x0;
	s6 =	sand.u32 $0x1, s0  }
0x4: {  	s15 =	simm.s32 $0x6400;
	s0 =	stileid.u32;
	s4 =	smul.u32 $0x14000, s6  }
0x5: {  	s16 =	simm.s32 $0x1;
	s17 =	simm.s32 $0xA400;
	s7 =	smul.u32 $0x1400, s0  }
0x6: {  	s18 =	simm.s32 $0x80;
	s19 =	simm.s32 $0x2;
	s22 =	smul.u32 $0x140000, s6  }
0x7: {  	s20 =	simm.s32 $0x6300;
	s21 =	simm.s32 $0x6380;
	s8 =	smul.u32 $0x14000, s0  }
0x8: {  	[smem:$0x7FF] =	sst s3;
	s11 =	sadd.s32 $0x9800, s5;
	s10 =	smul.u32 $0xA00000, s6  }
0x9: {  	_ =	strace $0x80000047;
	s23 =	smul.u32 $0xA0000, s0;
	s6 =	ssub.s32 $0x2, s6  }
0xa: {  	s12 =	smul.u32 $0x50000, s0;
	s31 =	sshll.u32 s0, $0x6;
	s24 =	sshrl.u32 s6, $0x1  }
0xb: {  	s4 =	sadd.s32 s7, s4;
	s7 =	sadd.s32 s8, s22;
	s10 =	sadd.s32 s23, s10  }
0xc: {  	s25 =	ssub.s32 s6, s24;
	s26 =	sshrl.u32 s12, $0x2;
	s22 =	simm.s32 $0x0  }
0xd: {  	s4 =	sshrl.u32 s4, $0x3;
	s7 =	sshrl.u32 s7, $0x3;
	s28 =	sshrl.u32 s10, $0x3  }
0xe: {  	s14 =	sadd.s32 s26, s2;
	s8 =	smax.u32 s25, $0x1;
	s29 =	sor.u32 $0x8000, s10  }
0xf: {  	s13 =	sor.u32 $0x4000, s10;
	s9 =	sadd.s32 s4, s5;
	s4 =	sadd.s32 $0x289800, s5  }
0x10: {  	s7 =	sadd.s32 s7, s5;
	s6 =	sadd.s32 s11, s28;
	s12 =	sshrl.u32 s29, $0x3  }
0x11: {  	s30 =	sshrl.u32 s13, $0x3;
	s13 =	sor.u32 $0x1C03, s31;
	s14 =	sshrl.u32 s14, $0x3  }
0x12: {  	s5 =	sadd.s32 $0x4800, s9;
	s7 =	sadd.s32 $0x28C000, s7;
	s9 =	sadd.s32 $0x13800, s6  }
0x13: {  	s10 =	sadd.s32 s12, s11;
	s11 =	sadd.s32 s30, s11;
	s12 =	simm.s32 $0x3  }
.LBB2_1:
0x14: {  	s23 =	simm.s32 $0x5000  }
0x15: {  	[tilespmem:s23], [sflag:$0x3] =	stream.linear.gather [hbm4b:s5+s3], $0x1400, $0x38;
	[tilespmem:$0xE400] =	vst v63  }
0x16: {  	_ =	swait.ge [sflag:s12], $0x1400  }
0x17: {  	[sflag:s12] =	ssyncset.done $0x0  }
0x18: {  	[sflag:s12] =	ssyncadd.s32 $0xFFFFEC00  }
0x19: {  	[spmem:s14], [sflag:s13] =	dma.local [hbm:s4], $0x2800  }
0x1a: {  	_ =	swait.ge [sflag:s12], $0x2800  }
0x1b: {  	[sflag:s12] =	ssyncset.done $0x0  }
0x1c: {  	[sflag:s12] =	ssyncadd.s32 $0xFFFFD800  }
0x1d: {  	[bflag:$0x0] =	sbarrier.arrive $0xFFFF  }
0x1e: {  	[tilespmem:s15], [sflag:$0x1] =	stream.linear.gather [hbm4b:s6+s3], $0x4000, $0x38;
	[tilespmem:$0xE400] =	vst v63  }
0x1f: {  	_ =	swait.ge [sflag:s16], $0x4000  }
0x20: {  	[sflag:s16] =	ssyncset.done $0x0  }
0x21: {  	s24 =	sadd.s32 $0x0, s11;
	[sflag:s16] =	ssyncadd.s32 $0xFFFFC000  }
0x22: {  	[tilespmem:s17], [sflag:$0x2] =	stream.linear.gather [hbm4b:s24+s3], $0x4000, $0x38;
	[tilespmem:$0xE400] =	vst v63  }
0x23: {  	_ = 	snop  }
0x24: {  	[spmem:s2] =	stream.indirect.scatter.add.f32 [tilespmem:s15], [sflag:$0x3], $0x20, s23, s18, $0xb8;
	[tilespmem:$0xE400] =	vst v63  }
0x25: {  	_ =	swait.ge [sflag:s12], $0x1000  }
0x26: {  	[sflag:s12] =	ssyncset.done $0x0  }
0x27: {  	[sflag:s12] =	ssyncadd.s32 $0xFFFFF000  }
0x28: {  	_ =	swait.ge [sflag:s19], $0x4000  }
0x29: {  	[sflag:s19] =	ssyncset.done $0x0  }
0x2a: {  	s30 =	sadd.s32 $0x0, s10;
	[sflag:s19] =	ssyncadd.s32 $0xFFFFC000  }
0x2b: {  	[tilespmem:s15], [sflag:$0x1] =	stream.linear.gather [hbm4b:s30+s3], $0x4000, $0x38;
	[tilespmem:$0xE400] =	vst v63  }
0x2c: {  	s31 =	simm.s32 $0x5080  }
0x2d: {  	[spmem:s2] =	stream.indirect.scatter.add.f32 [tilespmem:s17], [sflag:$0x3], $0x20, s31, s18, $0xb8;
	[tilespmem:$0xE400] =	vst v63  }
0x2e: {  	_ =	swait.ge [sflag:s12], $0x1000  }
0x2f: {  	[sflag:s12] =	ssyncset.done $0x0  }
0x30: {  	[sflag:s12] =	ssyncadd.s32 $0xFFFFF000  }
0x31: {  	s25 =	simm.s32 $0x2000;
	_ =	swait.ge [sflag:s16], $0x4000  }
0x32: {  	s24 =	simm.s32 $0x5100;
	s23 =	simm.s32 $0x1000;
	[sflag:s16] =	ssyncset.done $0x0  }
.LBB2_2:
0x33: {  	s26 =	sadd.s32 s23, s11  }
0x34: {  	[sflag:s16] =	ssyncadd.s32 $0xFFFFC000;
	s28 =	smov.u32 s25;
	s29 =	sadd.s32 $0x1000, s25  }
0x35: {  	[tilespmem:s17], [sflag:$0x2] =	stream.linear.gather [hbm4b:s26+s3], $0x4000, $0x38;
	[tilespmem:$0xE400] =	vst v63  }
0x36: {  	p0 =	sne.s32 s25, $0x12000  }
0x37: {  	[spmem:s2] =	stream.indirect.scatter.add.f32 [tilespmem:s15], [sflag:$0x3], $0x20, s24, s18, $0xb8;
	[tilespmem:$0xE400] =	vst v63  }
0x38: {  	_ =	swait.ge [sflag:s12], $0x1000  }
0x39: {  	[sflag:s12] =	ssyncset.done $0x0  }
0x3a: {  	[sflag:s12] =	ssyncadd.s32 $0xFFFFF000  }
0x3b: {  	_ =	swait.ge [sflag:s19], $0x4000  }
0x3c: {  	[sflag:s19] =	ssyncset.done $0x0  }
0x3d: {  	s25 =	sadd.s32 s23, s10;
	s23 =	smov.u32 s28;
	[sflag:s19] =	ssyncadd.s32 $0xFFFFC000  }
0x3e: {  	[tilespmem:s15], [sflag:$0x1] =	stream.linear.gather [hbm4b:s25+s3], $0x4000, $0x38;
	[tilespmem:$0xE400] =	vst v63  }
0x3f: {  	s25 =	sadd.s32 $0x80, s24  }
0x40: {  	[spmem:s2] =	stream.indirect.scatter.add.f32 [tilespmem:s17], [sflag:$0x3], $0x20, s25, s18, $0xb8;
	[tilespmem:$0xE400] =	vst v63  }
.Ltmp0:
0x41: {  	_ =	swait.ge [sflag:s12], $0x1000;
	(pc) =	sbr.rel @p0 .LBB2_2-.Ltmp0, $4  }
0x42: {  	[sflag:s12] =	ssyncset.done $0x0  }
0x43: {  	[sflag:s12] =	ssyncadd.s32 $0xFFFFF000  }
0x44: {  	_ =	swait.ge [sflag:s16], $0x4000  }
0x45: {  	s24 =	sadd.s32 $0x100, s24;
	s25 =	smov.u32 s29;
	[sflag:s16] =	ssyncset.done $0x0  }
0x46: {  	s25 =	sadd.s32 s23, s11;
	[sflag:s16] =	ssyncadd.s32 $0xFFFFC000  }
0x47: {  	[tilespmem:s17], [sflag:$0x2] =	stream.linear.gather [hbm4b:s25+s3], $0x4000, $0x38;
	[tilespmem:$0xE400] =	vst v63  }
0x48: {  	_ = 	snop  }
0x49: {  	[spmem:s2] =	stream.indirect.scatter.add.f32 [tilespmem:s15], [sflag:$0x3], $0x20, s24, s18, $0xb8;
	[tilespmem:$0xE400] =	vst v63  }
0x4a: {  	_ =	swait.ge [sflag:s12], $0x1000  }
0x4b: {  	[sflag:s12] =	ssyncset.done $0x0  }
0x4c: {  	[sflag:s12] =	ssyncadd.s32 $0xFFFFF000  }
0x4d: {  	_ =	swait.ge [sflag:s19], $0x4000  }
0x4e: {  	[sflag:s19] =	ssyncset.done $0x0  }
0x4f: {  	s30 =	sadd.s32 s23, s10;
	[sflag:s19] =	ssyncadd.s32 $0xFFFFC000  }
0x50: {  	[tilespmem:s15], [sflag:$0x1] =	stream.linear.gather [hbm4b:s30+s3], $0x4000, $0x38;
	[tilespmem:$0xE400] =	vst v63  }
0x51: {  	s31 =	sadd.s32 $0x80, s24  }
0x52: {  	[spmem:s2] =	stream.indirect.scatter.add.f32 [tilespmem:s17], [sflag:$0x3], $0x20, s31, s18, $0xb8;
	[tilespmem:$0xE400] =	vst v63  }
0x53: {  	_ =	swait.ge [sflag:s12], $0x1000  }
0x54: {  	[sflag:s12] =	ssyncset.done $0x0  }
0x55: {  	[sflag:s12] =	ssyncadd.s32 $0xFFFFF000  }
0x56: {  	_ =	swait.ge [sflag:s16], $0x4000  }
0x57: {  	[sflag:s16] =	ssyncset.done $0x0  }
0x58: {  	[sflag:s16] =	ssyncadd.s32 $0xFFFFC000  }
0x59: {  	[tilespmem:s17], [sflag:$0x2] =	stream.linear.gather [hbm4b:s9+s3], $0x4000, $0x38;
	[tilespmem:$0xE400] =	vst v63  }
0x5a: {  	_ = 	snop  }
0x5b: {  	[spmem:s2] =	stream.indirect.scatter.add.f32 [tilespmem:s15], [sflag:$0x3], $0x20, s20, s18, $0xb8;
	[tilespmem:$0xE400] =	vst v63  }
0x5c: {  	_ =	swait.ge [sflag:s12], $0x1000  }
0x5d: {  	[sflag:s12] =	ssyncset.done $0x0  }
0x5e: {  	[sflag:s12] =	ssyncadd.s32 $0xFFFFF000  }
0x5f: {  	_ =	swait.ge [sflag:s19], $0x4000  }
0x60: {  	[sflag:s19] =	ssyncset.done $0x0  }
0x61: {  	[sflag:s19] =	ssyncadd.s32 $0xFFFFC000  }
0x62: {  	[tilespmem:s15], [sflag:$0x1] =	stream.linear.gather [hbm4b:s9+s3], $0x4000, $0x38;
	[tilespmem:$0xE400] =	vst v63  }
0x63: {  	_ = 	snop  }
0x64: {  	[spmem:s2] =	stream.indirect.scatter.add.f32 [tilespmem:s17], [sflag:$0x3], $0x20, s21, s18, $0xb8;
	[tilespmem:$0xE400] =	vst v63  }
0x65: {  	_ =	swait.ge [sflag:s12], $0x1000  }
0x66: {  	[sflag:s12] =	ssyncset.done $0x0  }
0x67: {  	[sflag:s12] =	ssyncadd.s32 $0xFFFFF000  }
0x68: {  	_ =	swait.ge [sflag:s16], $0x4000  }
0x69: {  	[sflag:s16] =	ssyncset.done $0x0  }
0x6a: {  	s22 =	sadd.s32 $0x1, s22;
	[sflag:s16] =	ssyncadd.s32 $0xFFFFC000  }
0x6b: {  	p0 =	sne.s32 s22, s8;
	[bflag:$0x0] =	sbarrier.arrive $0xFFFF  }
0x6c: {  	[hbm:s7], [sflag:s13] =	dma.local [spmem:s14], $0x2800  }
.Ltmp1:
0x6d: {  	_ =	swait.ge [sflag:s12], $0x2800;
	(pc) =	sbr.rel @p0 .LBB2_1-.Ltmp1, $3  }
0x6e: {  	[sflag:s12] =	ssyncset.done $0x0  }
0x6f: {  	[sflag:s12] =	ssyncadd.s32 $0xFFFFD800  }
0x70: {  	[bflag:$0x0] =	sbarrier.arrive $0xFFFF;
	_ =	sdelay $0x1  }
0x71: {  	_ =	sfence.sel $0x180000  }
0x72: {  	[bflag:$0x0] =	sbarrier.arrive $0xFFFF  }
0x73: {  	p0 =	sne.s32 s0, $0x0;
	_ =	strace $0x90000047  }
0x74: {  	s0 =	sadd.s32 @!p0 $0x100000, s1;
	[bflag:$0x2] =	sbarrier.arrive $0xFFFF  }
0x75: {  	[sflag:s0] =	ssyncadd.tile.s32 @!p0 $0x1;
	_ =	shalt  }
.Lfunc_end2:
_tile_overlayer_lowered:
.L_overlay_start_2:
0x76: {  	(tag) =	ssettag $0x2  }
0x77: {  	s0 =	rddreg [dreg:$0x0];
	s2 =	stileid.u32  }
0x78: {  	s1 =	rddreg [dreg:$0x1];
	p0 =	sne.s32 s2, $0x0  }
0x79: {  	s3 =	rddreg [dreg:$0x2];
	[bflag:$0x3] =	sbarrier.arrive $0xFFFF;
	s2 =	simm.s32 @!p0 $0x1C03  }
0x7a: {  	[timem:s3], [sflag:s2] =	dma.local @!p0 [hbm:s0], s1  }
0x7b: {  	s0 =	simm.s32 @!p0 $0x3  }
0x7c: {  	_ =	swait.ge @!p0 [sflag:s0], s1  }
0x7d: {  	s1 =	ssub.s32 @!p0 $0x0, s1;
	[sflag:s0] =	ssyncset.done @!p0 $0x0  }
0x7e: {  	[sflag:s0] =	ssyncadd.s32 @!p0 s1  }
0x7f: {  	[bflag:$0x3] =	sbarrier.arrive $0xFFFF  }
0x80: {  	_ =	shalt  }

// kernel: kernel.13.cloned.1.call-start
scs
__scs_entry_jumppad:
0x0: {  	(pc) =	sbr.rel $0x88, $3  }
0x1: {  	(tag) =	ssettag $0x0;
	lr =	simm.s32 $0x1  }
0x2: {  	[smem:$0x3F8C] =	sst lr;
	_ =	strace $0xD0000000  }
0x3: {  	_ = 	snop  }
0x4: {  	_ = 	snop  }
0x5: {  	_ = 	snop  }
0x6: {  	_ = 	snop  }
0x7: {  	_ = 	snop  }
__scs_overlays_trampoline_lowered:
0x8: {  	[smem:$0x3F9B] =	sst s0  }
0x9: {  	[smem:$0x3F9C] =	sst s1  }
0xa: {  	[smem:$0x3F9D] =	sst s2  }
0xb: {  	[smem:$0x3F9E] =	sst s3  }
0xc: {  	[smem:$0x3F9F] =	sst s4  }
0xd: {  	[smem:$0x3FA0] =	sst s5  }
0xe: {  	[smem:$0x3FA1] =	sst s6  }
0xf: {  	[smem:$0x3FA2] =	sst s7  }
0x10: {  	[smem:$0x3FA3] =	sst s8  }
0x11: {  	[smem:$0x3FA4] =	sst s9;
	s0 =	simm.s32 @!p0 $0x0  }
0x12: {  	s1 =	sld [smem:$0x3F8A];
	s0 =	simm.s32 @p0 $0x1  }
0x13: {  	[smem:$0x3FA5] =	sst s0;
	s0 =	simm.s32 @!p1 $0x0  }
0x14: {  	s2 =	sld [smem:$0x3F89];
	s0 =	simm.s32 @p1 $0x1  }
0x15: {  	[smem:$0x3FA6] =	sst s0;
	s0 =	simm.s32 @!p2 $0x0  }
0x16: {  	s3 =	sld [smem:$0x3FDB];
	s0 =	simm.s32 @p2 $0x1  }
0x17: {  	s4 =	simm.s32 $0x1BF5;
	[smem:$0x3FA8] =	sst s0  }
0x18: {  	s0 =	sld [smem:$0x3F8B];
	_ =	swait.ge [sflag:s4], $0x0  }
0x19: {  	s7 =	sld [smem:$0x3F8C]  }
0x1a: {  	s8 =	sadd.s32 $0xFFFFE003, lr  }
0x1b: {  	s9 =	sadd.s32 $0xFFFFFEF7, lr;
	s5 =	simm.s32 $0xFFFFFFFF;
	p2 =	slt.u32 s8, $0xFFFFF086  }
0x1c: {  	p1 =	slt.u32 s9, $0xF7A;
	s5 =	simm.s32 @!p2 $0x0  }
0x1d: {  	s5 =	simm.s32 @p1 $0x1;
	p0 =	seq.s32 s7, s2  }
0x1e: {  	s7 =	smul.u32 @!p0 $0xF7A, s2;
	p2 =	seq.s32 @!p0 s5, $0x0  }
0x1f: {  	s9 =	smul.u32 $0xF7A, s1;
	s8 =	simm.s32 @!p0 $0x1BF5;
	p2 =	por !p2, p0  }
0x20: {  	[sflag:s8] =	ssyncset.s32 @!p0 $0xFFFFF086;
	s6 =	sadd.s32 @!p0 s3, s7;
	s7 =	simm.s32 @!p0 $0x108  }
0x21: {  	s3 =	sadd.s32 s3, s9;
	s6 =	sadd.s32 @!p0 $0x88, s6;
	s7 =	simm.s32 @p2 $0x1082  }
0x22: {  	[simem:s7], [sflag:s8] =	dma.local @!p0 [hbm:s6], $0xF7A  }
0x23: {  	s9 =	sor.u32 $0xD0000000, s2;
	s6 =	simm.s32 $0x108;
	_ =	swait.ge @!p0 [sflag:s8], $0x0  }
0x24: {  	s3 =	sadd.s32 $0x88, s3;
	s6 =	simm.s32 @!p1 $0x1082;
	[sflag:s4] =	ssyncset.s32 $0xFFFFF086  }
0x25: {  	[simem:s6], [sflag:s4] =	dma.local [hbm:s3], $0xF7A  }
0x26: {  	[smem:$0x3F8C] =	sst s1;
	(tag) =	ssettag s2;
	_ =	strace s9  }
0x27: {  	s1 =	sld [smem:$0x3F9C]  }
0x28: {  	s2 =	sld [smem:$0x3F9D]  }
0x29: {  	s4 =	sld [smem:$0x3F9F]  }
0x2a: {  	p0 =	seq.s32 s5, $0x0;
	s5 =	sld [smem:$0x3FA0]  }
0x2b: {  	s6 =	sld [smem:$0x3FA1]  }
0x2c: {  	s7 =	sld [smem:$0x3FA2]  }
0x2d: {  	s3 =	simm.s32 $0x108;
	s8 =	sld [smem:$0x3FA3]  }
0x2e: {  	s3 =	simm.s32 @!p0 $0x1082;
	s9 =	sld [smem:$0x3FA4]  }
0x2f: {  	lr =	sadd.s32 s0, s3;
	s0 =	sld [smem:$0x3F9B]  }
0x30: {  	s3 =	sld [smem:$0x3F9E]  }
0x31: {  	[smem:$0x3FA7] =	sst s10  }
0x32: {  	s10 =	sld [smem:$0x3FA5];
	_ =	sdelay $0x3  }
0x33: {  	p0 =	seq.s32 s10, $0x1;
	s10 =	sld [smem:$0x3FA7];
	_ =	sdelay $0x3  }
0x34: {  	[smem:$0x3FA7] =	sst s10  }
0x35: {  	s10 =	sld [smem:$0x3FA6];
	_ =	sdelay $0x3  }
0x36: {  	p1 =	seq.s32 s10, $0x1;
	s10 =	sld [smem:$0x3FA7];
	_ =	sdelay $0x3  }
0x37: {  	[smem:$0x3FA7] =	sst s10  }
0x38: {  	s10 =	sld [smem:$0x3FA8]  }
0x39: {  	_ = 	snop;
	(pc) =	sbr.ind lr, $3  }
0x3a: {  	_ = 	snop  }
0x3b: {  	_ = 	snop  }
0x3c: {  	p2 =	seq.s32 s10, $0x1;
	s10 =	sld [smem:$0x3FA7]  }
0x3d: {  	_ =	shalt  }
0x3e: {  	_ =	shalt  }
0x3f: {  	_ =	shalt  }
0x40: {  	_ =	shalt  }
0x41: {  	_ =	shalt  }
0x42: {  	_ =	shalt  }
0x43: {  	_ =	shalt  }
0x44: {  	_ =	shalt  }
0x45: {  	_ =	shalt  }
0x46: {  	_ =	shalt  }
0x47: {  	_ =	shalt  }
0x48: {  	_ =	shalt  }
0x49: {  	_ =	shalt  }
0x4a: {  	_ =	shalt  }
0x4b: {  	_ =	shalt  }
0x4c: {  	_ =	shalt  }
0x4d: {  	_ =	shalt  }
0x4e: {  	_ =	shalt  }
0x4f: {  	_ =	shalt  }
0x50: {  	_ =	shalt  }
0x51: {  	_ =	shalt  }
0x52: {  	_ =	shalt  }
0x53: {  	_ =	shalt  }
0x54: {  	_ =	shalt  }
0x55: {  	_ =	shalt  }
0x56: {  	_ =	shalt  }
0x57: {  	_ =	shalt  }
0x58: {  	_ =	shalt  }
0x59: {  	_ =	shalt  }
0x5a: {  	_ =	shalt  }
0x5b: {  	_ =	shalt  }
0x5c: {  	_ =	shalt  }
0x5d: {  	_ =	shalt  }
0x5e: {  	_ =	shalt  }
0x5f: {  	_ =	shalt  }
0x60: {  	_ =	shalt  }
0x61: {  	_ =	shalt  }
0x62: {  	_ =	shalt  }
0x63: {  	_ =	shalt  }
0x64: {  	_ =	shalt  }
0x65: {  	_ =	shalt  }
0x66: {  	_ =	shalt  }
0x67: {  	_ =	shalt  }
0x68: {  	_ =	shalt  }
0x69: {  	_ =	shalt  }
0x6a: {  	_ =	shalt  }
0x6b: {  	_ =	shalt  }
0x6c: {  	_ =	shalt  }
0x6d: {  	_ =	shalt  }
0x6e: {  	_ =	shalt  }
0x6f: {  	_ =	shalt  }
0x70: {  	_ =	shalt  }
0x71: {  	_ =	shalt  }
0x72: {  	_ =	shalt  }
0x73: {  	_ =	shalt  }
0x74: {  	_ =	shalt  }
0x75: {  	_ =	shalt  }
0x76: {  	_ =	shalt  }
0x77: {  	_ =	shalt  }
0x78: {  	_ =	shalt  }
0x79: {  	_ =	shalt  }
0x7a: {  	_ =	shalt  }
0x7b: {  	_ =	shalt  }
0x7c: {  	_ =	shalt  }
0x7d: {  	_ =	shalt  }
0x7e: {  	_ =	shalt  }
0x7f: {  	_ =	shalt  }
0x80: {  	_ =	shalt  }
0x81: {  	_ =	shalt  }
0x82: {  	_ =	shalt  }
0x83: {  	_ =	shalt  }
0x84: {  	_ =	shalt  }
0x85: {  	_ =	shalt  }
0x86: {  	_ =	shalt  }
0x87: {  	_ =	shalt  }
.Lfunc_end0:
.L_simem_size_0:
called_computation.1_lowered:
.L_overlay_start_0:
0x88: {  	s2 =	sld [smem:$0x3FD9]  }
0x89: {  	s3 =	sld [smem:$0x3FFE];
	_ =	sdelay $0x1  }
0x8a: {  	s1 =	srdreg.scid  }
0x8b: {  	s0 =	sand.u32 $0x1, s1  }
0x8c: {  	s17 =	sshll.u32 s0, $0xA;
	s2 =	sadd.s32 s3, s2  }
0x8d: {  	s2 =	sadd.s32 s2, s17  }
0x8e: {  	[smem:$0x3FB3] =	sst s2  }
0x8f: {  	_ = 	snop  }
0x90: {  	s18 =	sld [smem:$0x3FD0];
	(tm) =	ssettm $0x1  }
0x91: {  	s19 =	sld [smem:$0x3FFB];
	_ =	sdelay $0x3  }
0x92: {  	_ =	strace s19  }
0x93: {  	s2 =	sld [smem:$0x3FFC];
	_ =	sdelay $0x3  }
0x94: {  	_ =	strace s2  }
0x95: {  	s2 =	sld [smem:$0x3FFD];
	_ =	sdelay $0x3  }
0x96: {  	_ =	strace s2  }
0x97: {  	_ =	strace $0x8FFFFFFF  }
0x98: {  	s20 =	sld [smem:$0x3FDB];
	_ =	sdelay $0x1  }
0x99: {  	s4 =	simm.s32 $_scs_section_size  }
0x9a: {  	s5 =	simm.s32 $_size__tile_overlayer_lowered;
	s6 =	simm.s32 $_tile_overlayer_lowered  }
0x9b: {  	s7 =	simm.s32 $0x1BFF;
	s21 =	sshll.u32 s6, $0x1;
	s4 =	sadd.s32 s4, s20  }
0x9c: {  	s22 =	simm.s32 $0x0;
	s5 =	sshll.u32 s5, $0x1;
	s6 =	sadd.s32 s21, s4  }
0x9d: {  	[timem:s22], [sflag:s7] =	dma.local [hbm:s6], s5  }
0x9e: {  	_ =	swait.ge [sflag:s7], s5  }
0x9f: {  	s5 =	ssub.s32 $0x0, s5;
	[sflag:s7] =	ssyncset.done $0x0  }
0xa0: {  	[sflag:s7] =	ssyncadd.s32 s5;
	_ =	sdelay $0x1  }
0xa1: {  	s23 =	simm.s32 $0x1B8B  }
0xa2: {  	_ =	swait.ge [sflag:s23], $0x1  }
0xa3: {  	[sflag:s23] =	ssyncset.done $0x0  }
0xa4: {  	[sflag:s23] =	ssyncadd.s32 $0xFFFFFFFF  }
0xa5: {  	s5 =	sld [smem:$0x0]  }
0xa6: {  	s6 =	sand.u32 $0xFFFFFFFE, s1  }
0xa7: {  	p0 =	sne.s32 s1, s6  }
0xa8: {  	s6 =	sshll.u32 @p0 s6, $0xE  }
0xa9: {  	s6 =	sadd.s32 @p0 $0x11B8D, s6;
	s7 =	sshll.u32 @p0 s5, $0x11  }
0xaa: {  	s6 =	sor.u32 @p0 s7, s6  }
0xab: {  	[sflag:s6] =	ssyncadd.remote.s32 @p0 $0x1;
	_ =	sdelay $0x1  }
0xac: {  	s6 =	simm.s32 @p0 $0x1B8D  }
0xad: {  	_ =	swait.eq @p0 [sflag:s6], $0x1  }
0xae: {  	[sflag:s6] =	ssyncadd.s32 @p0 $0xFFFFFFFF  }
0xaf: {  	s7 =	sshll.u32 @!p0 s1, $0xE  }
0xb0: {  	s7 =	sor.u32 @!p0 $0x4000, s7;
	s6 =	simm.s32 @!p0 $0x1B8D  }
0xb1: {  	s5 =	sshll.u32 @!p0 s5, $0x11;
	s7 =	sadd.s32 @!p0 $0x11B8D, s7;
	_ =	swait.eq @!p0 [sflag:s6], $0x1  }
0xb2: {  	s5 =	sor.u32 @!p0 s5, s7;
	[sflag:s6] =	ssyncadd.s32 @!p0 $0xFFFFFFFF  }
0xb3: {  	s25 =	simm.s32 $0x1B8E;
	s24 =	sld [smem:$0x3FFE];
	[sflag:s5] =	ssyncadd.remote.s32 @!p0 $0x1  }
0xb4: {  	s26 =	simm.s32 $execute0_lowered;
	[smem:$0x3FD2] =	sst s25  }
0xb5: {  	s6 =	sshll.u32 s26, $0x1;
	_ =	strace $0x80000049;
	[dreg:$0x1] =	wrdreg $0xFFFFFFFF  }
0xb6: {  	s28 =	simm.s32 $_size_execute0_lowered;
	s4 =	sadd.s32 s4, s6;
	[dreg:$0x0] =	wrdreg $0x0  }
0xb7: {  	s6 =	sshll.u32 s28, $0x1;
	[dreg:$0x2] =	wrdreg s4  }
0xb8: {  	[dreg:$0x3] =	wrdreg s6  }
0xb9: {  	[dreg:$0x4] =	wrdreg $0xC0  }
0xba: {  	_ =	task [dreg:s22], $0x5FFFF  }
0xbb: {  	[dreg:$0x1] =	wrdreg $0xFFFFFFFF  }
0xbc: {  	[dreg:$0x0] =	wrdreg $0x60  }
0xbd: {  	[dreg:$0x2] =	wrdreg s24  }
0xbe: {  	[dreg:$0x3] =	wrdreg s18  }
0xbf: {  	[dreg:$0x4] =	wrdreg $0x0  }
0xc0: {  	[dreg:$0x5] =	wrdreg $0xA  }
0xc1: {  	_ =	task.clear_ibuf [dreg:s22], $0x6FFFF;
	_ =	strace $0x90000049  }
0xc2: {  	s29 =	simm.s32 $0xA;
	_ =	strace $0x8000004B  }
0xc3: {  	_ =	swait.ge [sflag:s29], $0x1  }
0xc4: {  	[sflag:s29] =	ssyncadd.s32 $0xFFFFFFFF  }
0xc5: {  	_ =	strace $0x9000004B  }
0xc6: {  	_ =	sfence  }
0xc7: {  	s30 =	sld [smem:$0x0];
	_ =	sdelay $0x2  }
0xc8: {  	s31 =	sshll.u32 s1, $0xD;
	s1 =	sshrl.u32 s1, $0x2  }
0xc9: {  	s4 =	sand.u32 $0x4000, s31;
	s1 =	sadd.s32 s1, s30  }
0xca: {  	s0 =	sor.u32 s4, s0;
	s1 =	sshll.u32 s1, $0x11  }
0xcb: {  	s0 =	sor.u32 s1, s0  }
0xcc: {  	s0 =	sadd.s32 $0x8F2B, s0  }
0xcd: {  	[sflag:s0] =	ssyncadd.remote.s32 $0x1  }
0xce: {  	_ =	sfence.sel $0xFFFF  }
0xcf: {  	[dreg:$0x0] =	wrdreg $0xFFFFFFFF;
	(pc) =	sbr.abs _section_cstart, $3  }
0xd0: {  	[dreg:$0x1] =	wrdreg $0xFFFFFFFF  }
0xd1: {  	_ =	task.clear_ibuf [dreg:s22], $0x2FFFF;
	_ =	strace $0x9FFFFFFF  }
0xd2: {  	(tm) =	ssettm $0x7FFFFFFF  }
0xd3: {  	_ =	shalt  }
tec
execute0_lowered:
.L_overlay_start_1:
0x0: {  	(tag) =	ssettag $0x1  }
0x1: {  	s0 =	rddreg [dreg:$0x0];
	s1 =	srdreg.scid  }
0x2: {  	s9 =	rddreg [dreg:$0x1];
	s14 =	stileid.u32  }
0x3: {  	s2 =	rddreg [dreg:$0x2];
	s3 =	simm.s32 $0x0;
	s12 =	simm.s32 $0x4  }
0x4: {  	s13 =	simm.s32 $0x14000;
	s16 =	simm.s32 $0x40;
	s17 =	simm.s32 $0x19000  }
0x5: {  	s18 =	simm.s32 $0x14080;
	s19 =	simm.s32 $0x1B000;
	s20 =	simm.s32 $0x14100  }
0x6: {  	s21 =	simm.s32 $0x1D000;
	s22 =	simm.s32 $0x3;
	s5 =	smul.u32 $0x2800, s14  }
0x7: {  	s23 =	simm.s32 $0x18E80;
	s24 =	simm.s32 $0x1;
	s26 =	smul.u32 $0x14000, s14  }
0x8: {  	s25 =	simm.s32 $0x18F00;
	s1 =	sand.u32 $0x1, s1;
	s8 =	smul.u32 $0x50000, s14  }
0x9: {  	s28 =	simm.s32 $0x18F80;
	s29 =	simm.s32 $0x0;
	s4 =	smul.u32 $0x28000, s1  }
0xa: {  	[smem:$0x7FF] =	sst s3;
	s31 =	sshll.u32 s14, $0x6;
	s6 =	smul.u32 $0x140000, s1  }
0xb: {  	_ =	strace $0x8000004A;
	s1 =	ssub.s32 $0x2, s1;
	s14 =	sor.u32 $0x1C04, s31  }
0xc: {  	s30 =	sshrl.u32 s1, $0x1;
	s8 =	sshrl.u32 s8, $0x2;
	s4 =	sadd.s32 s5, s4  }
0xd: {  	s5 =	sadd.s32 s26, s6;
	s1 =	ssub.s32 s1, s30;
	s15 =	sadd.s32 s8, s2  }
.Ltmp0:
0xe: {  	s26 =	simm.s32 $0x2;
	s10 =	sshrl.u32 s4, $0x3;
	(pc) =	sbr.rel .LBB2_1-.Ltmp0, $4  }
0xf: {  	s4 =	sadd.s32 $0x2DC000, s0;
	s6 =	sshrl.u32 s5, $0x3;
	s5 =	sadd.s32 $0x348200, s0  }
0x10: {  	s11 =	smax.u32 s1, $0x1;
	s15 =	sshrl.u32 s15, $0x3;
	s7 =	sadd.s32 s10, s0  }
0x11: {  	s0 =	sadd.s32 s6, s0;
	s6 =	sadd.s32 $0x334200, s7;
	s7 =	sadd.s32 $0x33E200, s7  }
0x12: {  	s9 =	sadd.s32 s9, s10;
	s8 =	sadd.s32 $0x34AA00, s0;
	s10 =	sadd.s32 $0x39AA00, s0  }
.LBB2_11:
0x13: {  	_ =	swait.ge [sflag:s22], $0x2000  }
0x14: {  	[sflag:s22] =	ssyncset.done $0x0  }
0x15: {  	[sflag:s22] =	ssyncadd.s32 $0xFFFFE000  }
0x16: {  	[spmem:s2] =	stream.indirect.scatter.add.f32 [tilespmem:s21], [sflag:$0x4], $0x80, s23, s16, $0xb8;
	[tilespmem:$0x1F000] =	vst v63  }
0x17: {  	_ =	swait.ge [sflag:s12], $0x2000  }
0x18: {  	[sflag:s12] =	ssyncset.done $0x0  }
0x19: {  	[sflag:s12] =	ssyncadd.s32 $0xFFFFE000  }
0x1a: {  	_ =	swait.ge [sflag:s24], $0x2000  }
0x1b: {  	[sflag:s24] =	ssyncset.done $0x0  }
0x1c: {  	[sflag:s24] =	ssyncadd.s32 $0xFFFFE000  }
0x1d: {  	[spmem:s2] =	stream.indirect.scatter.add.f32 [tilespmem:s17], [sflag:$0x4], $0x80, s25, s16, $0xb8;
	[tilespmem:$0x1F000] =	vst v63  }
0x1e: {  	_ =	swait.ge [sflag:s12], $0x2000  }
0x1f: {  	[sflag:s12] =	ssyncset.done $0x0  }
0x20: {  	[sflag:s12] =	ssyncadd.s32 $0xFFFFE000  }
0x21: {  	_ =	swait.ge [sflag:s26], $0x2000  }
0x22: {  	[sflag:s26] =	ssyncset.done $0x0  }
0x23: {  	[sflag:s26] =	ssyncadd.s32 $0xFFFFE000  }
0x24: {  	[spmem:s2] =	stream.indirect.scatter.add.f32 [tilespmem:s19], [sflag:$0x4], $0x80, s28, s16, $0xb8;
	[tilespmem:$0x1F000] =	vst v63  }
0x25: {  	_ =	swait.ge [sflag:s12], $0x2000  }
0x26: {  	[sflag:s12] =	ssyncset.done $0x0  }
0x27: {  	s29 =	sadd.s32 $0x1, s29;
	[sflag:s12] =	ssyncadd.s32 $0xFFFFE000  }
0x28: {  	p0 =	sne.s32 s29, s11;
	[bflag:$0x0] =	sbarrier.arrive $0xFFFF  }
0x29: {  	[hbm:s10], [sflag:s14] =	dma.local [spmem:s15], $0x2800  }
.Ltmp1:
0x2a: {  	_ =	swait.ge [sflag:s12], $0x2800;
	(pc) =	sbr.rel @!p0 .LBB2_12-.Ltmp1, $3  }
0x2b: {  	[sflag:s12] =	ssyncset.done $0x0  }
0x2c: {  	[sflag:s12] =	ssyncadd.s32 $0xFFFFD800  }
0x2d: {  	[bflag:$0x0] =	sbarrier.arrive $0xFFFF;
	_ =	sdelay $0x1  }
.LBB2_1:
0x2e: {  	s30 =	simm.s32 $0x16800  }
0x2f: {  	[tilespmem:s30], [sflag:$0x4] =	stream.linear.gather [hbm4b:s6+s3], $0x2800, $0x38;
	[tilespmem:$0x1F000] =	vst v63  }
0x30: {  	_ =	swait.ge [sflag:s12], $0x2800  }
0x31: {  	[sflag:s12] =	ssyncset.done $0x0  }
0x32: {  	[sflag:s12] =	ssyncadd.s32 $0xFFFFD800  }
0x33: {  	[tilespmem:s13], [sflag:$0x4] =	stream.linear.gather [hbm4b:s7+s3], $0x2800, $0x38;
	[tilespmem:$0x1F000] =	vst v63  }
0x34: {  	_ =	swait.ge [sflag:s12], $0x2800  }
0x35: {  	[sflag:s12] =	ssyncset.done $0x0  }
0x36: {  	[sflag:s12] =	ssyncadd.s32 $0xFFFFD800  }
0x37: {  	[spmem:s15], [sflag:s14] =	dma.local [hbm:s5], $0x2800  }
0x38: {  	_ =	swait.ge [sflag:s12], $0x2800  }
0x39: {  	[sflag:s12] =	ssyncset.done $0x0  }
0x3a: {  	[sflag:s12] =	ssyncadd.s32 $0xFFFFD800  }
0x3b: {  	[bflag:$0x0] =	sbarrier.arrive $0xFFFF  }
0x3c: {  	[tilespmem:s17], [sflag:$0x1] =	stream.indirect.gather [hbm4b:s4+s16], $0x80, s13, s16, $0xb8;
	[tilespmem:$0x1F000] =	vst v63  }
.Ltmp2:
0x3d: {  	_ = 	snop;
	(pc) =	sbr.rel .LBB2_2-.Ltmp2, $4  }
0x3e: {  	_ = 	snop  }
0x3f: {  	[tilespmem:s19], [sflag:$0x2] =	stream.indirect.gather [hbm4b:s4+s16], $0x80, s18, s16, $0xb8;
	[tilespmem:$0x1F000] =	vst v63  }
0x40: {  	s31 =	simm.s32 $0x14180;
	s1 =	simm.s32 $0x0  }
0x41: {  	[tilespmem:s21], [sflag:$0x3] =	stream.indirect.gather [hbm4b:s4+s16], $0x80, s20, s16, $0xb8;
	[tilespmem:$0x1F000] =	vst v63  }
.LBB2_4:
0x42: {  	_ =	swait.ge [sflag:s22], $0x2000  }
0x43: {  	[sflag:s22] =	ssyncset.done $0x0  }
0x44: {  	[sflag:s22] =	ssyncadd.s32 $0xFFFFE000  }
0x45: {  	[spmem:s2] =	stream.indirect.scatter.add.f32 [tilespmem:s21], [sflag:$0x4], $0x80, s30, s16, $0xb8;
	[tilespmem:$0x1F000] =	vst v63  }
0x46: {  	_ =	swait.ge [sflag:s12], $0x2000  }
0x47: {  	[sflag:s12] =	ssyncset.done $0x0  }
0x48: {  	[sflag:s12] =	ssyncadd.s32 $0xFFFFE000  }
0x49: {  	[tilespmem:s21], [sflag:$0x3] =	stream.indirect.gather [hbm4b:s4+s16], $0x80, s31, s16, $0xb8;
	[tilespmem:$0x1F000] =	vst v63  }
.LBB2_5:
0x4a: {  	s1 =	sadd.s32 $0x1, s1  }
0x4b: {  	p0 =	sne.s32 s1, $0x4D  }
.Ltmp3:
0x4c: {  	_ = 	snop;
	(pc) =	sbr.rel @!p0 .LBB2_6-.Ltmp3, $2  }
0x4d: {  	_ =	sdelay $0x2  }
0x4e: {  	s31 =	sadd.s32 $0x80, s31;
	s30 =	sadd.s32 $0x80, s30  }
.LBB2_2:
0x4f: {  	s0 =	smul.u32 $0xAB, s1;
	_ =	sdelay $0x1  }
0x50: {  	s0 =	sshrl.u32 s0, $0x9  }
0x51: {  	s0 =	sand.u32 $0x7F, s0  }
0x52: {  	s0 =	smul.u32 $0x3, s0;
	_ =	sdelay $0x1  }
0x53: {  	s0 =	ssub.s32 s1, s0  }
0x54: {  	s0 =	sand.u32 $0xFF, s0  }
0x55: {  	p0 =	seq.s32 s0, $0x2  }
.Ltmp4:
0x56: {  	_ = 	snop;
	(pc) =	sbr.rel @p0 .LBB2_4-.Ltmp4, $1  }
0x57: {  	_ =	sdelay $0x3  }
0x58: {  	p0 =	seq.s32 s0, $0x1  }
0x59: {  	_ =	swait.ge @p0 [sflag:s26], $0x2000  }
0x5a: {  	[sflag:s26] =	ssyncset.done @p0 $0x0  }
0x5b: {  	[sflag:s26] =	ssyncadd.s32 @p0 $0xFFFFE000  }
0x5c: {  	[spmem:s2] =	stream.indirect.scatter.add.f32 @p0 [tilespmem:s19], [sflag:$0x4], $0x80, s30, s16, $0xb8;
	[tilespmem:$0x1F000] =	vst v63  }
0x5d: {  	_ =	swait.ge @p0 [sflag:s12], $0x2000  }
0x5e: {  	[sflag:s12] =	ssyncset.done @p0 $0x0  }
0x5f: {  	[sflag:s12] =	ssyncadd.s32 @p0 $0xFFFFE000  }
0x60: {  	[tilespmem:s19], [sflag:$0x2] =	stream.indirect.gather @p0 [hbm4b:s4+s16], $0x80, s31, s16, $0xb8;
	[tilespmem:$0x1F000] =	vst v63  }
0x61: {  	_ =	swait.ge @!p0 [sflag:s24], $0x2000  }
0x62: {  	[sflag:s24] =	ssyncset.done @!p0 $0x0  }
0x63: {  	[sflag:s24] =	ssyncadd.s32 @!p0 $0xFFFFE000  }
0x64: {  	[spmem:s2] =	stream.indirect.scatter.add.f32 @!p0 [tilespmem:s17], [sflag:$0x4], $0x80, s30, s16, $0xb8;
	[tilespmem:$0x1F000] =	vst v63  }
.Ltmp5:
0x65: {  	_ = 	snop;
	(pc) =	sbr.rel .LBB2_5-.Ltmp5, $4  }
0x66: {  	_ =	swait.ge @!p0 [sflag:s12], $0x2000  }
0x67: {  	[sflag:s12] =	ssyncset.done @!p0 $0x0  }
0x68: {  	[sflag:s12] =	ssyncadd.s32 @!p0 $0xFFFFE000  }
0x69: {  	[tilespmem:s17], [sflag:$0x1] =	stream.indirect.gather @!p0 [hbm4b:s4+s16], $0x80, s31, s16, $0xb8;
	[tilespmem:$0x1F000] =	vst v63  }
.LBB2_6:
0x6a: {  	_ =	swait.ge [sflag:s22], $0x2000  }
0x6b: {  	[sflag:s22] =	ssyncset.done $0x0  }
0x6c: {  	[sflag:s22] =	ssyncadd.s32 $0xFFFFE000  }
0x6d: {  	[spmem:s2] =	stream.indirect.scatter.add.f32 [tilespmem:s21], [sflag:$0x4], $0x80, s23, s16, $0xb8;
	[tilespmem:$0x1F000] =	vst v63  }
0x6e: {  	_ =	swait.ge [sflag:s12], $0x2000  }
0x6f: {  	[sflag:s12] =	ssyncset.done $0x0  }
0x70: {  	[sflag:s12] =	ssyncadd.s32 $0xFFFFE000  }
0x71: {  	_ =	swait.ge [sflag:s24], $0x2000  }
0x72: {  	[sflag:s24] =	ssyncset.done $0x0  }
0x73: {  	[sflag:s24] =	ssyncadd.s32 $0xFFFFE000  }
0x74: {  	[spmem:s2] =	stream.indirect.scatter.add.f32 [tilespmem:s17], [sflag:$0x4], $0x80, s25, s16, $0xb8;
	[tilespmem:$0x1F000] =	vst v63  }
0x75: {  	_ =	swait.ge [sflag:s12], $0x2000  }
0x76: {  	[sflag:s12] =	ssyncset.done $0x0  }
0x77: {  	[sflag:s12] =	ssyncadd.s32 $0xFFFFE000  }
0x78: {  	_ =	swait.ge [sflag:s26], $0x2000  }
0x79: {  	[sflag:s26] =	ssyncset.done $0x0  }
0x7a: {  	[sflag:s26] =	ssyncadd.s32 $0xFFFFE000  }
0x7b: {  	[spmem:s2] =	stream.indirect.scatter.add.f32 [tilespmem:s19], [sflag:$0x4], $0x80, s28, s16, $0xb8;
	[tilespmem:$0x1F000] =	vst v63  }
0x7c: {  	_ =	swait.ge [sflag:s12], $0x2000  }
0x7d: {  	[sflag:s12] =	ssyncset.done $0x0  }
0x7e: {  	[sflag:s12] =	ssyncadd.s32 $0xFFFFE000  }
0x7f: {  	[bflag:$0x0] =	sbarrier.arrive $0xFFFF  }
0x80: {  	[hbm:s8], [sflag:s14] =	dma.local [spmem:s15], $0x2800  }
0x81: {  	_ =	swait.ge [sflag:s12], $0x2800  }
0x82: {  	[sflag:s12] =	ssyncset.done $0x0  }
0x83: {  	[sflag:s12] =	ssyncadd.s32 $0xFFFFD800  }
0x84: {  	s30 =	simm.s32 $0x0;
	[bflag:$0x0] =	sbarrier.arrive $0xFFFF  }
0x85: {  	[tilespmem:s13], [sflag:$0x4] =	stream.linear.gather [hbm4b:s9+s30], $0x2800, $0x38;
	[tilespmem:$0x1F000] =	vst v63  }
0x86: {  	_ =	swait.ge [sflag:s12], $0x2800  }
0x87: {  	[sflag:s12] =	ssyncset.done $0x0  }
0x88: {  	[sflag:s12] =	ssyncadd.s32 $0xFFFFD800  }
0x89: {  	[spmem:s15], [sflag:s14] =	dma.local [hbm:s5], $0x2800  }
0x8a: {  	_ =	swait.ge [sflag:s12], $0x2800  }
0x8b: {  	[sflag:s12] =	ssyncset.done $0x0  }
0x8c: {  	[sflag:s12] =	ssyncadd.s32 $0xFFFFD800  }
0x8d: {  	[bflag:$0x0] =	sbarrier.arrive $0xFFFF  }
0x8e: {  	[tilespmem:s17], [sflag:$0x1] =	stream.indirect.gather [hbm4b:s4+s16], $0x80, s13, s16, $0xb8;
	[tilespmem:$0x1F000] =	vst v63  }
.Ltmp6:
0x8f: {  	_ = 	snop;
	(pc) =	sbr.rel .LBB2_7-.Ltmp6, $4  }
0x90: {  	_ = 	snop  }
0x91: {  	[tilespmem:s19], [sflag:$0x2] =	stream.indirect.gather [hbm4b:s4+s16], $0x80, s18, s16, $0xb8;
	[tilespmem:$0x1F000] =	vst v63  }
0x92: {  	s1 =	simm.s32 $0x14180;
	s31 =	simm.s32 $0x16800  }
0x93: {  	[tilespmem:s21], [sflag:$0x3] =	stream.indirect.gather [hbm4b:s4+s16], $0x80, s20, s16, $0xb8;
	[tilespmem:$0x1F000] =	vst v63  }
.LBB2_9:
0x94: {  	_ =	swait.ge [sflag:s22], $0x2000  }
0x95: {  	[sflag:s22] =	ssyncset.done $0x0  }
0x96: {  	[sflag:s22] =	ssyncadd.s32 $0xFFFFE000  }
0x97: {  	[spmem:s2] =	stream.indirect.scatter.add.f32 [tilespmem:s21], [sflag:$0x4], $0x80, s31, s16, $0xb8;
	[tilespmem:$0x1F000] =	vst v63  }
0x98: {  	_ =	swait.ge [sflag:s12], $0x2000  }
0x99: {  	[sflag:s12] =	ssyncset.done $0x0  }
0x9a: {  	[sflag:s12] =	ssyncadd.s32 $0xFFFFE000  }
0x9b: {  	[tilespmem:s21], [sflag:$0x3] =	stream.indirect.gather [hbm4b:s4+s16], $0x80, s1, s16, $0xb8;
	[tilespmem:$0x1F000] =	vst v63  }
.LBB2_10:
0x9c: {  	s30 =	sadd.s32 $0x1, s30  }
0x9d: {  	p0 =	sne.s32 s30, $0x4D  }
.Ltmp7:
0x9e: {  	_ = 	snop;
	(pc) =	sbr.rel @!p0 .LBB2_11-.Ltmp7, $2  }
0x9f: {  	_ =	sdelay $0x2  }
0xa0: {  	s1 =	sadd.s32 $0x80, s1;
	s31 =	sadd.s32 $0x80, s31  }
.LBB2_7:
0xa1: {  	s0 =	smul.u32 $0xAB, s30;
	_ =	sdelay $0x1  }
0xa2: {  	s0 =	sshrl.u32 s0, $0x9  }
0xa3: {  	s0 =	sand.u32 $0x7F, s0  }
0xa4: {  	s0 =	smul.u32 $0x3, s0;
	_ =	sdelay $0x1  }
0xa5: {  	s0 =	ssub.s32 s30, s0  }
0xa6: {  	s0 =	sand.u32 $0xFF, s0  }
0xa7: {  	p0 =	seq.s32 s0, $0x2  }
.Ltmp8:
0xa8: {  	_ = 	snop;
	(pc) =	sbr.rel @p0 .LBB2_9-.Ltmp8, $1  }
0xa9: {  	_ =	sdelay $0x3  }
0xaa: {  	p0 =	seq.s32 s0, $0x1  }
0xab: {  	_ =	swait.ge @p0 [sflag:s26], $0x2000  }
0xac: {  	[sflag:s26] =	ssyncset.done @p0 $0x0  }
0xad: {  	[sflag:s26] =	ssyncadd.s32 @p0 $0xFFFFE000  }
0xae: {  	[spmem:s2] =	stream.indirect.scatter.add.f32 @p0 [tilespmem:s19], [sflag:$0x4], $0x80, s31, s16, $0xb8;
	[tilespmem:$0x1F000] =	vst v63  }
0xaf: {  	_ =	swait.ge @p0 [sflag:s12], $0x2000  }
0xb0: {  	[sflag:s12] =	ssyncset.done @p0 $0x0  }
0xb1: {  	[sflag:s12] =	ssyncadd.s32 @p0 $0xFFFFE000  }
0xb2: {  	[tilespmem:s19], [sflag:$0x2] =	stream.indirect.gather @p0 [hbm4b:s4+s16], $0x80, s1, s16, $0xb8;
	[tilespmem:$0x1F000] =	vst v63  }
0xb3: {  	_ =	swait.ge @!p0 [sflag:s24], $0x2000  }
0xb4: {  	[sflag:s24] =	ssyncset.done @!p0 $0x0  }
0xb5: {  	[sflag:s24] =	ssyncadd.s32 @!p0 $0xFFFFE000  }
0xb6: {  	[spmem:s2] =	stream.indirect.scatter.add.f32 @!p0 [tilespmem:s17], [sflag:$0x4], $0x80, s31, s16, $0xb8;
	[tilespmem:$0x1F000] =	vst v63  }
.Ltmp9:
0xb7: {  	_ = 	snop;
	(pc) =	sbr.rel .LBB2_10-.Ltmp9, $4  }
0xb8: {  	_ =	swait.ge @!p0 [sflag:s12], $0x2000  }
0xb9: {  	[sflag:s12] =	ssyncset.done @!p0 $0x0  }
0xba: {  	[sflag:s12] =	ssyncadd.s32 @!p0 $0xFFFFE000  }
0xbb: {  	[tilespmem:s17], [sflag:$0x1] =	stream.indirect.gather @!p0 [hbm4b:s4+s16], $0x80, s1, s16, $0xb8;
	[tilespmem:$0x1F000] =	vst v63  }
.LBB2_12:
0xbc: {  	_ =	sfence.sel $0x180000  }
0xbd: {  	[bflag:$0x0] =	sbarrier.arrive $0xFFFF  }
0xbe: {  	_ =	strace $0x9000004A  }
0xbf: {  	s0 =	stileid.u32;
	[bflag:$0x2] =	sbarrier.arrive $0xFFFF  }
0xc0: {  	p0 =	sne.s32 s0, $0x0;
	s0 =	rddreg [dreg:$0x3]  }
0xc1: {  	s0 =	sadd.s32 @!p0 $0x100000, s0  }
0xc2: {  	[sflag:s0] =	ssyncadd.tile.s32 @!p0 $0x1;
	_ =	shalt  }
.Lfunc_end2:
_tile_overlayer_lowered:
.L_overlay_start_2:
0xc3: {  	(tag) =	ssettag $0x2  }
0xc4: {  	s0 =	rddreg [dreg:$0x0];
	s2 =	stileid.u32  }
0xc5: {  	s1 =	rddreg [dreg:$0x1];
	p0 =	sne.s32 s2, $0x0  }
0xc6: {  	s3 =	rddreg [dreg:$0x2];
	[bflag:$0x3] =	sbarrier.arrive $0xFFFF;
	s2 =	simm.s32 @!p0 $0x1C04  }
0xc7: {  	[timem:s3], [sflag:s2] =	dma.local @!p0 [hbm:s0], s1  }
0xc8: {  	s0 =	simm.s32 @!p0 $0x4  }
0xc9: {  	_ =	swait.ge @!p0 [sflag:s0], s1  }
0xca: {  	s1 =	ssub.s32 @!p0 $0x0, s1;
	[sflag:s0] =	ssyncset.done @!p0 $0x0  }
0xcb: {  	[sflag:s0] =	ssyncadd.s32 @!p0 s1  }
0xcc: {  	[bflag:$0x3] =	sbarrier.arrive $0xFFFF  }
0xcd: {  	_ =	shalt  }

// kernel: kernel.16.cloned.1.call-start
scs
__scs_entry_jumppad:
0x0: {  	(pc) =	sbr.rel $0x88, $3  }
0x1: {  	(tag) =	ssettag $0x0;
	lr =	simm.s32 $0x1  }
0x2: {  	[smem:$0x3F8C] =	sst lr;
	_ =	strace $0xD0000000  }
0x3: {  	_ = 	snop  }
0x4: {  	_ = 	snop  }
0x5: {  	_ = 	snop  }
0x6: {  	_ = 	snop  }
0x7: {  	_ = 	snop  }
__scs_overlays_trampoline_lowered:
0x8: {  	[smem:$0x3F9B] =	sst s0  }
0x9: {  	[smem:$0x3F9C] =	sst s1  }
0xa: {  	[smem:$0x3F9D] =	sst s2  }
0xb: {  	[smem:$0x3F9E] =	sst s3  }
0xc: {  	[smem:$0x3F9F] =	sst s4  }
0xd: {  	[smem:$0x3FA0] =	sst s5  }
0xe: {  	[smem:$0x3FA1] =	sst s6  }
0xf: {  	[smem:$0x3FA2] =	sst s7  }
0x10: {  	[smem:$0x3FA3] =	sst s8  }
0x11: {  	[smem:$0x3FA4] =	sst s9;
	s0 =	simm.s32 @!p0 $0x0  }
0x12: {  	s1 =	sld [smem:$0x3F8A];
	s0 =	simm.s32 @p0 $0x1  }
0x13: {  	[smem:$0x3FA5] =	sst s0;
	s0 =	simm.s32 @!p1 $0x0  }
0x14: {  	s2 =	sld [smem:$0x3F89];
	s0 =	simm.s32 @p1 $0x1  }
0x15: {  	[smem:$0x3FA6] =	sst s0;
	s0 =	simm.s32 @!p2 $0x0  }
0x16: {  	s3 =	sld [smem:$0x3FDB];
	s0 =	simm.s32 @p2 $0x1  }
0x17: {  	s4 =	simm.s32 $0x1BF5;
	[smem:$0x3FA8] =	sst s0  }
0x18: {  	s0 =	sld [smem:$0x3F8B];
	_ =	swait.ge [sflag:s4], $0x0  }
0x19: {  	s7 =	sld [smem:$0x3F8C]  }
0x1a: {  	s8 =	sadd.s32 $0xFFFFE003, lr  }
0x1b: {  	s9 =	sadd.s32 $0xFFFFFEF7, lr;
	s5 =	simm.s32 $0xFFFFFFFF;
	p2 =	slt.u32 s8, $0xFFFFF086  }
0x1c: {  	p1 =	slt.u32 s9, $0xF7A;
	s5 =	simm.s32 @!p2 $0x0  }
0x1d: {  	s5 =	simm.s32 @p1 $0x1;
	p0 =	seq.s32 s7, s2  }
0x1e: {  	s7 =	smul.u32 @!p0 $0xF7A, s2;
	p2 =	seq.s32 @!p0 s5, $0x0  }
0x1f: {  	s9 =	smul.u32 $0xF7A, s1;
	s8 =	simm.s32 @!p0 $0x1BF5;
	p2 =	por !p2, p0  }
0x20: {  	[sflag:s8] =	ssyncset.s32 @!p0 $0xFFFFF086;
	s6 =	sadd.s32 @!p0 s3, s7;
	s7 =	simm.s32 @!p0 $0x108  }
0x21: {  	s3 =	sadd.s32 s3, s9;
	s6 =	sadd.s32 @!p0 $0x88, s6;
	s7 =	simm.s32 @p2 $0x1082  }
0x22: {  	[simem:s7], [sflag:s8] =	dma.local @!p0 [hbm:s6], $0xF7A  }
0x23: {  	s9 =	sor.u32 $0xD0000000, s2;
	s6 =	simm.s32 $0x108;
	_ =	swait.ge @!p0 [sflag:s8], $0x0  }
0x24: {  	s3 =	sadd.s32 $0x88, s3;
	s6 =	simm.s32 @!p1 $0x1082;
	[sflag:s4] =	ssyncset.s32 $0xFFFFF086  }
0x25: {  	[simem:s6], [sflag:s4] =	dma.local [hbm:s3], $0xF7A  }
0x26: {  	[smem:$0x3F8C] =	sst s1;
	(tag) =	ssettag s2;
	_ =	strace s9  }
0x27: {  	s1 =	sld [smem:$0x3F9C]  }
0x28: {  	s2 =	sld [smem:$0x3F9D]  }
0x29: {  	s4 =	sld [smem:$0x3F9F]  }
0x2a: {  	p0 =	seq.s32 s5, $0x0;
	s5 =	sld [smem:$0x3FA0]  }
0x2b: {  	s6 =	sld [smem:$0x3FA1]  }
0x2c: {  	s7 =	sld [smem:$0x3FA2]  }
0x2d: {  	s3 =	simm.s32 $0x108;
	s8 =	sld [smem:$0x3FA3]  }
0x2e: {  	s3 =	simm.s32 @!p0 $0x1082;
	s9 =	sld [smem:$0x3FA4]  }
0x2f: {  	lr =	sadd.s32 s0, s3;
	s0 =	sld [smem:$0x3F9B]  }
0x30: {  	s3 =	sld [smem:$0x3F9E]  }
0x31: {  	[smem:$0x3FA7] =	sst s10  }
0x32: {  	s10 =	sld [smem:$0x3FA5];
	_ =	sdelay $0x3  }
0x33: {  	p0 =	seq.s32 s10, $0x1;
	s10 =	sld [smem:$0x3FA7];
	_ =	sdelay $0x3  }
0x34: {  	[smem:$0x3FA7] =	sst s10  }
0x35: {  	s10 =	sld [smem:$0x3FA6];
	_ =	sdelay $0x3  }
0x36: {  	p1 =	seq.s32 s10, $0x1;
	s10 =	sld [smem:$0x3FA7];
	_ =	sdelay $0x3  }
0x37: {  	[smem:$0x3FA7] =	sst s10  }
0x38: {  	s10 =	sld [smem:$0x3FA8]  }
0x39: {  	_ = 	snop;
	(pc) =	sbr.ind lr, $3  }
0x3a: {  	_ = 	snop  }
0x3b: {  	_ = 	snop  }
0x3c: {  	p2 =	seq.s32 s10, $0x1;
	s10 =	sld [smem:$0x3FA7]  }
0x3d: {  	_ =	shalt  }
0x3e: {  	_ =	shalt  }
0x3f: {  	_ =	shalt  }
0x40: {  	_ =	shalt  }
0x41: {  	_ =	shalt  }
0x42: {  	_ =	shalt  }
0x43: {  	_ =	shalt  }
0x44: {  	_ =	shalt  }
0x45: {  	_ =	shalt  }
0x46: {  	_ =	shalt  }
0x47: {  	_ =	shalt  }
0x48: {  	_ =	shalt  }
0x49: {  	_ =	shalt  }
0x4a: {  	_ =	shalt  }
0x4b: {  	_ =	shalt  }
0x4c: {  	_ =	shalt  }
0x4d: {  	_ =	shalt  }
0x4e: {  	_ =	shalt  }
0x4f: {  	_ =	shalt  }
0x50: {  	_ =	shalt  }
0x51: {  	_ =	shalt  }
0x52: {  	_ =	shalt  }
0x53: {  	_ =	shalt  }
0x54: {  	_ =	shalt  }
0x55: {  	_ =	shalt  }
0x56: {  	_ =	shalt  }
0x57: {  	_ =	shalt  }
0x58: {  	_ =	shalt  }
0x59: {  	_ =	shalt  }
0x5a: {  	_ =	shalt  }
0x5b: {  	_ =	shalt  }
0x5c: {  	_ =	shalt  }
0x5d: {  	_ =	shalt  }
0x5e: {  	_ =	shalt  }
0x5f: {  	_ =	shalt  }
0x60: {  	_ =	shalt  }
0x61: {  	_ =	shalt  }
0x62: {  	_ =	shalt  }
0x63: {  	_ =	shalt  }
0x64: {  	_ =	shalt  }
0x65: {  	_ =	shalt  }
0x66: {  	_ =	shalt  }
0x67: {  	_ =	shalt  }
0x68: {  	_ =	shalt  }
0x69: {  	_ =	shalt  }
0x6a: {  	_ =	shalt  }
0x6b: {  	_ =	shalt  }
0x6c: {  	_ =	shalt  }
0x6d: {  	_ =	shalt  }
0x6e: {  	_ =	shalt  }
0x6f: {  	_ =	shalt  }
0x70: {  	_ =	shalt  }
0x71: {  	_ =	shalt  }
0x72: {  	_ =	shalt  }
0x73: {  	_ =	shalt  }
0x74: {  	_ =	shalt  }
0x75: {  	_ =	shalt  }
0x76: {  	_ =	shalt  }
0x77: {  	_ =	shalt  }
0x78: {  	_ =	shalt  }
0x79: {  	_ =	shalt  }
0x7a: {  	_ =	shalt  }
0x7b: {  	_ =	shalt  }
0x7c: {  	_ =	shalt  }
0x7d: {  	_ =	shalt  }
0x7e: {  	_ =	shalt  }
0x7f: {  	_ =	shalt  }
0x80: {  	_ =	shalt  }
0x81: {  	_ =	shalt  }
0x82: {  	_ =	shalt  }
0x83: {  	_ =	shalt  }
0x84: {  	_ =	shalt  }
0x85: {  	_ =	shalt  }
0x86: {  	_ =	shalt  }
0x87: {  	_ =	shalt  }
.Lfunc_end0:
.L_simem_size_0:
called_computation.2_lowered:
.L_overlay_start_0:
0x88: {  	s2 =	sld [smem:$0x3FD9]  }
0x89: {  	s3 =	sld [smem:$0x3FFE];
	_ =	sdelay $0x1  }
0x8a: {  	s1 =	srdreg.scid  }
0x8b: {  	s0 =	sand.u32 $0x1, s1  }
0x8c: {  	s17 =	sshll.u32 s0, $0xA;
	s2 =	sadd.s32 s3, s2  }
0x8d: {  	s2 =	sadd.s32 s2, s17  }
0x8e: {  	[smem:$0x3FB3] =	sst s2  }
0x8f: {  	_ = 	snop  }
0x90: {  	s2 =	sld [smem:$0x3FD0];
	(tm) =	ssettm $0x1  }
0x91: {  	s18 =	sld [smem:$0x3FFB];
	_ =	sdelay $0x3  }
0x92: {  	_ =	strace s18  }
0x93: {  	s3 =	sld [smem:$0x3FFC];
	_ =	sdelay $0x3  }
0x94: {  	_ =	strace s3  }
0x95: {  	s3 =	sld [smem:$0x3FFD];
	_ =	sdelay $0x3  }
0x96: {  	_ =	strace s3  }
0x97: {  	_ =	strace $0x8FFFFFFF  }
0x98: {  	s19 =	sld [smem:$0x3FDB];
	_ =	sdelay $0x1  }
0x99: {  	s4 =	simm.s32 $_scs_section_size  }
0x9a: {  	s5 =	simm.s32 $_size__tile_overlayer_lowered;
	s6 =	simm.s32 $_tile_overlayer_lowered  }
0x9b: {  	s22 =	simm.s32 $0x1BFF;
	s21 =	sshll.u32 s6, $0x1;
	s3 =	sadd.s32 s4, s19  }
0x9c: {  	s7 =	simm.s32 $0x0;
	s20 =	sshll.u32 s5, $0x1;
	s5 =	sadd.s32 s21, s3  }
0x9d: {  	[timem:s7], [sflag:s22] =	dma.local [hbm:s5], s20  }
0x9e: {  	_ =	swait.ge [sflag:s22], s20  }
0x9f: {  	s4 =	ssub.s32 $0x0, s20;
	[sflag:s22] =	ssyncset.done $0x0  }
0xa0: {  	[sflag:s22] =	ssyncadd.s32 s4;
	_ =	sdelay $0x1  }
0xa1: {  	s23 =	simm.s32 $0x1B8B  }
0xa2: {  	_ =	swait.ge [sflag:s23], $0x1  }
0xa3: {  	[sflag:s23] =	ssyncset.done $0x0  }
0xa4: {  	s25 =	simm.s32 $0x1B8E;
	s24 =	sld [smem:$0x3FFE];
	[sflag:s23] =	ssyncadd.s32 $0xFFFFFFFF  }
0xa5: {  	s26 =	simm.s32 $execute0_lowered;
	[smem:$0x3FD2] =	sst s25  }
0xa6: {  	s5 =	sshll.u32 s26, $0x1;
	_ =	strace $0x8000004C;
	[dreg:$0x1] =	wrdreg $0xFFFFFFFF  }
0xa7: {  	s28 =	simm.s32 $_size_execute0_lowered;
	s3 =	sadd.s32 s3, s5;
	[dreg:$0x0] =	wrdreg $0x0  }
0xa8: {  	s5 =	sshll.u32 s28, $0x1;
	[dreg:$0x2] =	wrdreg s3  }
0xa9: {  	[dreg:$0x3] =	wrdreg s5  }
0xaa: {  	[dreg:$0x4] =	wrdreg $0xC0  }
0xab: {  	_ =	task [dreg:s7], $0x5FFFF  }
0xac: {  	[dreg:$0x1] =	wrdreg $0xFFFFFFFF  }
0xad: {  	[dreg:$0x0] =	wrdreg $0x60  }
0xae: {  	[dreg:$0x2] =	wrdreg s2  }
0xaf: {  	[dreg:$0x3] =	wrdreg s24  }
0xb0: {  	[dreg:$0x4] =	wrdreg $0x0  }
0xb1: {  	[dreg:$0x5] =	wrdreg $0x9  }
0xb2: {  	_ =	task.clear_ibuf [dreg:s7], $0x6FFFF;
	_ =	strace $0x9000004C  }
0xb3: {  	s29 =	simm.s32 $0x9;
	_ =	strace $0x8000004E  }
0xb4: {  	_ =	swait.ge [sflag:s29], $0x1  }
0xb5: {  	[sflag:s29] =	ssyncadd.s32 $0xFFFFFFFF  }
0xb6: {  	_ =	strace $0x9000004E  }
0xb7: {  	_ =	sfence  }
0xb8: {  	s30 =	sld [smem:$0x0];
	_ =	sdelay $0x2  }
0xb9: {  	s31 =	sshll.u32 s1, $0xD;
	s1 =	sshrl.u32 s1, $0x2  }
0xba: {  	s3 =	sand.u32 $0x4000, s31;
	s1 =	sadd.s32 s1, s30  }
0xbb: {  	s0 =	sor.u32 s3, s0;
	s1 =	sshll.u32 s1, $0x11  }
0xbc: {  	s0 =	sor.u32 s1, s0  }
0xbd: {  	s0 =	sadd.s32 $0x8F2B, s0  }
0xbe: {  	[sflag:s0] =	ssyncadd.remote.s32 $0x1  }
0xbf: {  	_ =	sfence.sel $0xFFFF  }
0xc0: {  	[dreg:$0x0] =	wrdreg $0xFFFFFFFF;
	(pc) =	sbr.abs _section_cstart, $3  }
0xc1: {  	[dreg:$0x1] =	wrdreg $0xFFFFFFFF  }
0xc2: {  	_ =	task.clear_ibuf [dreg:s7], $0x2FFFF;
	_ =	strace $0x9FFFFFFF  }
0xc3: {  	(tm) =	ssettm $0x7FFFFFFF  }
tec
execute0_lowered:
.L_overlay_start_1:
0x0: {  	(tag) =	ssettag $0x1  }
0x1: {  	s1 =	rddreg [dreg:$0x0]  }
0x2: {  	s6 =	rddreg [dreg:$0x1]  }
0x3: {  	s3 =	rddreg [dreg:$0x2]  }
0x4: {  	s0 =	srdreg.scid;
	s2 =	rddreg [dreg:$0x3]  }
0x5: {  	s4 =	simm.s32 $0x0;
	s14 =	simm.s32 $0x40;
	s15 =	simm.s32 $0x19000  }
0x6: {  	s16 =	simm.s32 $0x14080;
	s17 =	simm.s32 $0x1B000;
	s18 =	simm.s32 $0x14100  }
0x7: {  	s19 =	simm.s32 $0x1D000;
	s20 =	simm.s32 $0x3;
	s5 =	sand.u32 $0x1, s0  }
0x8: {  	s21 =	simm.s32 $0x18E80;
	s0 =	stileid.u32;
	s7 =	smul.u32 $0x28000, s5  }
0x9: {  	s22 =	simm.s32 $0x1;
	s23 =	simm.s32 $0x18F00;
	s8 =	smul.u32 $0x2800, s0  }
0xa: {  	s24 =	simm.s32 $0x2;
	s25 =	simm.s32 $0x18F80;
	s9 =	smul.u32 $0x140000, s5  }
0xb: {  	s26 =	simm.s32 $0x0;
	[smem:$0x7FF] =	sst s4;
	s29 =	smul.u32 $0x14000, s0  }
0xc: {  	_ =	strace $0x8000004D;
	s30 =	ssub.s32 $0x2, s5;
	s11 =	smul.u32 $0x50000, s0  }
0xd: {  	s5 =	sadd.s32 $0x348200, s6;
	s12 =	sshll.u32 s0, $0x6;
	s10 =	sshrl.u32 s30, $0x1  }
0xe: {  	s12 =	sor.u32 $0x1C04, s12;
	s7 =	sadd.s32 s8, s7;
	s8 =	sadd.s32 s29, s9  }
.Ltmp0:
0xf: {  	s9 =	ssub.s32 s30, s10;
	s31 =	sshrl.u32 s11, $0x2;
	(pc) =	sbr.rel .LBB2_1-.Ltmp0, $4  }
0x10: {  	s10 =	simm.s32 $0x4;
	s11 =	simm.s32 $0x14000;
	s7 =	sshrl.u32 s7, $0x3  }
0x11: {  	s8 =	sshrl.u32 s8, $0x3;
	s13 =	sadd.s32 s31, s3;
	s7 =	sadd.s32 s7, s6  }
0x12: {  	s9 =	smax.u32 s9, $0x1;
	s8 =	sadd.s32 s8, s6;
	s6 =	sadd.s32 $0x334200, s7  }
0x13: {  	s13 =	sshrl.u32 s13, $0x3;
	s7 =	sadd.s32 $0x32A200, s7;
	s8 =	sadd.s32 $0x4800, s8  }
.LBB2_6:
0x14: {  	_ =	swait.ge [sflag:s20], $0x2000  }
0x15: {  	[sflag:s20] =	ssyncset.done $0x0  }
0x16: {  	[sflag:s20] =	ssyncadd.s32 $0xFFFFE000  }
0x17: {  	[spmem:s3] =	stream.indirect.scatter.add.f32 [tilespmem:s19], [sflag:$0x4], $0x80, s21, s14, $0xb8;
	[tilespmem:$0x1F000] =	vst v63  }
0x18: {  	_ =	swait.ge [sflag:s10], $0x2000  }
0x19: {  	[sflag:s10] =	ssyncset.done $0x0  }
0x1a: {  	[sflag:s10] =	ssyncadd.s32 $0xFFFFE000  }
0x1b: {  	_ =	swait.ge [sflag:s22], $0x2000  }
0x1c: {  	[sflag:s22] =	ssyncset.done $0x0  }
0x1d: {  	[sflag:s22] =	ssyncadd.s32 $0xFFFFE000  }
0x1e: {  	[spmem:s3] =	stream.indirect.scatter.add.f32 [tilespmem:s15], [sflag:$0x4], $0x80, s23, s14, $0xb8;
	[tilespmem:$0x1F000] =	vst v63  }
0x1f: {  	_ =	swait.ge [sflag:s10], $0x2000  }
0x20: {  	[sflag:s10] =	ssyncset.done $0x0  }
0x21: {  	[sflag:s10] =	ssyncadd.s32 $0xFFFFE000  }
0x22: {  	_ =	swait.ge [sflag:s24], $0x2000  }
0x23: {  	[sflag:s24] =	ssyncset.done $0x0  }
0x24: {  	[sflag:s24] =	ssyncadd.s32 $0xFFFFE000  }
0x25: {  	[spmem:s3] =	stream.indirect.scatter.add.f32 [tilespmem:s17], [sflag:$0x4], $0x80, s25, s14, $0xb8;
	[tilespmem:$0x1F000] =	vst v63  }
0x26: {  	_ =	swait.ge [sflag:s10], $0x2000  }
0x27: {  	[sflag:s10] =	ssyncset.done $0x0  }
0x28: {  	s26 =	sadd.s32 $0x1, s26;
	[sflag:s10] =	ssyncadd.s32 $0xFFFFE000  }
0x29: {  	p0 =	sne.s32 s26, s9;
	[bflag:$0x0] =	sbarrier.arrive $0xFFFF  }
0x2a: {  	[hbm:s8], [sflag:s12] =	dma.local [spmem:s13], $0x2800  }
.Ltmp1:
0x2b: {  	_ =	swait.ge [sflag:s10], $0x2800;
	(pc) =	sbr.rel @!p0 .LBB2_7-.Ltmp1, $3  }
0x2c: {  	[sflag:s10] =	ssyncset.done $0x0  }
0x2d: {  	[sflag:s10] =	ssyncadd.s32 $0xFFFFD800  }
0x2e: {  	[bflag:$0x0] =	sbarrier.arrive $0xFFFF;
	_ =	sdelay $0x1  }
.LBB2_1:
0x2f: {  	s28 =	simm.s32 $0x16800  }
0x30: {  	[tilespmem:s28], [sflag:$0x4] =	stream.linear.gather [hbm4b:s6+s4], $0x2800, $0x38;
	[tilespmem:$0x1F000] =	vst v63  }
0x31: {  	_ =	swait.ge [sflag:s10], $0x2800  }
0x32: {  	[sflag:s10] =	ssyncset.done $0x0  }
0x33: {  	[sflag:s10] =	ssyncadd.s32 $0xFFFFD800  }
0x34: {  	[tilespmem:s11], [sflag:$0x4] =	stream.linear.gather [hbm4b:s7+s4], $0x2800, $0x38;
	[tilespmem:$0x1F000] =	vst v63  }
0x35: {  	_ =	swait.ge [sflag:s10], $0x2800  }
0x36: {  	[sflag:s10] =	ssyncset.done $0x0  }
0x37: {  	[sflag:s10] =	ssyncadd.s32 $0xFFFFD800  }
0x38: {  	[spmem:s13], [sflag:s12] =	dma.local [hbm:s5], $0x2800  }
0x39: {  	_ =	swait.ge [sflag:s10], $0x2800  }
0x3a: {  	[sflag:s10] =	ssyncset.done $0x0  }
0x3b: {  	[sflag:s10] =	ssyncadd.s32 $0xFFFFD800  }
0x3c: {  	[bflag:$0x0] =	sbarrier.arrive $0xFFFF  }
0x3d: {  	[tilespmem:s15], [sflag:$0x1] =	stream.indirect.gather [hbm4b:s1+s14], $0x80, s11, s14, $0xb8;
	[tilespmem:$0x1F000] =	vst v63  }
.Ltmp2:
0x3e: {  	_ = 	snop;
	(pc) =	sbr.rel .LBB2_2-.Ltmp2, $4  }
0x3f: {  	_ = 	snop  }
0x40: {  	[tilespmem:s17], [sflag:$0x2] =	stream.indirect.gather [hbm4b:s1+s14], $0x80, s16, s14, $0xb8;
	[tilespmem:$0x1F000] =	vst v63  }
0x41: {  	s29 =	simm.s32 $0x14180;
	s30 =	simm.s32 $0x0  }
0x42: {  	[tilespmem:s19], [sflag:$0x3] =	stream.indirect.gather [hbm4b:s1+s14], $0x80, s18, s14, $0xb8;
	[tilespmem:$0x1F000] =	vst v63  }
.LBB2_4:
0x43: {  	_ =	swait.ge [sflag:s20], $0x2000  }
0x44: {  	[sflag:s20] =	ssyncset.done $0x0  }
0x45: {  	[sflag:s20] =	ssyncadd.s32 $0xFFFFE000  }
0x46: {  	[spmem:s3] =	stream.indirect.scatter.add.f32 [tilespmem:s19], [sflag:$0x4], $0x80, s28, s14, $0xb8;
	[tilespmem:$0x1F000] =	vst v63  }
0x47: {  	_ =	swait.ge [sflag:s10], $0x2000  }
0x48: {  	[sflag:s10] =	ssyncset.done $0x0  }
0x49: {  	[sflag:s10] =	ssyncadd.s32 $0xFFFFE000  }
0x4a: {  	[tilespmem:s19], [sflag:$0x3] =	stream.indirect.gather [hbm4b:s1+s14], $0x80, s29, s14, $0xb8;
	[tilespmem:$0x1F000] =	vst v63  }
.LBB2_5:
0x4b: {  	s30 =	sadd.s32 $0x1, s30  }
0x4c: {  	p0 =	sne.s32 s30, $0x4D  }
.Ltmp3:
0x4d: {  	_ = 	snop;
	(pc) =	sbr.rel @!p0 .LBB2_6-.Ltmp3, $2  }
0x4e: {  	_ =	sdelay $0x2  }
0x4f: {  	s29 =	sadd.s32 $0x80, s29;
	s28 =	sadd.s32 $0x80, s28  }
.LBB2_2:
0x50: {  	s31 =	smul.u32 $0xAB, s30;
	_ =	sdelay $0x1  }
0x51: {  	s31 =	sshrl.u32 s31, $0x9  }
0x52: {  	s31 =	sand.u32 $0x7F, s31  }
0x53: {  	s31 =	smul.u32 $0x3, s31;
	_ =	sdelay $0x1  }
0x54: {  	s31 =	ssub.s32 s30, s31  }
0x55: {  	s31 =	sand.u32 $0xFF, s31  }
0x56: {  	p0 =	seq.s32 s31, $0x2  }
.Ltmp4:
0x57: {  	_ = 	snop;
	(pc) =	sbr.rel @p0 .LBB2_4-.Ltmp4, $1  }
0x58: {  	_ =	sdelay $0x3  }
0x59: {  	p0 =	seq.s32 s31, $0x1  }
0x5a: {  	_ =	swait.ge @p0 [sflag:s24], $0x2000  }
0x5b: {  	[sflag:s24] =	ssyncset.done @p0 $0x0  }
0x5c: {  	[sflag:s24] =	ssyncadd.s32 @p0 $0xFFFFE000  }
0x5d: {  	[spmem:s3] =	stream.indirect.scatter.add.f32 @p0 [tilespmem:s17], [sflag:$0x4], $0x80, s28, s14, $0xb8;
	[tilespmem:$0x1F000] =	vst v63  }
0x5e: {  	_ =	swait.ge @p0 [sflag:s10], $0x2000  }
0x5f: {  	[sflag:s10] =	ssyncset.done @p0 $0x0  }
0x60: {  	[sflag:s10] =	ssyncadd.s32 @p0 $0xFFFFE000  }
0x61: {  	[tilespmem:s17], [sflag:$0x2] =	stream.indirect.gather @p0 [hbm4b:s1+s14], $0x80, s29, s14, $0xb8;
	[tilespmem:$0x1F000] =	vst v63  }
0x62: {  	_ =	swait.ge @!p0 [sflag:s22], $0x2000  }
0x63: {  	[sflag:s22] =	ssyncset.done @!p0 $0x0  }
0x64: {  	[sflag:s22] =	ssyncadd.s32 @!p0 $0xFFFFE000  }
0x65: {  	[spmem:s3] =	stream.indirect.scatter.add.f32 @!p0 [tilespmem:s15], [sflag:$0x4], $0x80, s28, s14, $0xb8;
	[tilespmem:$0x1F000] =	vst v63  }
.Ltmp5:
0x66: {  	_ = 	snop;
	(pc) =	sbr.rel .LBB2_5-.Ltmp5, $4  }
0x67: {  	_ =	swait.ge @!p0 [sflag:s10], $0x2000  }
0x68: {  	[sflag:s10] =	ssyncset.done @!p0 $0x0  }
0x69: {  	[sflag:s10] =	ssyncadd.s32 @!p0 $0xFFFFE000  }
0x6a: {  	[tilespmem:s15], [sflag:$0x1] =	stream.indirect.gather @!p0 [hbm4b:s1+s14], $0x80, s29, s14, $0xb8;
	[tilespmem:$0x1F000] =	vst v63  }
.LBB2_7:
0x6b: {  	_ =	sfence.sel $0x180000  }
0x6c: {  	[bflag:$0x0] =	sbarrier.arrive $0xFFFF  }
0x6d: {  	p0 =	sne.s32 s0, $0x0;
	_ =	strace $0x9000004D  }
0x6e: {  	s0 =	sadd.s32 @!p0 $0x100000, s2;
	[bflag:$0x2] =	sbarrier.arrive $0xFFFF  }
0x6f: {  	[sflag:s0] =	ssyncadd.tile.s32 @!p0 $0x1;
	_ =	shalt  }
.Lfunc_end2:
_tile_overlayer_lowered:
.L_overlay_start_2:
0x70: {  	(tag) =	ssettag $0x2  }
0x71: {  	s0 =	rddreg [dreg:$0x0];
	s2 =	stileid.u32  }
0x72: {  	s1 =	rddreg [dreg:$0x1];
	p0 =	sne.s32 s2, $0x0  }
0x73: {  	s3 =	rddreg [dreg:$0x2];
	[bflag:$0x3] =	sbarrier.arrive $0xFFFF;
	s2 =	simm.s32 @!p0 $0x1C04  }
0x74: {  	[timem:s3], [sflag:s2] =	dma.local @!p0 [hbm:s0], s1  }
0x75: {  	s0 =	simm.s32 @!p0 $0x4  }
0x76: {  	_ =	swait.ge @!p0 [sflag:s0], s1  }
0x77: {  	s1 =	ssub.s32 @!p0 $0x0, s1;
	[sflag:s0] =	ssyncset.done @!p0 $0x0  }
0x78: {  	[sflag:s0] =	ssyncadd.s32 @!p0 s1  }
0x79: {  	[bflag:$0x3] =	sbarrier.arrive $0xFFFF  }
0x7a: {  	_ =	shalt  }

</sc_bundles>
